<compile_context>
chip_gen: v7x
topology: tpu7x:2x2x1
jax: 0.10.2.dev20260603
libtpu: 0.0.44.dev20260713+nightly
codegen_flags: <defaults>
</compile_context>

<pallas_src>
import jax
import jax.numpy as jnp
from jax import lax
from jax.experimental import pallas as pl
from jax.experimental.pallas import tpu as pltpu, tpu_sc as plsc

N = 10000
E = 320000
D = 128
H = 128
C = 10

NC = 2
NS = 16
NW = NC * NS
EPW = E // NW
CH = 80
NCH = EPW // CH
NP = 10240
RPT = NP // NS
R = 5120
G = NP // R


def _sc_mesh():
    return plsc.VectorSubcoreMesh(core_axis_name="c", subcore_axis_name="s")


def _deg_body(edge_hbm, out_hbm, src_v, dst_v, dego_v, degi_v, sem):
    c = lax.axis_index("c")
    s = lax.axis_index("s")
    wid = c * NS + s
    base = pl.multiple_of(wid * EPW, 8)
    zeros16 = jnp.zeros((16,), jnp.float32)
    ones16 = jnp.ones((16,), jnp.float32)

    pltpu.async_copy(edge_hbm.at[pl.ds(base, EPW)], src_v, sem.at[0])
    pltpu.async_copy(edge_hbm.at[pl.ds(E + base, EPW)], dst_v, sem.at[1])

    def zbody(i, carry):
        for j in range(5):
            dego_v[pl.ds((i * 5 + j) * 16, 16)] = zeros16
            degi_v[pl.ds((i * 5 + j) * 16, 16)] = zeros16
        return carry

    lax.fori_loop(0, N // 80, zbody, 0)

    pltpu.make_async_copy(edge_hbm.at[pl.ds(base, EPW)], src_v,
                          sem.at[0]).wait()
    pltpu.make_async_copy(edge_hbm.at[pl.ds(E + base, EPW)], dst_v,
                          sem.at[1]).wait()

    def abody(i, carry):
        for j in range(5):
            off = (i * 5 + j) * 16
            sidx = src_v[pl.ds(off, 16)]
            didx = dst_v[pl.ds(off, 16)]
            plsc.addupdate_scatter(dego_v, [sidx], ones16)
            plsc.addupdate_scatter(degi_v, [didx], ones16)
        return carry

    lax.fori_loop(0, EPW // 80, abody, 0)

    pltpu.sync_copy(dego_v, out_hbm.at[pl.ds(pl.multiple_of(wid * N, 8), N)])
    pltpu.sync_copy(
        degi_v, out_hbm.at[pl.ds(pl.multiple_of((NW + wid) * N, 8), N)])


def _deg_call(edge_flat):
    f = pl.kernel(
        _deg_body,
        out_type=jax.ShapeDtypeStruct((2 * NW * N,), jnp.float32),
        mesh=_sc_mesh(),
        compiler_params=pltpu.CompilerParams(needs_layout_passes=False),
        scratch_types=[
            pltpu.VMEM((EPW,), jnp.int32),
            pltpu.VMEM((EPW,), jnp.int32),
            pltpu.VMEM((N,), jnp.float32),
            pltpu.VMEM((N,), jnp.float32),
            pltpu.SemaphoreType.DMA((2,)),
        ],
    )
    return f(edge_flat)


def _agg_body(y_hbm, edge_hbm, out_hbm, src_all, dst_all, dstc_v, rows_v,
              acc_sh, sem, sem_s, sem_i):
    c = lax.axis_index("c")
    s = lax.axis_index("s")
    wid = c * NS + s
    base = pl.multiple_of(wid * EPW, 8)
    zeros16 = jnp.zeros((16,), jnp.float32)

    pltpu.async_copy(edge_hbm.at[pl.ds(base, EPW)], src_all, sem_i.at[0])
    pltpu.async_copy(edge_hbm.at[pl.ds(E + base, EPW)], dst_all, sem_i.at[1])

    def zbody(i, carry):
        for j in range(8):
            rows_v[1, i, pl.ds(j * 16, 16)] = zeros16
        return carry

    lax.fori_loop(0, CH, zbody, 0)
    pltpu.make_async_copy(edge_hbm.at[pl.ds(base, EPW)], src_all,
                          sem_i.at[0]).wait()

    def src_sl(k):
        return src_all.at[pl.ds(pl.multiple_of(k * CH, 8), CH)]

    def start_gather(k, b):
        pltpu.async_copy(y_hbm.at[src_sl(k)], rows_v.at[b], sem.at[b])

    def wait_gather(k, b):
        pltpu.make_async_copy(y_hbm.at[src_sl(k)], rows_v.at[b],
                              sem.at[b]).wait()

    def start_scatter(k, b):
        off = pl.multiple_of(k * CH, 8)
        for i in range(CH // 16):
            dstc_v[b, pl.ds(i * 16, 16)] = dst_all[pl.ds(off + i * 16, 16)]
        pltpu.async_copy(rows_v.at[b], acc_sh.at[dstc_v.at[b]], sem_s.at[b],
                         add=True)

    def wait_scatter(b):
        pltpu.make_async_copy(rows_v.at[b], acc_sh.at[dstc_v.at[b]],
                              sem_s.at[b]).wait()

    start_gather(0, 0)
    row0 = pl.multiple_of(s * RPT, 8)
    for r in range(RPT // CH):
        pltpu.sync_copy(rows_v.at[1], acc_sh.at[pl.ds(row0 + r * CH, CH)])
    pltpu.make_async_copy(edge_hbm.at[pl.ds(E + base, EPW)], dst_all,
                          sem_i.at[1]).wait()
    plsc.subcore_barrier()

    def ebody(g, carry):
        k = g * 2
        wait_gather(k, 0)

        @pl.when(k >= 2)
        def _():
            wait_scatter(1)

        start_gather(k + 1, 1)
        start_scatter(k, 0)
        wait_gather(k + 1, 1)
        wait_scatter(0)

        @pl.when(k + 2 < NCH)
        def _():
            start_gather(k + 2, 0)

        start_scatter(k + 1, 1)
        return carry

    lax.fori_loop(0, NCH // 2, ebody, 0)
    wait_scatter(1)
    wait_gather(NCH - 1, 0)
    start_scatter(NCH - 1, 0)
    wait_scatter(0)
    plsc.subcore_barrier()
    pltpu.sync_copy(
        acc_sh.at[pl.ds(row0, RPT)],
        out_hbm.at[pl.ds(pl.multiple_of(c * NP + s * RPT, 8), RPT)])


def _agg_call(y, edge_flat):
    f = pl.kernel(
        _agg_body,
        out_type=jax.ShapeDtypeStruct((NC * NP, D), jnp.float32),
        mesh=_sc_mesh(),
        compiler_params=pltpu.CompilerParams(needs_layout_passes=False),
        scratch_types=[
            pltpu.VMEM((EPW,), jnp.int32),
            pltpu.VMEM((EPW,), jnp.int32),
            pltpu.VMEM((2, CH), jnp.int32),
            pltpu.VMEM((2, CH, D), jnp.float32),
            pltpu.VMEM_SHARED((NP, D), jnp.float32),
            pltpu.SemaphoreType.DMA((2,)),
            pltpu.SemaphoreType.DMA((2,)),
            pltpu.SemaphoreType.DMA((2,)),
        ],
    )
    return f(y, edge_flat).reshape(NC, NP, D)


def _norms_body(deg_ref, h_ref, norms_ref, y1_ref):
    dp = deg_ref[...]
    dego = jnp.sum(dp[:NW], axis=0)
    degi = jnp.sum(dp[NW:], axis=0)
    no = lax.rsqrt(jnp.maximum(dego, 1.0))
    ni = lax.rsqrt(jnp.maximum(degi, 1.0))
    norms_ref[...] = jnp.stack([no, ni])
    y1_ref[...] = h_ref[...] * no[:, None]


def _norms_call(deg_part, h):
    return pl.pallas_call(
        _norms_body,
        grid=(G,),
        in_specs=[
            pl.BlockSpec((2 * NW, R), lambda i: (0, i)),
            pl.BlockSpec((R, D), lambda i: (i, 0)),
        ],
        out_specs=[
            pl.BlockSpec((2, R), lambda i: (0, i)),
            pl.BlockSpec((R, D), lambda i: (i, 0)),
        ],
        out_shape=[
            jax.ShapeDtypeStruct((2, N), jnp.float32),
            jax.ShapeDtypeStruct((N, D), jnp.float32),
        ],
    )(deg_part.reshape(2 * NW, N), h)


def _layer_body(part_ref, norms_ref, w_ref, b_ref, y2_ref):
    a = part_ref[0] + part_ref[1]
    nr = norms_ref[...]
    a = a * nr[1][:, None]
    z = jnp.dot(a, w_ref[...], preferred_element_type=jnp.float32) + b_ref[...]
    z = jnp.maximum(z, 0.0)
    y2_ref[...] = z * nr[0][:, None]


def _layer_call(part, norms, W, b):
    return pl.pallas_call(
        _layer_body,
        grid=(G,),
        in_specs=[
            pl.BlockSpec((NC, R, D), lambda i: (0, i, 0)),
            pl.BlockSpec((2, R), lambda i: (0, i)),
            pl.BlockSpec((D, H), lambda i: (0, 0)),
            pl.BlockSpec((1, H), lambda i: (0, 0)),
        ],
        out_specs=pl.BlockSpec((R, H), lambda i: (i, 0)),
        out_shape=jax.ShapeDtypeStruct((N, H), jnp.float32),
    )(part, norms, W, b.reshape(1, H))


def _final_body(part_ref, norms_ref, w_ref, b_ref, wc_ref, bc_ref, out_ref,
                acc_ref):
    i = pl.program_id(0)
    a = part_ref[0] + part_ref[1]
    nr = norms_ref[...]
    a = a * nr[1][:, None]
    z = jnp.dot(a, w_ref[...], preferred_element_type=jnp.float32) + b_ref[...]
    z = jnp.maximum(z, 0.0)
    rows = lax.broadcasted_iota(jnp.int32, z.shape, 0) + i * R
    z = jnp.where(rows < N, z, 0.0)

    @pl.when(i == 0)
    def _():
        acc_ref[...] = jnp.zeros_like(acc_ref)

    acc_ref[...] += jnp.sum(z, axis=0, keepdims=True)
    out_ref[...] = (
        jnp.dot(acc_ref[...] * (1.0 / N), wc_ref[...],
                preferred_element_type=jnp.float32) + bc_ref[...]
    )


def _final_call(part, norms, W, b, Wc, bc):
    return pl.pallas_call(
        _final_body,
        grid=(G,),
        in_specs=[
            pl.BlockSpec((NC, R, D), lambda i: (0, i, 0)),
            pl.BlockSpec((2, R), lambda i: (0, i)),
            pl.BlockSpec((H, H), lambda i: (0, 0)),
            pl.BlockSpec((1, H), lambda i: (0, 0)),
            pl.BlockSpec((H, C), lambda i: (0, 0)),
            pl.BlockSpec((1, C), lambda i: (0, 0)),
        ],
        out_specs=pl.BlockSpec((1, C), lambda i: (0, 0)),
        out_shape=jax.ShapeDtypeStruct((1, C), jnp.float32),
        scratch_shapes=[pltpu.VMEM((1, H), jnp.float32)],
    )(part, norms, W, b.reshape(1, H), Wc, bc.reshape(1, C))


def kernel(h, edge_index, W1, b1, W2, b2, Wc, bc):
    edge_flat = edge_index.astype(jnp.int32).reshape(2 * E)
    deg_part = _deg_call(edge_flat)
    norms, y1 = _norms_call(deg_part, h)
    part1 = _agg_call(y1, edge_flat)
    y2 = _layer_call(part1, norms, W1, b1)
    part2 = _agg_call(y2, edge_flat)
    return _final_call(part2, norms, W2, b2, Wc, bc)

# --- scband reference (transcript-rebuilt; emitter-appended) ---
"""Pipeline reference for scband-graph-classifier-example-14353780704051 (READ-ONLY COPY).

The authoritative reference and input builder live on the scoring server;
editing this copy changes nothing except your own understanding.
"""

import jax, jax.numpy as jnp
import numpy as np

N = 10000
E = 320000
D = 128
H = 128
C = 10


def setup_inputs(seed: int = 0) -> dict:
    key = jax.random.key(seed)
    ks = jax.random.split(key, 8)
    h = jax.random.normal(ks[0], (N, D), dtype=jnp.float32)
    edge_index = jax.random.randint(ks[1], (2, E), 0, N)
    W1 = jax.random.normal(ks[2], (D, H), dtype=jnp.float32) * 0.05
    b1 = jnp.zeros((H,), dtype=jnp.float32)
    W2 = jax.random.normal(ks[3], (H, H), dtype=jnp.float32) * 0.05
    b2 = jnp.zeros((H,), dtype=jnp.float32)
    Wc = jax.random.normal(ks[4], (H, C), dtype=jnp.float32) * 0.05
    bc = jnp.zeros((C,), dtype=jnp.float32)
    return {"h": h, "edge_index": edge_index, "W1": W1, "b1": b1, "W2": W2, "b2": b2, "Wc": Wc, "bc": bc}


def reference(h, edge_index, W1, b1, W2, b2, Wc, bc):
    # DGL GraphConv with norm='both': out = D_in^{-1/2} A (D_out^{-1/2} X) W + b
    src = edge_index[0]
    dst = edge_index[1]
    ones = jnp.ones((E,), dtype=jnp.float32)
    deg_out = jnp.clip(jax.ops.segment_sum(ones, src, num_segments=N), 1.0, None)
    deg_in = jnp.clip(jax.ops.segment_sum(ones, dst, num_segments=N), 1.0, None)
    norm_src = (deg_out ** -0.5)[:, None]
    norm_dst = (deg_in ** -0.5)[:, None]

    def graph_conv(x, W, b):
        x = x * norm_src
        msgs = x[src]  # gather over edges
        agg = jax.ops.segment_sum(msgs, dst, num_segments=N)  # scatter-add
        agg = agg * norm_dst
        return agg @ W + b

    x = jax.nn.relu(graph_conv(h, W1, b1))
    x = jax.nn.relu(graph_conv(x, W2, b2))
    # dgl.mean_nodes over a single graph in the batch -> [1, H]
    hg = jnp.mean(x, axis=0, keepdims=True)
    out = hg @ Wc + bc
    return out

if __name__ == "__main__":
    import jax
    _d = setup_inputs()
    print(jax.jit(kernel)(*tuple(_d.values())))

</pallas_src>

<mosaic_0001>
#map = affine_map<(d0, d1) -> (0, 0)>
#map1 = affine_map<(d0, d1) -> (0)>
module attributes {stable_mosaic.version = 14 : i64} {
  func.func @_agg_body(%arg0: i32, %arg1: i32, %arg2: memref<10000x128xf32, #tpu.memory_space<hbm>>, %arg3: memref<640000xi32, #tpu.memory_space<hbm>>, %arg4: memref<20480x128xf32, #tpu.memory_space<hbm>>, %arg5: memref<10000xi32, #tpu.memory_space<vmem>>, %arg6: memref<10000xi32, #tpu.memory_space<vmem>>, %arg7: memref<2x80xi32, #tpu.memory_space<vmem>>, %arg8: memref<2x80x128xf32, #tpu.memory_space<vmem>>, %arg9: memref<10240x128xf32, #tpu.memory_space<vmem_shared>>, %arg10: memref<2x!tpu.dma_semaphore, #tpu.memory_space<semaphore_mem>>, %arg11: memref<2x!tpu.dma_semaphore, #tpu.memory_space<semaphore_mem>>, %arg12: memref<2x!tpu.dma_semaphore, #tpu.memory_space<semaphore_mem>>) attributes {dimension_semantics = [#tpu.dimension_semantics<core_parallel>, #tpu.dimension_semantics<subcore_parallel>], iteration_bounds = array<i64: 2, 16>, scalar_prefetch = 0 : i64, scratch_operands = 8 : i64, tpu.core_type = #tpu.core_type<sc_vector_subcore>, window_params = [{transform_indices = #map}, {transform_indices = #map1}, {transform_indices = #map}]} {
    %mul3A = arith.constant 16 : i32
    %mul3A_0 = arith.muli %arg0, %mul3A : i32
    %add3A = arith.addi %mul3A_0, %arg1 : i32
    %mul3A_1 = arith.constant 10000 : i32
    %mul3A_2 = arith.muli %add3A, %mul3A_1 : i32
    %multiple_of3A = tpu.assume_multiple %mul3A_2, 8 : i32
    %broadcast_in_dim3A = arith.constant 0.000000e+00 : f32
    %broadcast_in_dim3A_3 = vector.broadcast %broadcast_in_dim3A : f32 to vector<16xf32>
    %dma_start3A = arith.constant 0 : i32
    %dma_start3A_4 = tpu.memref_slice %arg3[%multiple_of3A] : memref<640000xi32, #tpu.memory_space<hbm>> -> memref<10000xi32, #tpu.memory_space<hbm>>
    %dma_start3A_5 = tpu.memref_slice %arg12[%dma_start3A] : memref<2x!tpu.dma_semaphore, #tpu.memory_space<semaphore_mem>> -> memref<1x!tpu.dma_semaphore, #tpu.memory_space<semaphore_mem>>
    %dma_start3A_6 = tpu.memref_squeeze %dma_start3A_5 : memref<1x!tpu.dma_semaphore, #tpu.memory_space<semaphore_mem>> -> memref<!tpu.dma_semaphore, #tpu.memory_space<semaphore_mem>>
    %dma_start3A_7 = tpu.memref_slice %arg3[%multiple_of3A] : memref<640000xi32, #tpu.memory_space<hbm>> -> memref<10000xi32, #tpu.memory_space<hbm>>
    tpu.enqueue_dma source(%dma_start3A_7 : memref<10000xi32, #tpu.memory_space<hbm>>) target(%arg5 : memref<10000xi32, #tpu.memory_space<vmem>>) target_semaphore(%dma_start3A_6 : memref<!tpu.dma_semaphore, #tpu.memory_space<semaphore_mem>>)
    %add3A_8 = arith.constant 320000 : i32
    %add3A_9 = arith.addi %add3A_8, %multiple_of3A : i32
    %dma_start3A_10 = arith.constant 1 : i32
    %dma_start3A_11 = tpu.memref_slice %arg3[%add3A_9] : memref<640000xi32, #tpu.memory_space<hbm>> -> memref<10000xi32, #tpu.memory_space<hbm>>
    %dma_start3A_12 = tpu.memref_slice %arg12[%dma_start3A_10] : memref<2x!tpu.dma_semaphore, #tpu.memory_space<semaphore_mem>> -> memref<1x!tpu.dma_semaphore, #tpu.memory_space<semaphore_mem>>
    %dma_start3A_13 = tpu.memref_squeeze %dma_start3A_12 : memref<1x!tpu.dma_semaphore, #tpu.memory_space<semaphore_mem>> -> memref<!tpu.dma_semaphore, #tpu.memory_space<semaphore_mem>>
    %dma_start3A_14 = tpu.memref_slice %arg3[%add3A_9] : memref<640000xi32, #tpu.memory_space<hbm>> -> memref<10000xi32, #tpu.memory_space<hbm>>
    tpu.enqueue_dma source(%dma_start3A_14 : memref<10000xi32, #tpu.memory_space<hbm>>) target(%arg6 : memref<10000xi32, #tpu.memory_space<vmem>>) target_semaphore(%dma_start3A_13 : memref<!tpu.dma_semaphore, #tpu.memory_space<semaphore_mem>>)
    %scan3A = arith.constant 0 : i32
    %scan3A_15 = arith.constant 0 : i32
    %scan3A_16 = arith.constant 80 : i32
    %scan3A_17 = arith.addi %scan3A_15, %scan3A_16 : i32
    %scan3A_18 = arith.constant 1 : i32
    scf.for %scan3A_183 = %scan3A_15 to %scan3A_17 step %scan3A_18  : i32 {
      %swap3A_184 = arith.constant 1 : i32
      %swap3A_185 = arith.index_cast %swap3A_184 : i32 to index
      %swap3A_186 = arith.index_cast %scan3A_183 : i32 to index
      %swap3A_187 = arith.constant 0 : index
      %swap3A_188 = tpu.vector_load %arg8[%swap3A_185, %swap3A_186, %swap3A_187] {strides = array<i32>} : memref<2x80x128xf32, #tpu.memory_space<vmem>>, vector<16xf32>,
      tpu.vector_store %arg8[%swap3A_185, %swap3A_186, %swap3A_187], %broadcast_in_dim3A_3 {strides = array<i32>} : memref<2x80x128xf32, #tpu.memory_space<vmem>>, vector<16xf32>,
      %swap3A_189 = arith.constant 1 : i32
      %swap3A_190 = arith.index_cast %swap3A_189 : i32 to index
      %swap3A_191 = arith.index_cast %scan3A_183 : i32 to index
      %swap3A_192 = arith.constant 16 : index
      %swap3A_193 = tpu.vector_load %arg8[%swap3A_190, %swap3A_191, %swap3A_192] {strides = array<i32>} : memref<2x80x128xf32, #tpu.memory_space<vmem>>, vector<16xf32>,
      tpu.vector_store %arg8[%swap3A_190, %swap3A_191, %swap3A_192], %broadcast_in_dim3A_3 {strides = array<i32>} : memref<2x80x128xf32, #tpu.memory_space<vmem>>, vector<16xf32>,
      %swap3A_194 = arith.constant 1 : i32
      %swap3A_195 = arith.index_cast %swap3A_194 : i32 to index
      %swap3A_196 = arith.index_cast %scan3A_183 : i32 to index
      %swap3A_197 = arith.constant 32 : index
      %swap3A_198 = tpu.vector_load %arg8[%swap3A_195, %swap3A_196, %swap3A_197] {strides = array<i32>} : memref<2x80x128xf32, #tpu.memory_space<vmem>>, vector<16xf32>,
      tpu.vector_store %arg8[%swap3A_195, %swap3A_196, %swap3A_197], %broadcast_in_dim3A_3 {strides = array<i32>} : memref<2x80x128xf32, #tpu.memory_space<vmem>>, vector<16xf32>,
      %swap3A_199 = arith.constant 1 : i32
      %swap3A_200 = arith.index_cast %swap3A_199 : i32 to index
      %swap3A_201 = arith.index_cast %scan3A_183 : i32 to index
      %swap3A_202 = arith.constant 48 : index
      %swap3A_203 = tpu.vector_load %arg8[%swap3A_200, %swap3A_201, %swap3A_202] {strides = array<i32>} : memref<2x80x128xf32, #tpu.memory_space<vmem>>, vector<16xf32>,
      tpu.vector_store %arg8[%swap3A_200, %swap3A_201, %swap3A_202], %broadcast_in_dim3A_3 {strides = array<i32>} : memref<2x80x128xf32, #tpu.memory_space<vmem>>, vector<16xf32>,
      %swap3A_204 = arith.constant 1 : i32
      %swap3A_205 = arith.index_cast %swap3A_204 : i32 to index
      %swap3A_206 = arith.index_cast %scan3A_183 : i32 to index
      %swap3A_207 = arith.constant 64 : index
      %swap3A_208 = tpu.vector_load %arg8[%swap3A_205, %swap3A_206, %swap3A_207] {strides = array<i32>} : memref<2x80x128xf32, #tpu.memory_space<vmem>>, vector<16xf32>,
      tpu.vector_store %arg8[%swap3A_205, %swap3A_206, %swap3A_207], %broadcast_in_dim3A_3 {strides = array<i32>} : memref<2x80x128xf32, #tpu.memory_space<vmem>>, vector<16xf32>,
      %swap3A_209 = arith.constant 1 : i32
      %swap3A_210 = arith.index_cast %swap3A_209 : i32 to index
      %swap3A_211 = arith.index_cast %scan3A_183 : i32 to index
      %swap3A_212 = arith.constant 80 : index
      %swap3A_213 = tpu.vector_load %arg8[%swap3A_210, %swap3A_211, %swap3A_212] {strides = array<i32>} : memref<2x80x128xf32, #tpu.memory_space<vmem>>, vector<16xf32>,
      tpu.vector_store %arg8[%swap3A_210, %swap3A_211, %swap3A_212], %broadcast_in_dim3A_3 {strides = array<i32>} : memref<2x80x128xf32, #tpu.memory_space<vmem>>, vector<16xf32>,
      %swap3A_214 = arith.constant 1 : i32
      %swap3A_215 = arith.index_cast %swap3A_214 : i32 to index
      %swap3A_216 = arith.index_cast %scan3A_183 : i32 to index
      %swap3A_217 = arith.constant 96 : index
      %swap3A_218 = tpu.vector_load %arg8[%swap3A_215, %swap3A_216, %swap3A_217] {strides = array<i32>} : memref<2x80x128xf32, #tpu.memory_space<vmem>>, vector<16xf32>,
      tpu.vector_store %arg8[%swap3A_215, %swap3A_216, %swap3A_217], %broadcast_in_dim3A_3 {strides = array<i32>} : memref<2x80x128xf32, #tpu.memory_space<vmem>>, vector<16xf32>,
      %swap3A_219 = arith.constant 1 : i32
      %swap3A_220 = arith.index_cast %swap3A_219 : i32 to index
      %swap3A_221 = arith.index_cast %scan3A_183 : i32 to index
      %swap3A_222 = arith.constant 112 : index
      %swap3A_223 = tpu.vector_load %arg8[%swap3A_220, %swap3A_221, %swap3A_222] {strides = array<i32>} : memref<2x80x128xf32, #tpu.memory_space<vmem>>, vector<16xf32>,
      tpu.vector_store %arg8[%swap3A_220, %swap3A_221, %swap3A_222], %broadcast_in_dim3A_3 {strides = array<i32>} : memref<2x80x128xf32, #tpu.memory_space<vmem>>, vector<16xf32>,
    }
    %scan3A_19 = arith.constant 80 : i32
    %dma_wait3A = arith.constant 0 : i32
    %dma_wait3A_20 = tpu.memref_slice %arg3[%multiple_of3A] : memref<640000xi32, #tpu.memory_space<hbm>> -> memref<10000xi32, #tpu.memory_space<hbm>>
    %dma_wait3A_21 = tpu.memref_slice %arg12[%dma_wait3A] : memref<2x!tpu.dma_semaphore, #tpu.memory_space<semaphore_mem>> -> memref<1x!tpu.dma_semaphore, #tpu.memory_space<semaphore_mem>>
    %dma_wait3A_22 = tpu.memref_squeeze %dma_wait3A_21 : memref<1x!tpu.dma_semaphore, #tpu.memory_space<semaphore_mem>> -> memref<!tpu.dma_semaphore, #tpu.memory_space<semaphore_mem>>
    %dma_wait3A_23 = tpu.memref_slice %arg3[%multiple_of3A] : memref<640000xi32, #tpu.memory_space<hbm>> -> memref<10000xi32, #tpu.memory_space<hbm>>
    tpu.wait_dma2 semaphore(%dma_wait3A_22 : memref<!tpu.dma_semaphore, #tpu.memory_space<semaphore_mem>>) src(%dma_wait3A_23 : memref<10000xi32, #tpu.memory_space<hbm>>) dst(%arg5 : memref<10000xi32, #tpu.memory_space<vmem>>)
    %multiple_of3A_24 = arith.constant 0 : i32
    %multiple_of3A_25 = tpu.assume_multiple %multiple_of3A_24, 8 : i32
    %dma_start3A_26 = arith.constant 0 : i32
    %dma_start3A_27 = arith.constant 0 : i32
    %dma_start3A_28 = arith.constant 0 : i32
    %dma_start3A_29 = arith.constant 0 : i32
    %dma_start3A_30 = tpu.memref_slice %arg8[%dma_start3A_26, %dma_start3A_28, %dma_start3A_29] : memref<2x80x128xf32, #tpu.memory_space<vmem>> -> memref<1x80x128xf32, #tpu.memory_space<vmem>>
    %dma_start3A_31 = tpu.memref_squeeze %dma_start3A_30 : memref<1x80x128xf32, #tpu.memory_space<vmem>> -> memref<80x128xf32, #tpu.memory_space<vmem>>
    %dma_start3A_32 = tpu.memref_slice %arg5[%multiple_of3A_25] : memref<10000xi32, #tpu.memory_space<vmem>> -> memref<80xi32, #tpu.memory_space<vmem>>
    %dma_start3A_33 = arith.constant 0 : i32
    %dma_start3A_34 = arith.constant 0 : i32
    %dma_start3A_35 = tpu.memref_slice %arg2[%dma_start3A_33, %dma_start3A_34] : memref<10000x128xf32, #tpu.memory_space<hbm>> -> memref<10000x128xf32, #tpu.memory_space<hbm>>
    %dma_start3A_36 = tpu.memref_slice %arg10[%dma_start3A_27] : memref<2x!tpu.dma_semaphore, #tpu.memory_space<semaphore_mem>> -> memref<1x!tpu.dma_semaphore, #tpu.memory_space<semaphore_mem>>
    %dma_start3A_37 = tpu.memref_squeeze %dma_start3A_36 : memref<1x!tpu.dma_semaphore, #tpu.memory_space<semaphore_mem>> -> memref<!tpu.dma_semaphore, #tpu.memory_space<semaphore_mem>>
    tpu.enqueue_indirect_dma source(%dma_start3A_35 : memref<10000x128xf32, #tpu.memory_space<hbm>>) target(%dma_start3A_31 : memref<80x128xf32, #tpu.memory_space<vmem>>) offsets(%dma_start3A_32 : memref<80xi32, #tpu.memory_space<vmem>>) semaphore(%dma_start3A_37 : memref<!tpu.dma_semaphore, #tpu.memory_space<semaphore_mem>>)
    %mul3A_38 = arith.constant 640 : i32
    %mul3A_39 = arith.muli %arg1, %mul3A_38 : i32
    %multiple_of3A_40 = tpu.assume_multiple %mul3A_39, 8 : i32
    %add3A_41 = arith.constant 0 : i32
    %add3A_42 = arith.addi %multiple_of3A_40, %add3A_41 : i32
    %run_scoped3A = arith.constant 1 : i32
    "tpu.region"() ({
      %run_scoped3A_183 = tpu.sem_alloc : memref<!tpu.dma_semaphore, #tpu.memory_space<semaphore_mem>>
      %dma_start3A_184 = arith.constant 0 : i32
      %dma_start3A_185 = arith.constant 0 : i32
      %dma_start3A_186 = tpu.memref_slice %arg8[%run_scoped3A, %dma_start3A_184, %dma_start3A_185] : memref<2x80x128xf32, #tpu.memory_space<vmem>> -> memref<1x80x128xf32, #tpu.memory_space<vmem>>
      %dma_start3A_187 = tpu.memref_squeeze %dma_start3A_186 : memref<1x80x128xf32, #tpu.memory_space<vmem>> -> memref<80x128xf32, #tpu.memory_space<vmem>>
      %dma_start3A_188 = arith.constant 0 : i32
      %dma_start3A_189 = tpu.memref_slice %arg9[%add3A_42, %dma_start3A_188] : memref<10240x128xf32, #tpu.memory_space<vmem_shared>> -> memref<80x128xf32, #tpu.memory_space<vmem_shared>>
      %dma_start3A_190 = arith.constant 0 : i32
      %dma_start3A_191 = tpu.memref_slice %arg9[%add3A_42, %dma_start3A_190] : memref<10240x128xf32, #tpu.memory_space<vmem_shared>> -> memref<80x128xf32, #tpu.memory_space<vmem_shared>>
      %dma_start3A_192 = arith.constant 0 : i32
      %dma_start3A_193 = arith.constant 0 : i32
      %dma_start3A_194 = tpu.memref_slice %arg8[%run_scoped3A, %dma_start3A_192, %dma_start3A_193] : memref<2x80x128xf32, #tpu.memory_space<vmem>> -> memref<1x80x128xf32, #tpu.memory_space<vmem>>
      %dma_start3A_195 = tpu.memref_squeeze %dma_start3A_194 : memref<1x80x128xf32, #tpu.memory_space<vmem>> -> memref<80x128xf32, #tpu.memory_space<vmem>>
      tpu.enqueue_dma source(%dma_start3A_195 : memref<80x128xf32, #tpu.memory_space<vmem>>) target(%dma_start3A_191 : memref<80x128xf32, #tpu.memory_space<vmem_shared>>) target_semaphore(%run_scoped3A_183 : memref<!tpu.dma_semaphore, #tpu.memory_space<semaphore_mem>>)
      %dma_wait3A_196 = arith.constant 0 : i32
      %dma_wait3A_197 = arith.constant 0 : i32
      %dma_wait3A_198 = tpu.memref_slice %arg8[%run_scoped3A, %dma_wait3A_196, %dma_wait3A_197] : memref<2x80x128xf32, #tpu.memory_space<vmem>> -> memref<1x80x128xf32, #tpu.memory_space<vmem>>
      %dma_wait3A_199 = tpu.memref_squeeze %dma_wait3A_198 : memref<1x80x128xf32, #tpu.memory_space<vmem>> -> memref<80x128xf32, #tpu.memory_space<vmem>>
      %dma_wait3A_200 = arith.constant 0 : i32
      %dma_wait3A_201 = tpu.memref_slice %arg9[%add3A_42, %dma_wait3A_200] : memref<10240x128xf32, #tpu.memory_space<vmem_shared>> -> memref<80x128xf32, #tpu.memory_space<vmem_shared>>
      %dma_wait3A_202 = arith.constant 0 : i32
      %dma_wait3A_203 = tpu.memref_slice %arg9[%add3A_42, %dma_wait3A_202] : memref<10240x128xf32, #tpu.memory_space<vmem_shared>> -> memref<80x128xf32, #tpu.memory_space<vmem_shared>>
      %dma_wait3A_204 = arith.constant 0 : i32
      %dma_wait3A_205 = arith.constant 0 : i32
      %dma_wait3A_206 = tpu.memref_slice %arg8[%run_scoped3A, %dma_wait3A_204, %dma_wait3A_205] : memref<2x80x128xf32, #tpu.memory_space<vmem>> -> memref<1x80x128xf32, #tpu.memory_space<vmem>>
      %dma_wait3A_207 = tpu.memref_squeeze %dma_wait3A_206 : memref<1x80x128xf32, #tpu.memory_space<vmem>> -> memref<80x128xf32, #tpu.memory_space<vmem>>
      tpu.wait_dma2 semaphore(%run_scoped3A_183 : memref<!tpu.dma_semaphore, #tpu.memory_space<semaphore_mem>>) src(%dma_wait3A_207 : memref<80x128xf32, #tpu.memory_space<vmem>>) dst(%dma_wait3A_203 : memref<80x128xf32, #tpu.memory_space<vmem_shared>>)
      tpu.yield
    }) : () -> ()
    %add3A_43 = arith.constant 80 : i32
    %add3A_44 = arith.addi %multiple_of3A_40, %add3A_43 : i32
    %run_scoped3A_45 = arith.constant 1 : i32
    "tpu.region"() ({
      %run_scoped3A_183 = tpu.sem_alloc : memref<!tpu.dma_semaphore, #tpu.memory_space<semaphore_mem>>
      %dma_start3A_184 = arith.constant 0 : i32
      %dma_start3A_185 = arith.constant 0 : i32
      %dma_start3A_186 = tpu.memref_slice %arg8[%run_scoped3A_45, %dma_start3A_184, %dma_start3A_185] : memref<2x80x128xf32, #tpu.memory_space<vmem>> -> memref<1x80x128xf32, #tpu.memory_space<vmem>>
      %dma_start3A_187 = tpu.memref_squeeze %dma_start3A_186 : memref<1x80x128xf32, #tpu.memory_space<vmem>> -> memref<80x128xf32, #tpu.memory_space<vmem>>
      %dma_start3A_188 = arith.constant 0 : i32
      %dma_start3A_189 = tpu.memref_slice %arg9[%add3A_44, %dma_start3A_188] : memref<10240x128xf32, #tpu.memory_space<vmem_shared>> -> memref<80x128xf32, #tpu.memory_space<vmem_shared>>
      %dma_start3A_190 = arith.constant 0 : i32
      %dma_start3A_191 = tpu.memref_slice %arg9[%add3A_44, %dma_start3A_190] : memref<10240x128xf32, #tpu.memory_space<vmem_shared>> -> memref<80x128xf32, #tpu.memory_space<vmem_shared>>
      %dma_start3A_192 = arith.constant 0 : i32
      %dma_start3A_193 = arith.constant 0 : i32
      %dma_start3A_194 = tpu.memref_slice %arg8[%run_scoped3A_45, %dma_start3A_192, %dma_start3A_193] : memref<2x80x128xf32, #tpu.memory_space<vmem>> -> memref<1x80x128xf32, #tpu.memory_space<vmem>>
      %dma_start3A_195 = tpu.memref_squeeze %dma_start3A_194 : memref<1x80x128xf32, #tpu.memory_space<vmem>> -> memref<80x128xf32, #tpu.memory_space<vmem>>
      tpu.enqueue_dma source(%dma_start3A_195 : memref<80x128xf32, #tpu.memory_space<vmem>>) target(%dma_start3A_191 : memref<80x128xf32, #tpu.memory_space<vmem_shared>>) target_semaphore(%run_scoped3A_183 : memref<!tpu.dma_semaphore, #tpu.memory_space<semaphore_mem>>)
      %dma_wait3A_196 = arith.constant 0 : i32
      %dma_wait3A_197 = arith.constant 0 : i32
      %dma_wait3A_198 = tpu.memref_slice %arg8[%run_scoped3A_45, %dma_wait3A_196, %dma_wait3A_197] : memref<2x80x128xf32, #tpu.memory_space<vmem>> -> memref<1x80x128xf32, #tpu.memory_space<vmem>>
      %dma_wait3A_199 = tpu.memref_squeeze %dma_wait3A_198 : memref<1x80x128xf32, #tpu.memory_space<vmem>> -> memref<80x128xf32, #tpu.memory_space<vmem>>
      %dma_wait3A_200 = arith.constant 0 : i32
      %dma_wait3A_201 = tpu.memref_slice %arg9[%add3A_44, %dma_wait3A_200] : memref<10240x128xf32, #tpu.memory_space<vmem_shared>> -> memref<80x128xf32, #tpu.memory_space<vmem_shared>>
      %dma_wait3A_202 = arith.constant 0 : i32
      %dma_wait3A_203 = tpu.memref_slice %arg9[%add3A_44, %dma_wait3A_202] : memref<10240x128xf32, #tpu.memory_space<vmem_shared>> -> memref<80x128xf32, #tpu.memory_space<vmem_shared>>
      %dma_wait3A_204 = arith.constant 0 : i32
      %dma_wait3A_205 = arith.constant 0 : i32
      %dma_wait3A_206 = tpu.memref_slice %arg8[%run_scoped3A_45, %dma_wait3A_204, %dma_wait3A_205] : memref<2x80x128xf32, #tpu.memory_space<vmem>> -> memref<1x80x128xf32, #tpu.memory_space<vmem>>
      %dma_wait3A_207 = tpu.memref_squeeze %dma_wait3A_206 : memref<1x80x128xf32, #tpu.memory_space<vmem>> -> memref<80x128xf32, #tpu.memory_space<vmem>>
      tpu.wait_dma2 semaphore(%run_scoped3A_183 : memref<!tpu.dma_semaphore, #tpu.memory_space<semaphore_mem>>) src(%dma_wait3A_207 : memref<80x128xf32, #tpu.memory_space<vmem>>) dst(%dma_wait3A_203 : memref<80x128xf32, #tpu.memory_space<vmem_shared>>)
      tpu.yield
    }) : () -> ()
    %add3A_46 = arith.constant 160 : i32
    %add3A_47 = arith.addi %multiple_of3A_40, %add3A_46 : i32
    %run_scoped3A_48 = arith.constant 1 : i32
    "tpu.region"() ({
      %run_scoped3A_183 = tpu.sem_alloc : memref<!tpu.dma_semaphore, #tpu.memory_space<semaphore_mem>>
      %dma_start3A_184 = arith.constant 0 : i32
      %dma_start3A_185 = arith.constant 0 : i32
      %dma_start3A_186 = tpu.memref_slice %arg8[%run_scoped3A_48, %dma_start3A_184, %dma_start3A_185] : memref<2x80x128xf32, #tpu.memory_space<vmem>> -> memref<1x80x128xf32, #tpu.memory_space<vmem>>
      %dma_start3A_187 = tpu.memref_squeeze %dma_start3A_186 : memref<1x80x128xf32, #tpu.memory_space<vmem>> -> memref<80x128xf32, #tpu.memory_space<vmem>>
      %dma_start3A_188 = arith.constant 0 : i32
      %dma_start3A_189 = tpu.memref_slice %arg9[%add3A_47, %dma_start3A_188] : memref<10240x128xf32, #tpu.memory_space<vmem_shared>> -> memref<80x128xf32, #tpu.memory_space<vmem_shared>>
      %dma_start3A_190 = arith.constant 0 : i32
      %dma_start3A_191 = tpu.memref_slice %arg9[%add3A_47, %dma_start3A_190] : memref<10240x128xf32, #tpu.memory_space<vmem_shared>> -> memref<80x128xf32, #tpu.memory_space<vmem_shared>>
      %dma_start3A_192 = arith.constant 0 : i32
      %dma_start3A_193 = arith.constant 0 : i32
      %dma_start3A_194 = tpu.memref_slice %arg8[%run_scoped3A_48, %dma_start3A_192, %dma_start3A_193] : memref<2x80x128xf32, #tpu.memory_space<vmem>> -> memref<1x80x128xf32, #tpu.memory_space<vmem>>
      %dma_start3A_195 = tpu.memref_squeeze %dma_start3A_194 : memref<1x80x128xf32, #tpu.memory_space<vmem>> -> memref<80x128xf32, #tpu.memory_space<vmem>>
      tpu.enqueue_dma source(%dma_start3A_195 : memref<80x128xf32, #tpu.memory_space<vmem>>) target(%dma_start3A_191 : memref<80x128xf32, #tpu.memory_space<vmem_shared>>) target_semaphore(%run_scoped3A_183 : memref<!tpu.dma_semaphore, #tpu.memory_space<semaphore_mem>>)
      %dma_wait3A_196 = arith.constant 0 : i32
      %dma_wait3A_197 = arith.constant 0 : i32
      %dma_wait3A_198 = tpu.memref_slice %arg8[%run_scoped3A_48, %dma_wait3A_196, %dma_wait3A_197] : memref<2x80x128xf32, #tpu.memory_space<vmem>> -> memref<1x80x128xf32, #tpu.memory_space<vmem>>
      %dma_wait3A_199 = tpu.memref_squeeze %dma_wait3A_198 : memref<1x80x128xf32, #tpu.memory_space<vmem>> -> memref<80x128xf32, #tpu.memory_space<vmem>>
      %dma_wait3A_200 = arith.constant 0 : i32
      %dma_wait3A_201 = tpu.memref_slice %arg9[%add3A_47, %dma_wait3A_200] : memref<10240x128xf32, #tpu.memory_space<vmem_shared>> -> memref<80x128xf32, #tpu.memory_space<vmem_shared>>
      %dma_wait3A_202 = arith.constant 0 : i32
      %dma_wait3A_203 = tpu.memref_slice %arg9[%add3A_47, %dma_wait3A_202] : memref<10240x128xf32, #tpu.memory_space<vmem_shared>> -> memref<80x128xf32, #tpu.memory_space<vmem_shared>>
      %dma_wait3A_204 = arith.constant 0 : i32
      %dma_wait3A_205 = arith.constant 0 : i32
      %dma_wait3A_206 = tpu.memref_slice %arg8[%run_scoped3A_48, %dma_wait3A_204, %dma_wait3A_205] : memref<2x80x128xf32, #tpu.memory_space<vmem>> -> memref<1x80x128xf32, #tpu.memory_space<vmem>>
      %dma_wait3A_207 = tpu.memref_squeeze %dma_wait3A_206 : memref<1x80x128xf32, #tpu.memory_space<vmem>> -> memref<80x128xf32, #tpu.memory_space<vmem>>
      tpu.wait_dma2 semaphore(%run_scoped3A_183 : memref<!tpu.dma_semaphore, #tpu.memory_space<semaphore_mem>>) src(%dma_wait3A_207 : memref<80x128xf32, #tpu.memory_space<vmem>>) dst(%dma_wait3A_203 : memref<80x128xf32, #tpu.memory_space<vmem_shared>>)
      tpu.yield
    }) : () -> ()
    %add3A_49 = arith.constant 240 : i32
    %add3A_50 = arith.addi %multiple_of3A_40, %add3A_49 : i32
    %run_scoped3A_51 = arith.constant 1 : i32
    "tpu.region"() ({
      %run_scoped3A_183 = tpu.sem_alloc : memref<!tpu.dma_semaphore, #tpu.memory_space<semaphore_mem>>
      %dma_start3A_184 = arith.constant 0 : i32
      %dma_start3A_185 = arith.constant 0 : i32
      %dma_start3A_186 = tpu.memref_slice %arg8[%run_scoped3A_51, %dma_start3A_184, %dma_start3A_185] : memref<2x80x128xf32, #tpu.memory_space<vmem>> -> memref<1x80x128xf32, #tpu.memory_space<vmem>>
      %dma_start3A_187 = tpu.memref_squeeze %dma_start3A_186 : memref<1x80x128xf32, #tpu.memory_space<vmem>> -> memref<80x128xf32, #tpu.memory_space<vmem>>
      %dma_start3A_188 = arith.constant 0 : i32
      %dma_start3A_189 = tpu.memref_slice %arg9[%add3A_50, %dma_start3A_188] : memref<10240x128xf32, #tpu.memory_space<vmem_shared>> -> memref<80x128xf32, #tpu.memory_space<vmem_shared>>
      %dma_start3A_190 = arith.constant 0 : i32
      %dma_start3A_191 = tpu.memref_slice %arg9[%add3A_50, %dma_start3A_190] : memref<10240x128xf32, #tpu.memory_space<vmem_shared>> -> memref<80x128xf32, #tpu.memory_space<vmem_shared>>
      %dma_start3A_192 = arith.constant 0 : i32
      %dma_start3A_193 = arith.constant 0 : i32
      %dma_start3A_194 = tpu.memref_slice %arg8[%run_scoped3A_51, %dma_start3A_192, %dma_start3A_193] : memref<2x80x128xf32, #tpu.memory_space<vmem>> -> memref<1x80x128xf32, #tpu.memory_space<vmem>>
      %dma_start3A_195 = tpu.memref_squeeze %dma_start3A_194 : memref<1x80x128xf32, #tpu.memory_space<vmem>> -> memref<80x128xf32, #tpu.memory_space<vmem>>
      tpu.enqueue_dma source(%dma_start3A_195 : memref<80x128xf32, #tpu.memory_space<vmem>>) target(%dma_start3A_191 : memref<80x128xf32, #tpu.memory_space<vmem_shared>>) target_semaphore(%run_scoped3A_183 : memref<!tpu.dma_semaphore, #tpu.memory_space<semaphore_mem>>)
      %dma_wait3A_196 = arith.constant 0 : i32
      %dma_wait3A_197 = arith.constant 0 : i32
      %dma_wait3A_198 = tpu.memref_slice %arg8[%run_scoped3A_51, %dma_wait3A_196, %dma_wait3A_197] : memref<2x80x128xf32, #tpu.memory_space<vmem>> -> memref<1x80x128xf32, #tpu.memory_space<vmem>>
      %dma_wait3A_199 = tpu.memref_squeeze %dma_wait3A_198 : memref<1x80x128xf32, #tpu.memory_space<vmem>> -> memref<80x128xf32, #tpu.memory_space<vmem>>
      %dma_wait3A_200 = arith.constant 0 : i32
      %dma_wait3A_201 = tpu.memref_slice %arg9[%add3A_50, %dma_wait3A_200] : memref<10240x128xf32, #tpu.memory_space<vmem_shared>> -> memref<80x128xf32, #tpu.memory_space<vmem_shared>>
      %dma_wait3A_202 = arith.constant 0 : i32
      %dma_wait3A_203 = tpu.memref_slice %arg9[%add3A_50, %dma_wait3A_202] : memref<10240x128xf32, #tpu.memory_space<vmem_shared>> -> memref<80x128xf32, #tpu.memory_space<vmem_shared>>
      %dma_wait3A_204 = arith.constant 0 : i32
      %dma_wait3A_205 = arith.constant 0 : i32
      %dma_wait3A_206 = tpu.memref_slice %arg8[%run_scoped3A_51, %dma_wait3A_204, %dma_wait3A_205] : memref<2x80x128xf32, #tpu.memory_space<vmem>> -> memref<1x80x128xf32, #tpu.memory_space<vmem>>
      %dma_wait3A_207 = tpu.memref_squeeze %dma_wait3A_206 : memref<1x80x128xf32, #tpu.memory_space<vmem>> -> memref<80x128xf32, #tpu.memory_space<vmem>>
      tpu.wait_dma2 semaphore(%run_scoped3A_183 : memref<!tpu.dma_semaphore, #tpu.memory_space<semaphore_mem>>) src(%dma_wait3A_207 : memref<80x128xf32, #tpu.memory_space<vmem>>) dst(%dma_wait3A_203 : memref<80x128xf32, #tpu.memory_space<vmem_shared>>)
      tpu.yield
    }) : () -> ()
    %add3A_52 = arith.constant 320 : i32
    %add3A_53 = arith.addi %multiple_of3A_40, %add3A_52 : i32
    %run_scoped3A_54 = arith.constant 1 : i32
    "tpu.region"() ({
      %run_scoped3A_183 = tpu.sem_alloc : memref<!tpu.dma_semaphore, #tpu.memory_space<semaphore_mem>>
      %dma_start3A_184 = arith.constant 0 : i32
      %dma_start3A_185 = arith.constant 0 : i32
      %dma_start3A_186 = tpu.memref_slice %arg8[%run_scoped3A_54, %dma_start3A_184, %dma_start3A_185] : memref<2x80x128xf32, #tpu.memory_space<vmem>> -> memref<1x80x128xf32, #tpu.memory_space<vmem>>
      %dma_start3A_187 = tpu.memref_squeeze %dma_start3A_186 : memref<1x80x128xf32, #tpu.memory_space<vmem>> -> memref<80x128xf32, #tpu.memory_space<vmem>>
      %dma_start3A_188 = arith.constant 0 : i32
      %dma_start3A_189 = tpu.memref_slice %arg9[%add3A_53, %dma_start3A_188] : memref<10240x128xf32, #tpu.memory_space<vmem_shared>> -> memref<80x128xf32, #tpu.memory_space<vmem_shared>>
      %dma_start3A_190 = arith.constant 0 : i32
      %dma_start3A_191 = tpu.memref_slice %arg9[%add3A_53, %dma_start3A_190] : memref<10240x128xf32, #tpu.memory_space<vmem_shared>> -> memref<80x128xf32, #tpu.memory_space<vmem_shared>>
      %dma_start3A_192 = arith.constant 0 : i32
      %dma_start3A_193 = arith.constant 0 : i32
      %dma_start3A_194 = tpu.memref_slice %arg8[%run_scoped3A_54, %dma_start3A_192, %dma_start3A_193] : memref<2x80x128xf32, #tpu.memory_space<vmem>> -> memref<1x80x128xf32, #tpu.memory_space<vmem>>
      %dma_start3A_195 = tpu.memref_squeeze %dma_start3A_194 : memref<1x80x128xf32, #tpu.memory_space<vmem>> -> memref<80x128xf32, #tpu.memory_space<vmem>>
      tpu.enqueue_dma source(%dma_start3A_195 : memref<80x128xf32, #tpu.memory_space<vmem>>) target(%dma_start3A_191 : memref<80x128xf32, #tpu.memory_space<vmem_shared>>) target_semaphore(%run_scoped3A_183 : memref<!tpu.dma_semaphore, #tpu.memory_space<semaphore_mem>>)
      %dma_wait3A_196 = arith.constant 0 : i32
      %dma_wait3A_197 = arith.constant 0 : i32
      %dma_wait3A_198 = tpu.memref_slice %arg8[%run_scoped3A_54, %dma_wait3A_196, %dma_wait3A_197] : memref<2x80x128xf32, #tpu.memory_space<vmem>> -> memref<1x80x128xf32, #tpu.memory_space<vmem>>
      %dma_wait3A_199 = tpu.memref_squeeze %dma_wait3A_198 : memref<1x80x128xf32, #tpu.memory_space<vmem>> -> memref<80x128xf32, #tpu.memory_space<vmem>>
      %dma_wait3A_200 = arith.constant 0 : i32
      %dma_wait3A_201 = tpu.memref_slice %arg9[%add3A_53, %dma_wait3A_200] : memref<10240x128xf32, #tpu.memory_space<vmem_shared>> -> memref<80x128xf32, #tpu.memory_space<vmem_shared>>
      %dma_wait3A_202 = arith.constant 0 : i32
      %dma_wait3A_203 = tpu.memref_slice %arg9[%add3A_53, %dma_wait3A_202] : memref<10240x128xf32, #tpu.memory_space<vmem_shared>> -> memref<80x128xf32, #tpu.memory_space<vmem_shared>>
      %dma_wait3A_204 = arith.constant 0 : i32
      %dma_wait3A_205 = arith.constant 0 : i32
      %dma_wait3A_206 = tpu.memref_slice %arg8[%run_scoped3A_54, %dma_wait3A_204, %dma_wait3A_205] : memref<2x80x128xf32, #tpu.memory_space<vmem>> -> memref<1x80x128xf32, #tpu.memory_space<vmem>>
      %dma_wait3A_207 = tpu.memref_squeeze %dma_wait3A_206 : memref<1x80x128xf32, #tpu.memory_space<vmem>> -> memref<80x128xf32, #tpu.memory_space<vmem>>
      tpu.wait_dma2 semaphore(%run_scoped3A_183 : memref<!tpu.dma_semaphore, #tpu.memory_space<semaphore_mem>>) src(%dma_wait3A_207 : memref<80x128xf32, #tpu.memory_space<vmem>>) dst(%dma_wait3A_203 : memref<80x128xf32, #tpu.memory_space<vmem_shared>>)
      tpu.yield
    }) : () -> ()
    %add3A_55 = arith.constant 400 : i32
    %add3A_56 = arith.addi %multiple_of3A_40, %add3A_55 : i32
    %run_scoped3A_57 = arith.constant 1 : i32
    "tpu.region"() ({
      %run_scoped3A_183 = tpu.sem_alloc : memref<!tpu.dma_semaphore, #tpu.memory_space<semaphore_mem>>
      %dma_start3A_184 = arith.constant 0 : i32
      %dma_start3A_185 = arith.constant 0 : i32
      %dma_start3A_186 = tpu.memref_slice %arg8[%run_scoped3A_57, %dma_start3A_184, %dma_start3A_185] : memref<2x80x128xf32, #tpu.memory_space<vmem>> -> memref<1x80x128xf32, #tpu.memory_space<vmem>>
      %dma_start3A_187 = tpu.memref_squeeze %dma_start3A_186 : memref<1x80x128xf32, #tpu.memory_space<vmem>> -> memref<80x128xf32, #tpu.memory_space<vmem>>
      %dma_start3A_188 = arith.constant 0 : i32
      %dma_start3A_189 = tpu.memref_slice %arg9[%add3A_56, %dma_start3A_188] : memref<10240x128xf32, #tpu.memory_space<vmem_shared>> -> memref<80x128xf32, #tpu.memory_space<vmem_shared>>
      %dma_start3A_190 = arith.constant 0 : i32
      %dma_start3A_191 = tpu.memref_slice %arg9[%add3A_56, %dma_start3A_190] : memref<10240x128xf32, #tpu.memory_space<vmem_shared>> -> memref<80x128xf32, #tpu.memory_space<vmem_shared>>
      %dma_start3A_192 = arith.constant 0 : i32
      %dma_start3A_193 = arith.constant 0 : i32
      %dma_start3A_194 = tpu.memref_slice %arg8[%run_scoped3A_57, %dma_start3A_192, %dma_start3A_193] : memref<2x80x128xf32, #tpu.memory_space<vmem>> -> memref<1x80x128xf32, #tpu.memory_space<vmem>>
      %dma_start3A_195 = tpu.memref_squeeze %dma_start3A_194 : memref<1x80x128xf32, #tpu.memory_space<vmem>> -> memref<80x128xf32, #tpu.memory_space<vmem>>
      tpu.enqueue_dma source(%dma_start3A_195 : memref<80x128xf32, #tpu.memory_space<vmem>>) target(%dma_start3A_191 : memref<80x128xf32, #tpu.memory_space<vmem_shared>>) target_semaphore(%run_scoped3A_183 : memref<!tpu.dma_semaphore, #tpu.memory_space<semaphore_mem>>)
      %dma_wait3A_196 = arith.constant 0 : i32
      %dma_wait3A_197 = arith.constant 0 : i32
      %dma_wait3A_198 = tpu.memref_slice %arg8[%run_scoped3A_57, %dma_wait3A_196, %dma_wait3A_197] : memref<2x80x128xf32, #tpu.memory_space<vmem>> -> memref<1x80x128xf32, #tpu.memory_space<vmem>>
      %dma_wait3A_199 = tpu.memref_squeeze %dma_wait3A_198 : memref<1x80x128xf32, #tpu.memory_space<vmem>> -> memref<80x128xf32, #tpu.memory_space<vmem>>
      %dma_wait3A_200 = arith.constant 0 : i32
      %dma_wait3A_201 = tpu.memref_slice %arg9[%add3A_56, %dma_wait3A_200] : memref<10240x128xf32, #tpu.memory_space<vmem_shared>> -> memref<80x128xf32, #tpu.memory_space<vmem_shared>>
      %dma_wait3A_202 = arith.constant 0 : i32
      %dma_wait3A_203 = tpu.memref_slice %arg9[%add3A_56, %dma_wait3A_202] : memref<10240x128xf32, #tpu.memory_space<vmem_shared>> -> memref<80x128xf32, #tpu.memory_space<vmem_shared>>
      %dma_wait3A_204 = arith.constant 0 : i32
      %dma_wait3A_205 = arith.constant 0 : i32
      %dma_wait3A_206 = tpu.memref_slice %arg8[%run_scoped3A_57, %dma_wait3A_204, %dma_wait3A_205] : memref<2x80x128xf32, #tpu.memory_space<vmem>> -> memref<1x80x128xf32, #tpu.memory_space<vmem>>
      %dma_wait3A_207 = tpu.memref_squeeze %dma_wait3A_206 : memref<1x80x128xf32, #tpu.memory_space<vmem>> -> memref<80x128xf32, #tpu.memory_space<vmem>>
      tpu.wait_dma2 semaphore(%run_scoped3A_183 : memref<!tpu.dma_semaphore, #tpu.memory_space<semaphore_mem>>) src(%dma_wait3A_207 : memref<80x128xf32, #tpu.memory_space<vmem>>) dst(%dma_wait3A_203 : memref<80x128xf32, #tpu.memory_space<vmem_shared>>)
      tpu.yield
    }) : () -> ()
    %add3A_58 = arith.constant 480 : i32
    %add3A_59 = arith.addi %multiple_of3A_40, %add3A_58 : i32
    %run_scoped3A_60 = arith.constant 1 : i32
    "tpu.region"() ({
      %run_scoped3A_183 = tpu.sem_alloc : memref<!tpu.dma_semaphore, #tpu.memory_space<semaphore_mem>>
      %dma_start3A_184 = arith.constant 0 : i32
      %dma_start3A_185 = arith.constant 0 : i32
      %dma_start3A_186 = tpu.memref_slice %arg8[%run_scoped3A_60, %dma_start3A_184, %dma_start3A_185] : memref<2x80x128xf32, #tpu.memory_space<vmem>> -> memref<1x80x128xf32, #tpu.memory_space<vmem>>
      %dma_start3A_187 = tpu.memref_squeeze %dma_start3A_186 : memref<1x80x128xf32, #tpu.memory_space<vmem>> -> memref<80x128xf32, #tpu.memory_space<vmem>>
      %dma_start3A_188 = arith.constant 0 : i32
      %dma_start3A_189 = tpu.memref_slice %arg9[%add3A_59, %dma_start3A_188] : memref<10240x128xf32, #tpu.memory_space<vmem_shared>> -> memref<80x128xf32, #tpu.memory_space<vmem_shared>>
      %dma_start3A_190 = arith.constant 0 : i32
      %dma_start3A_191 = tpu.memref_slice %arg9[%add3A_59, %dma_start3A_190] : memref<10240x128xf32, #tpu.memory_space<vmem_shared>> -> memref<80x128xf32, #tpu.memory_space<vmem_shared>>
      %dma_start3A_192 = arith.constant 0 : i32
      %dma_start3A_193 = arith.constant 0 : i32
      %dma_start3A_194 = tpu.memref_slice %arg8[%run_scoped3A_60, %dma_start3A_192, %dma_start3A_193] : memref<2x80x128xf32, #tpu.memory_space<vmem>> -> memref<1x80x128xf32, #tpu.memory_space<vmem>>
      %dma_start3A_195 = tpu.memref_squeeze %dma_start3A_194 : memref<1x80x128xf32, #tpu.memory_space<vmem>> -> memref<80x128xf32, #tpu.memory_space<vmem>>
      tpu.enqueue_dma source(%dma_start3A_195 : memref<80x128xf32, #tpu.memory_space<vmem>>) target(%dma_start3A_191 : memref<80x128xf32, #tpu.memory_space<vmem_shared>>) target_semaphore(%run_scoped3A_183 : memref<!tpu.dma_semaphore, #tpu.memory_space<semaphore_mem>>)
      %dma_wait3A_196 = arith.constant 0 : i32
      %dma_wait3A_197 = arith.constant 0 : i32
      %dma_wait3A_198 = tpu.memref_slice %arg8[%run_scoped3A_60, %dma_wait3A_196, %dma_wait3A_197] : memref<2x80x128xf32, #tpu.memory_space<vmem>> -> memref<1x80x128xf32, #tpu.memory_space<vmem>>
      %dma_wait3A_199 = tpu.memref_squeeze %dma_wait3A_198 : memref<1x80x128xf32, #tpu.memory_space<vmem>> -> memref<80x128xf32, #tpu.memory_space<vmem>>
      %dma_wait3A_200 = arith.constant 0 : i32
      %dma_wait3A_201 = tpu.memref_slice %arg9[%add3A_59, %dma_wait3A_200] : memref<10240x128xf32, #tpu.memory_space<vmem_shared>> -> memref<80x128xf32, #tpu.memory_space<vmem_shared>>
      %dma_wait3A_202 = arith.constant 0 : i32
      %dma_wait3A_203 = tpu.memref_slice %arg9[%add3A_59, %dma_wait3A_202] : memref<10240x128xf32, #tpu.memory_space<vmem_shared>> -> memref<80x128xf32, #tpu.memory_space<vmem_shared>>
      %dma_wait3A_204 = arith.constant 0 : i32
      %dma_wait3A_205 = arith.constant 0 : i32
      %dma_wait3A_206 = tpu.memref_slice %arg8[%run_scoped3A_60, %dma_wait3A_204, %dma_wait3A_205] : memref<2x80x128xf32, #tpu.memory_space<vmem>> -> memref<1x80x128xf32, #tpu.memory_space<vmem>>
      %dma_wait3A_207 = tpu.memref_squeeze %dma_wait3A_206 : memref<1x80x128xf32, #tpu.memory_space<vmem>> -> memref<80x128xf32, #tpu.memory_space<vmem>>
      tpu.wait_dma2 semaphore(%run_scoped3A_183 : memref<!tpu.dma_semaphore, #tpu.memory_space<semaphore_mem>>) src(%dma_wait3A_207 : memref<80x128xf32, #tpu.memory_space<vmem>>) dst(%dma_wait3A_203 : memref<80x128xf32, #tpu.memory_space<vmem_shared>>)
      tpu.yield
    }) : () -> ()
    %add3A_61 = arith.constant 560 : i32
    %add3A_62 = arith.addi %multiple_of3A_40, %add3A_61 : i32
    %run_scoped3A_63 = arith.constant 1 : i32
    "tpu.region"() ({
      %run_scoped3A_183 = tpu.sem_alloc : memref<!tpu.dma_semaphore, #tpu.memory_space<semaphore_mem>>
      %dma_start3A_184 = arith.constant 0 : i32
      %dma_start3A_185 = arith.constant 0 : i32
      %dma_start3A_186 = tpu.memref_slice %arg8[%run_scoped3A_63, %dma_start3A_184, %dma_start3A_185] : memref<2x80x128xf32, #tpu.memory_space<vmem>> -> memref<1x80x128xf32, #tpu.memory_space<vmem>>
      %dma_start3A_187 = tpu.memref_squeeze %dma_start3A_186 : memref<1x80x128xf32, #tpu.memory_space<vmem>> -> memref<80x128xf32, #tpu.memory_space<vmem>>
      %dma_start3A_188 = arith.constant 0 : i32
      %dma_start3A_189 = tpu.memref_slice %arg9[%add3A_62, %dma_start3A_188] : memref<10240x128xf32, #tpu.memory_space<vmem_shared>> -> memref<80x128xf32, #tpu.memory_space<vmem_shared>>
      %dma_start3A_190 = arith.constant 0 : i32
      %dma_start3A_191 = tpu.memref_slice %arg9[%add3A_62, %dma_start3A_190] : memref<10240x128xf32, #tpu.memory_space<vmem_shared>> -> memref<80x128xf32, #tpu.memory_space<vmem_shared>>
      %dma_start3A_192 = arith.constant 0 : i32
      %dma_start3A_193 = arith.constant 0 : i32
      %dma_start3A_194 = tpu.memref_slice %arg8[%run_scoped3A_63, %dma_start3A_192, %dma_start3A_193] : memref<2x80x128xf32, #tpu.memory_space<vmem>> -> memref<1x80x128xf32, #tpu.memory_space<vmem>>
      %dma_start3A_195 = tpu.memref_squeeze %dma_start3A_194 : memref<1x80x128xf32, #tpu.memory_space<vmem>> -> memref<80x128xf32, #tpu.memory_space<vmem>>
      tpu.enqueue_dma source(%dma_start3A_195 : memref<80x128xf32, #tpu.memory_space<vmem>>) target(%dma_start3A_191 : memref<80x128xf32, #tpu.memory_space<vmem_shared>>) target_semaphore(%run_scoped3A_183 : memref<!tpu.dma_semaphore, #tpu.memory_space<semaphore_mem>>)
      %dma_wait3A_196 = arith.constant 0 : i32
      %dma_wait3A_197 = arith.constant 0 : i32
      %dma_wait3A_198 = tpu.memref_slice %arg8[%run_scoped3A_63, %dma_wait3A_196, %dma_wait3A_197] : memref<2x80x128xf32, #tpu.memory_space<vmem>> -> memref<1x80x128xf32, #tpu.memory_space<vmem>>
      %dma_wait3A_199 = tpu.memref_squeeze %dma_wait3A_198 : memref<1x80x128xf32, #tpu.memory_space<vmem>> -> memref<80x128xf32, #tpu.memory_space<vmem>>
      %dma_wait3A_200 = arith.constant 0 : i32
      %dma_wait3A_201 = tpu.memref_slice %arg9[%add3A_62, %dma_wait3A_200] : memref<10240x128xf32, #tpu.memory_space<vmem_shared>> -> memref<80x128xf32, #tpu.memory_space<vmem_shared>>
      %dma_wait3A_202 = arith.constant 0 : i32
      %dma_wait3A_203 = tpu.memref_slice %arg9[%add3A_62, %dma_wait3A_202] : memref<10240x128xf32, #tpu.memory_space<vmem_shared>> -> memref<80x128xf32, #tpu.memory_space<vmem_shared>>
      %dma_wait3A_204 = arith.constant 0 : i32
      %dma_wait3A_205 = arith.constant 0 : i32
      %dma_wait3A_206 = tpu.memref_slice %arg8[%run_scoped3A_63, %dma_wait3A_204, %dma_wait3A_205] : memref<2x80x128xf32, #tpu.memory_space<vmem>> -> memref<1x80x128xf32, #tpu.memory_space<vmem>>
      %dma_wait3A_207 = tpu.memref_squeeze %dma_wait3A_206 : memref<1x80x128xf32, #tpu.memory_space<vmem>> -> memref<80x128xf32, #tpu.memory_space<vmem>>
      tpu.wait_dma2 semaphore(%run_scoped3A_183 : memref<!tpu.dma_semaphore, #tpu.memory_space<semaphore_mem>>) src(%dma_wait3A_207 : memref<80x128xf32, #tpu.memory_space<vmem>>) dst(%dma_wait3A_203 : memref<80x128xf32, #tpu.memory_space<vmem_shared>>)
      tpu.yield
    }) : () -> ()
    %add3A_64 = arith.constant 320000 : i32
    %add3A_65 = arith.addi %add3A_64, %multiple_of3A : i32
    %dma_wait3A_66 = arith.constant 1 : i32
    %dma_wait3A_67 = tpu.memref_slice %arg3[%add3A_65] : memref<640000xi32, #tpu.memory_space<hbm>> -> memref<10000xi32, #tpu.memory_space<hbm>>
    %dma_wait3A_68 = tpu.memref_slice %arg12[%dma_wait3A_66] : memref<2x!tpu.dma_semaphore, #tpu.memory_space<semaphore_mem>> -> memref<1x!tpu.dma_semaphore, #tpu.memory_space<semaphore_mem>>
    %dma_wait3A_69 = tpu.memref_squeeze %dma_wait3A_68 : memref<1x!tpu.dma_semaphore, #tpu.memory_space<semaphore_mem>> -> memref<!tpu.dma_semaphore, #tpu.memory_space<semaphore_mem>>
    %dma_wait3A_70 = tpu.memref_slice %arg3[%add3A_65] : memref<640000xi32, #tpu.memory_space<hbm>> -> memref<10000xi32, #tpu.memory_space<hbm>>
    tpu.wait_dma2 semaphore(%dma_wait3A_69 : memref<!tpu.dma_semaphore, #tpu.memory_space<semaphore_mem>>) src(%dma_wait3A_70 : memref<10000xi32, #tpu.memory_space<hbm>>) dst(%arg6 : memref<10000xi32, #tpu.memory_space<vmem>>)
    %barrier3A = arith.constant 0 : index
    tpu.barrier barrier_id(%barrier3A)
    %scan3A_71 = arith.constant 0 : i32
    %scan3A_72 = arith.constant 0 : i32
    %scan3A_73 = arith.constant 62 : i32
    %scan3A_74 = arith.addi %scan3A_72, %scan3A_73 : i32
    %scan3A_75 = arith.constant 1 : i32
    scf.for %scan3A_183 = %scan3A_72 to %scan3A_74 step %scan3A_75  : i32 {
      %mul3A_184 = arith.constant 2 : i32
      %mul3A_185 = arith.muli %scan3A_183, %mul3A_184 : i32
      %mul3A_186 = arith.constant 80 : i32
      %mul3A_187 = arith.muli %mul3A_185, %mul3A_186 : i32
      %multiple_of3A_188 = tpu.assume_multiple %mul3A_187, 8 : i32
      %dma_wait3A_189 = arith.constant 0 : i32
      %dma_wait3A_190 = arith.constant 0 : i32
      %dma_wait3A_191 = arith.constant 0 : i32
      %dma_wait3A_192 = arith.constant 0 : i32
      %dma_wait3A_193 = tpu.memref_slice %arg8[%dma_wait3A_189, %dma_wait3A_191, %dma_wait3A_192] : memref<2x80x128xf32, #tpu.memory_space<vmem>> -> memref<1x80x128xf32, #tpu.memory_space<vmem>>
      %dma_wait3A_194 = tpu.memref_squeeze %dma_wait3A_193 : memref<1x80x128xf32, #tpu.memory_space<vmem>> -> memref<80x128xf32, #tpu.memory_space<vmem>>
      %dma_wait3A_195 = tpu.memref_slice %arg5[%multiple_of3A_188] : memref<10000xi32, #tpu.memory_space<vmem>> -> memref<80xi32, #tpu.memory_space<vmem>>
      %dma_wait3A_196 = arith.constant 0 : i32
      %dma_wait3A_197 = arith.constant 0 : i32
      %dma_wait3A_198 = tpu.memref_slice %arg2[%dma_wait3A_196, %dma_wait3A_197] : memref<10000x128xf32, #tpu.memory_space<hbm>> -> memref<10000x128xf32, #tpu.memory_space<hbm>>
      %dma_wait3A_199 = tpu.memref_slice %arg10[%dma_wait3A_190] : memref<2x!tpu.dma_semaphore, #tpu.memory_space<semaphore_mem>> -> memref<1x!tpu.dma_semaphore, #tpu.memory_space<semaphore_mem>>
      %dma_wait3A_200 = tpu.memref_squeeze %dma_wait3A_199 : memref<1x!tpu.dma_semaphore, #tpu.memory_space<semaphore_mem>> -> memref<!tpu.dma_semaphore, #tpu.memory_space<semaphore_mem>>
      tpu.wait_indirect_dma semaphore(%dma_wait3A_200 : memref<!tpu.dma_semaphore, #tpu.memory_space<semaphore_mem>>) src(%dma_wait3A_198 : memref<10000x128xf32, #tpu.memory_space<hbm>>) dst(%dma_wait3A_194 : memref<80x128xf32, #tpu.memory_space<vmem>>)
      %ge3A = arith.constant 2 : i32
      %ge3A_201 = arith.cmpi sge, %mul3A_185, %ge3A : i32
      %convert_element_type3A = arith.extui %ge3A_201 : i1 to i32
      %cond3A = arith.constant 0 : i32
      %cond3A_202 = arith.cmpi ne, %convert_element_type3A, %cond3A : i32
      scf.if %cond3A_202 {
        %dma_wait3A_376 = arith.constant 1 : i32
        %dma_wait3A_377 = arith.constant 1 : i32
        %dma_wait3A_378 = arith.constant 1 : i32
        %dma_wait3A_379 = arith.constant 0 : i32
        %dma_wait3A_380 = arith.constant 0 : i32
        %dma_wait3A_381 = tpu.memref_slice %arg8[%dma_wait3A_376, %dma_wait3A_379, %dma_wait3A_380] : memref<2x80x128xf32, #tpu.memory_space<vmem>> -> memref<1x80x128xf32, #tpu.memory_space<vmem>>
        %dma_wait3A_382 = tpu.memref_squeeze %dma_wait3A_381 : memref<1x80x128xf32, #tpu.memory_space<vmem>> -> memref<80x128xf32, #tpu.memory_space<vmem>>
        %dma_wait3A_383 = arith.constant 0 : i32
        %dma_wait3A_384 = tpu.memref_slice %arg7[%dma_wait3A_377, %dma_wait3A_383] : memref<2x80xi32, #tpu.memory_space<vmem>> -> memref<1x80xi32, #tpu.memory_space<vmem>>
        %dma_wait3A_385 = tpu.memref_squeeze %dma_wait3A_384 : memref<1x80xi32, #tpu.memory_space<vmem>> -> memref<80xi32, #tpu.memory_space<vmem>>
        %dma_wait3A_386 = arith.constant 0 : i32
        %dma_wait3A_387 = arith.constant 0 : i32
        %dma_wait3A_388 = tpu.memref_slice %arg9[%dma_wait3A_386, %dma_wait3A_387] : memref<10240x128xf32, #tpu.memory_space<vmem_shared>> -> memref<10240x128xf32, #tpu.memory_space<vmem_shared>>
        %dma_wait3A_389 = tpu.memref_slice %arg11[%dma_wait3A_378] : memref<2x!tpu.dma_semaphore, #tpu.memory_space<semaphore_mem>> -> memref<1x!tpu.dma_semaphore, #tpu.memory_space<semaphore_mem>>
        %dma_wait3A_390 = tpu.memref_squeeze %dma_wait3A_389 : memref<1x!tpu.dma_semaphore, #tpu.memory_space<semaphore_mem>> -> memref<!tpu.dma_semaphore, #tpu.memory_space<semaphore_mem>>
        tpu.wait_indirect_dma semaphore(%dma_wait3A_390 : memref<!tpu.dma_semaphore, #tpu.memory_space<semaphore_mem>>) src(%dma_wait3A_382 : memref<80x128xf32, #tpu.memory_space<vmem>>) dst(%dma_wait3A_388 : memref<10240x128xf32, #tpu.memory_space<vmem_shared>>)
      } else {
      }
      %add3A_203 = arith.constant 1 : i32
      %add3A_204 = arith.addi %mul3A_185, %add3A_203 : i32
      %mul3A_205 = arith.constant 80 : i32
      %mul3A_206 = arith.muli %add3A_204, %mul3A_205 : i32
      %multiple_of3A_207 = tpu.assume_multiple %mul3A_206, 8 : i32
      %dma_start3A_208 = arith.constant 1 : i32
      %dma_start3A_209 = arith.constant 1 : i32
      %dma_start3A_210 = arith.constant 0 : i32
      %dma_start3A_211 = arith.constant 0 : i32
      %dma_start3A_212 = tpu.memref_slice %arg8[%dma_start3A_208, %dma_start3A_210, %dma_start3A_211] : memref<2x80x128xf32, #tpu.memory_space<vmem>> -> memref<1x80x128xf32, #tpu.memory_space<vmem>>
      %dma_start3A_213 = tpu.memref_squeeze %dma_start3A_212 : memref<1x80x128xf32, #tpu.memory_space<vmem>> -> memref<80x128xf32, #tpu.memory_space<vmem>>
      %dma_start3A_214 = tpu.memref_slice %arg5[%multiple_of3A_207] : memref<10000xi32, #tpu.memory_space<vmem>> -> memref<80xi32, #tpu.memory_space<vmem>>
      %dma_start3A_215 = arith.constant 0 : i32
      %dma_start3A_216 = arith.constant 0 : i32
      %dma_start3A_217 = tpu.memref_slice %arg2[%dma_start3A_215, %dma_start3A_216] : memref<10000x128xf32, #tpu.memory_space<hbm>> -> memref<10000x128xf32, #tpu.memory_space<hbm>>
      %dma_start3A_218 = tpu.memref_slice %arg10[%dma_start3A_209] : memref<2x!tpu.dma_semaphore, #tpu.memory_space<semaphore_mem>> -> memref<1x!tpu.dma_semaphore, #tpu.memory_space<semaphore_mem>>
      %dma_start3A_219 = tpu.memref_squeeze %dma_start3A_218 : memref<1x!tpu.dma_semaphore, #tpu.memory_space<semaphore_mem>> -> memref<!tpu.dma_semaphore, #tpu.memory_space<semaphore_mem>>
      tpu.enqueue_indirect_dma source(%dma_start3A_217 : memref<10000x128xf32, #tpu.memory_space<hbm>>) target(%dma_start3A_213 : memref<80x128xf32, #tpu.memory_space<vmem>>) offsets(%dma_start3A_214 : memref<80xi32, #tpu.memory_space<vmem>>) semaphore(%dma_start3A_219 : memref<!tpu.dma_semaphore, #tpu.memory_space<semaphore_mem>>)
      %mul3A_220 = arith.constant 80 : i32
      %mul3A_221 = arith.muli %mul3A_185, %mul3A_220 : i32
      %multiple_of3A_222 = tpu.assume_multiple %mul3A_221, 8 : i32
      %add3A_223 = arith.constant 0 : i32
      %add3A_224 = arith.addi %multiple_of3A_222, %add3A_223 : i32
      %get3A_225 = arith.index_cast %add3A_224 : i32 to index
      %get3A_226 = tpu.vector_load %arg6[%get3A_225] {strides = array<i32>} : memref<10000xi32, #tpu.memory_space<vmem>>, vector<16xi32>,
      %swap3A_227 = arith.constant 0 : i32
      %swap3A_228 = arith.index_cast %swap3A_227 : i32 to index
      %swap3A_229 = arith.constant 0 : index
      %swap3A_230 = tpu.vector_load %arg7[%swap3A_228, %swap3A_229] {strides = array<i32>} : memref<2x80xi32, #tpu.memory_space<vmem>>, vector<16xi32>,
      tpu.vector_store %arg7[%swap3A_228, %swap3A_229], %get3A_226 {strides = array<i32>} : memref<2x80xi32, #tpu.memory_space<vmem>>, vector<16xi32>,
      %add3A_231 = arith.constant 16 : i32
      %add3A_232 = arith.addi %multiple_of3A_222, %add3A_231 : i32
      %get3A_233 = arith.index_cast %add3A_232 : i32 to index
      %get3A_234 = tpu.vector_load %arg6[%get3A_233] {strides = array<i32>} : memref<10000xi32, #tpu.memory_space<vmem>>, vector<16xi32>,
      %swap3A_235 = arith.constant 0 : i32
      %swap3A_236 = arith.index_cast %swap3A_235 : i32 to index
      %swap3A_237 = arith.constant 16 : index
      %swap3A_238 = tpu.vector_load %arg7[%swap3A_236, %swap3A_237] {strides = array<i32>} : memref<2x80xi32, #tpu.memory_space<vmem>>, vector<16xi32>,
      tpu.vector_store %arg7[%swap3A_236, %swap3A_237], %get3A_234 {strides = array<i32>} : memref<2x80xi32, #tpu.memory_space<vmem>>, vector<16xi32>,
      %add3A_239 = arith.constant 32 : i32
      %add3A_240 = arith.addi %multiple_of3A_222, %add3A_239 : i32
      %get3A_241 = arith.index_cast %add3A_240 : i32 to index
      %get3A_242 = tpu.vector_load %arg6[%get3A_241] {strides = array<i32>} : memref<10000xi32, #tpu.memory_space<vmem>>, vector<16xi32>,
      %swap3A_243 = arith.constant 0 : i32
      %swap3A_244 = arith.index_cast %swap3A_243 : i32 to index
      %swap3A_245 = arith.constant 32 : index
      %swap3A_246 = tpu.vector_load %arg7[%swap3A_244, %swap3A_245] {strides = array<i32>} : memref<2x80xi32, #tpu.memory_space<vmem>>, vector<16xi32>,
      tpu.vector_store %arg7[%swap3A_244, %swap3A_245], %get3A_242 {strides = array<i32>} : memref<2x80xi32, #tpu.memory_space<vmem>>, vector<16xi32>,
      %add3A_247 = arith.constant 48 : i32
      %add3A_248 = arith.addi %multiple_of3A_222, %add3A_247 : i32
      %get3A_249 = arith.index_cast %add3A_248 : i32 to index
      %get3A_250 = tpu.vector_load %arg6[%get3A_249] {strides = array<i32>} : memref<10000xi32, #tpu.memory_space<vmem>>, vector<16xi32>,
      %swap3A_251 = arith.constant 0 : i32
      %swap3A_252 = arith.index_cast %swap3A_251 : i32 to index
      %swap3A_253 = arith.constant 48 : index
      %swap3A_254 = tpu.vector_load %arg7[%swap3A_252, %swap3A_253] {strides = array<i32>} : memref<2x80xi32, #tpu.memory_space<vmem>>, vector<16xi32>,
      tpu.vector_store %arg7[%swap3A_252, %swap3A_253], %get3A_250 {strides = array<i32>} : memref<2x80xi32, #tpu.memory_space<vmem>>, vector<16xi32>,
      %add3A_255 = arith.constant 64 : i32
      %add3A_256 = arith.addi %multiple_of3A_222, %add3A_255 : i32
      %get3A_257 = arith.index_cast %add3A_256 : i32 to index
      %get3A_258 = tpu.vector_load %arg6[%get3A_257] {strides = array<i32>} : memref<10000xi32, #tpu.memory_space<vmem>>, vector<16xi32>,
      %swap3A_259 = arith.constant 0 : i32
      %swap3A_260 = arith.index_cast %swap3A_259 : i32 to index
      %swap3A_261 = arith.constant 64 : index
      %swap3A_262 = tpu.vector_load %arg7[%swap3A_260, %swap3A_261] {strides = array<i32>} : memref<2x80xi32, #tpu.memory_space<vmem>>, vector<16xi32>,
      tpu.vector_store %arg7[%swap3A_260, %swap3A_261], %get3A_258 {strides = array<i32>} : memref<2x80xi32, #tpu.memory_space<vmem>>, vector<16xi32>,
      %dma_start3A_263 = arith.constant 0 : i32
      %dma_start3A_264 = arith.constant 0 : i32
      %dma_start3A_265 = arith.constant 0 : i32
      %dma_start3A_266 = arith.constant 0 : i32
      %dma_start3A_267 = arith.constant 0 : i32
      %dma_start3A_268 = tpu.memref_slice %arg8[%dma_start3A_263, %dma_start3A_266, %dma_start3A_267] : memref<2x80x128xf32, #tpu.memory_space<vmem>> -> memref<1x80x128xf32, #tpu.memory_space<vmem>>
      %dma_start3A_269 = tpu.memref_squeeze %dma_start3A_268 : memref<1x80x128xf32, #tpu.memory_space<vmem>> -> memref<80x128xf32, #tpu.memory_space<vmem>>
      %dma_start3A_270 = arith.constant 0 : i32
      %dma_start3A_271 = tpu.memref_slice %arg7[%dma_start3A_264, %dma_start3A_270] : memref<2x80xi32, #tpu.memory_space<vmem>> -> memref<1x80xi32, #tpu.memory_space<vmem>>
      %dma_start3A_272 = tpu.memref_squeeze %dma_start3A_271 : memref<1x80xi32, #tpu.memory_space<vmem>> -> memref<80xi32, #tpu.memory_space<vmem>>
      %dma_start3A_273 = arith.constant 0 : i32
      %dma_start3A_274 = arith.constant 0 : i32
      %dma_start3A_275 = tpu.memref_slice %arg9[%dma_start3A_273, %dma_start3A_274] : memref<10240x128xf32, #tpu.memory_space<vmem_shared>> -> memref<10240x128xf32, #tpu.memory_space<vmem_shared>>
      %dma_start3A_276 = tpu.memref_slice %arg11[%dma_start3A_265] : memref<2x!tpu.dma_semaphore, #tpu.memory_space<semaphore_mem>> -> memref<1x!tpu.dma_semaphore, #tpu.memory_space<semaphore_mem>>
      %dma_start3A_277 = tpu.memref_squeeze %dma_start3A_276 : memref<1x!tpu.dma_semaphore, #tpu.memory_space<semaphore_mem>> -> memref<!tpu.dma_semaphore, #tpu.memory_space<semaphore_mem>>
      tpu.enqueue_indirect_dma source(%dma_start3A_269 : memref<80x128xf32, #tpu.memory_space<vmem>>) target(%dma_start3A_275 : memref<10240x128xf32, #tpu.memory_space<vmem_shared>>) offsets(%dma_start3A_272 : memref<80xi32, #tpu.memory_space<vmem>>) semaphore(%dma_start3A_277 : memref<!tpu.dma_semaphore, #tpu.memory_space<semaphore_mem>>) {add = true}
      %add3A_278 = arith.constant 1 : i32
      %add3A_279 = arith.addi %mul3A_185, %add3A_278 : i32
      %mul3A_280 = arith.constant 80 : i32
      %mul3A_281 = arith.muli %add3A_279, %mul3A_280 : i32
      %multiple_of3A_282 = tpu.assume_multiple %mul3A_281, 8 : i32
      %dma_wait3A_283 = arith.constant 1 : i32
      %dma_wait3A_284 = arith.constant 1 : i32
      %dma_wait3A_285 = arith.constant 0 : i32
      %dma_wait3A_286 = arith.constant 0 : i32
      %dma_wait3A_287 = tpu.memref_slice %arg8[%dma_wait3A_283, %dma_wait3A_285, %dma_wait3A_286] : memref<2x80x128xf32, #tpu.memory_space<vmem>> -> memref<1x80x128xf32, #tpu.memory_space<vmem>>
      %dma_wait3A_288 = tpu.memref_squeeze %dma_wait3A_287 : memref<1x80x128xf32, #tpu.memory_space<vmem>> -> memref<80x128xf32, #tpu.memory_space<vmem>>
      %dma_wait3A_289 = tpu.memref_slice %arg5[%multiple_of3A_282] : memref<10000xi32, #tpu.memory_space<vmem>> -> memref<80xi32, #tpu.memory_space<vmem>>
      %dma_wait3A_290 = arith.constant 0 : i32
      %dma_wait3A_291 = arith.constant 0 : i32
      %dma_wait3A_292 = tpu.memref_slice %arg2[%dma_wait3A_290, %dma_wait3A_291] : memref<10000x128xf32, #tpu.memory_space<hbm>> -> memref<10000x128xf32, #tpu.memory_space<hbm>>
      %dma_wait3A_293 = tpu.memref_slice %arg10[%dma_wait3A_284] : memref<2x!tpu.dma_semaphore, #tpu.memory_space<semaphore_mem>> -> memref<1x!tpu.dma_semaphore, #tpu.memory_space<semaphore_mem>>
      %dma_wait3A_294 = tpu.memref_squeeze %dma_wait3A_293 : memref<1x!tpu.dma_semaphore, #tpu.memory_space<semaphore_mem>> -> memref<!tpu.dma_semaphore, #tpu.memory_space<semaphore_mem>>
      tpu.wait_indirect_dma semaphore(%dma_wait3A_294 : memref<!tpu.dma_semaphore, #tpu.memory_space<semaphore_mem>>) src(%dma_wait3A_292 : memref<10000x128xf32, #tpu.memory_space<hbm>>) dst(%dma_wait3A_288 : memref<80x128xf32, #tpu.memory_space<vmem>>)
      %dma_wait3A_295 = arith.constant 0 : i32
      %dma_wait3A_296 = arith.constant 0 : i32
      %dma_wait3A_297 = arith.constant 0 : i32
      %dma_wait3A_298 = arith.constant 0 : i32
      %dma_wait3A_299 = arith.constant 0 : i32
      %dma_wait3A_300 = tpu.memref_slice %arg8[%dma_wait3A_295, %dma_wait3A_298, %dma_wait3A_299] : memref<2x80x128xf32, #tpu.memory_space<vmem>> -> memref<1x80x128xf32, #tpu.memory_space<vmem>>
      %dma_wait3A_301 = tpu.memref_squeeze %dma_wait3A_300 : memref<1x80x128xf32, #tpu.memory_space<vmem>> -> memref<80x128xf32, #tpu.memory_space<vmem>>
      %dma_wait3A_302 = arith.constant 0 : i32
      %dma_wait3A_303 = tpu.memref_slice %arg7[%dma_wait3A_296, %dma_wait3A_302] : memref<2x80xi32, #tpu.memory_space<vmem>> -> memref<1x80xi32, #tpu.memory_space<vmem>>
      %dma_wait3A_304 = tpu.memref_squeeze %dma_wait3A_303 : memref<1x80xi32, #tpu.memory_space<vmem>> -> memref<80xi32, #tpu.memory_space<vmem>>
      %dma_wait3A_305 = arith.constant 0 : i32
      %dma_wait3A_306 = arith.constant 0 : i32
      %dma_wait3A_307 = tpu.memref_slice %arg9[%dma_wait3A_305, %dma_wait3A_306] : memref<10240x128xf32, #tpu.memory_space<vmem_shared>> -> memref<10240x128xf32, #tpu.memory_space<vmem_shared>>
      %dma_wait3A_308 = tpu.memref_slice %arg11[%dma_wait3A_297] : memref<2x!tpu.dma_semaphore, #tpu.memory_space<semaphore_mem>> -> memref<1x!tpu.dma_semaphore, #tpu.memory_space<semaphore_mem>>
      %dma_wait3A_309 = tpu.memref_squeeze %dma_wait3A_308 : memref<1x!tpu.dma_semaphore, #tpu.memory_space<semaphore_mem>> -> memref<!tpu.dma_semaphore, #tpu.memory_space<semaphore_mem>>
      tpu.wait_indirect_dma semaphore(%dma_wait3A_309 : memref<!tpu.dma_semaphore, #tpu.memory_space<semaphore_mem>>) src(%dma_wait3A_301 : memref<80x128xf32, #tpu.memory_space<vmem>>) dst(%dma_wait3A_307 : memref<10240x128xf32, #tpu.memory_space<vmem_shared>>)
      %add3A_310 = arith.constant 2 : i32
      %add3A_311 = arith.addi %mul3A_185, %add3A_310 : i32
      %lt3A = arith.constant 125 : i32
      %lt3A_312 = arith.cmpi slt, %add3A_311, %lt3A : i32
      %convert_element_type3A_313 = arith.extui %lt3A_312 : i1 to i32
      %cond3A_314 = arith.constant 0 : i32
      %cond3A_315 = arith.cmpi ne, %convert_element_type3A_313, %cond3A_314 : i32
      scf.if %cond3A_315 {
        %add3A_376 = arith.constant 2 : i32
        %add3A_377 = arith.addi %mul3A_185, %add3A_376 : i32
        %mul3A_378 = arith.constant 80 : i32
        %mul3A_379 = arith.muli %add3A_377, %mul3A_378 : i32
        %multiple_of3A_380 = tpu.assume_multiple %mul3A_379, 8 : i32
        %dma_start3A_381 = arith.constant 0 : i32
        %dma_start3A_382 = arith.constant 0 : i32
        %dma_start3A_383 = arith.constant 0 : i32
        %dma_start3A_384 = arith.constant 0 : i32
        %dma_start3A_385 = tpu.memref_slice %arg8[%dma_start3A_381, %dma_start3A_383, %dma_start3A_384] : memref<2x80x128xf32, #tpu.memory_space<vmem>> -> memref<1x80x128xf32, #tpu.memory_space<vmem>>
        %dma_start3A_386 = tpu.memref_squeeze %dma_start3A_385 : memref<1x80x128xf32, #tpu.memory_space<vmem>> -> memref<80x128xf32, #tpu.memory_space<vmem>>
        %dma_start3A_387 = tpu.memref_slice %arg5[%multiple_of3A_380] : memref<10000xi32, #tpu.memory_space<vmem>> -> memref<80xi32, #tpu.memory_space<vmem>>
        %dma_start3A_388 = arith.constant 0 : i32
        %dma_start3A_389 = arith.constant 0 : i32
        %dma_start3A_390 = tpu.memref_slice %arg2[%dma_start3A_388, %dma_start3A_389] : memref<10000x128xf32, #tpu.memory_space<hbm>> -> memref<10000x128xf32, #tpu.memory_space<hbm>>
        %dma_start3A_391 = tpu.memref_slice %arg10[%dma_start3A_382] : memref<2x!tpu.dma_semaphore, #tpu.memory_space<semaphore_mem>> -> memref<1x!tpu.dma_semaphore, #tpu.memory_space<semaphore_mem>>
        %dma_start3A_392 = tpu.memref_squeeze %dma_start3A_391 : memref<1x!tpu.dma_semaphore, #tpu.memory_space<semaphore_mem>> -> memref<!tpu.dma_semaphore, #tpu.memory_space<semaphore_mem>>
        tpu.enqueue_indirect_dma source(%dma_start3A_390 : memref<10000x128xf32, #tpu.memory_space<hbm>>) target(%dma_start3A_386 : memref<80x128xf32, #tpu.memory_space<vmem>>) offsets(%dma_start3A_387 : memref<80xi32, #tpu.memory_space<vmem>>) semaphore(%dma_start3A_392 : memref<!tpu.dma_semaphore, #tpu.memory_space<semaphore_mem>>)
      } else {
      }
      %add3A_316 = arith.constant 1 : i32
      %add3A_317 = arith.addi %mul3A_185, %add3A_316 : i32
      %mul3A_318 = arith.constant 80 : i32
      %mul3A_319 = arith.muli %add3A_317, %mul3A_318 : i32
      %multiple_of3A_320 = tpu.assume_multiple %mul3A_319, 8 : i32
      %add3A_321 = arith.constant 0 : i32
      %add3A_322 = arith.addi %multiple_of3A_320, %add3A_321 : i32
      %get3A_323 = arith.index_cast %add3A_322 : i32 to index
      %get3A_324 = tpu.vector_load %arg6[%get3A_323] {strides = array<i32>} : memref<10000xi32, #tpu.memory_space<vmem>>, vector<16xi32>,
      %swap3A_325 = arith.constant 1 : i32
      %swap3A_326 = arith.index_cast %swap3A_325 : i32 to index
      %swap3A_327 = arith.constant 0 : index
      %swap3A_328 = tpu.vector_load %arg7[%swap3A_326, %swap3A_327] {strides = array<i32>} : memref<2x80xi32, #tpu.memory_space<vmem>>, vector<16xi32>,
      tpu.vector_store %arg7[%swap3A_326, %swap3A_327], %get3A_324 {strides = array<i32>} : memref<2x80xi32, #tpu.memory_space<vmem>>, vector<16xi32>,
      %add3A_329 = arith.constant 16 : i32
      %add3A_330 = arith.addi %multiple_of3A_320, %add3A_329 : i32
      %get3A_331 = arith.index_cast %add3A_330 : i32 to index
      %get3A_332 = tpu.vector_load %arg6[%get3A_331] {strides = array<i32>} : memref<10000xi32, #tpu.memory_space<vmem>>, vector<16xi32>,
      %swap3A_333 = arith.constant 1 : i32
      %swap3A_334 = arith.index_cast %swap3A_333 : i32 to index
      %swap3A_335 = arith.constant 16 : index
      %swap3A_336 = tpu.vector_load %arg7[%swap3A_334, %swap3A_335] {strides = array<i32>} : memref<2x80xi32, #tpu.memory_space<vmem>>, vector<16xi32>,
      tpu.vector_store %arg7[%swap3A_334, %swap3A_335], %get3A_332 {strides = array<i32>} : memref<2x80xi32, #tpu.memory_space<vmem>>, vector<16xi32>,
      %add3A_337 = arith.constant 32 : i32
      %add3A_338 = arith.addi %multiple_of3A_320, %add3A_337 : i32
      %get3A_339 = arith.index_cast %add3A_338 : i32 to index
      %get3A_340 = tpu.vector_load %arg6[%get3A_339] {strides = array<i32>} : memref<10000xi32, #tpu.memory_space<vmem>>, vector<16xi32>,
      %swap3A_341 = arith.constant 1 : i32
      %swap3A_342 = arith.index_cast %swap3A_341 : i32 to index
      %swap3A_343 = arith.constant 32 : index
      %swap3A_344 = tpu.vector_load %arg7[%swap3A_342, %swap3A_343] {strides = array<i32>} : memref<2x80xi32, #tpu.memory_space<vmem>>, vector<16xi32>,
      tpu.vector_store %arg7[%swap3A_342, %swap3A_343], %get3A_340 {strides = array<i32>} : memref<2x80xi32, #tpu.memory_space<vmem>>, vector<16xi32>,
      %add3A_345 = arith.constant 48 : i32
      %add3A_346 = arith.addi %multiple_of3A_320, %add3A_345 : i32
      %get3A_347 = arith.index_cast %add3A_346 : i32 to index
      %get3A_348 = tpu.vector_load %arg6[%get3A_347] {strides = array<i32>} : memref<10000xi32, #tpu.memory_space<vmem>>, vector<16xi32>,
      %swap3A_349 = arith.constant 1 : i32
      %swap3A_350 = arith.index_cast %swap3A_349 : i32 to index
      %swap3A_351 = arith.constant 48 : index
      %swap3A_352 = tpu.vector_load %arg7[%swap3A_350, %swap3A_351] {strides = array<i32>} : memref<2x80xi32, #tpu.memory_space<vmem>>, vector<16xi32>,
      tpu.vector_store %arg7[%swap3A_350, %swap3A_351], %get3A_348 {strides = array<i32>} : memref<2x80xi32, #tpu.memory_space<vmem>>, vector<16xi32>,
      %add3A_353 = arith.constant 64 : i32
      %add3A_354 = arith.addi %multiple_of3A_320, %add3A_353 : i32
      %get3A_355 = arith.index_cast %add3A_354 : i32 to index
      %get3A_356 = tpu.vector_load %arg6[%get3A_355] {strides = array<i32>} : memref<10000xi32, #tpu.memory_space<vmem>>, vector<16xi32>,
      %swap3A_357 = arith.constant 1 : i32
      %swap3A_358 = arith.index_cast %swap3A_357 : i32 to index
      %swap3A_359 = arith.constant 64 : index
      %swap3A_360 = tpu.vector_load %arg7[%swap3A_358, %swap3A_359] {strides = array<i32>} : memref<2x80xi32, #tpu.memory_space<vmem>>, vector<16xi32>,
      tpu.vector_store %arg7[%swap3A_358, %swap3A_359], %get3A_356 {strides = array<i32>} : memref<2x80xi32, #tpu.memory_space<vmem>>, vector<16xi32>,
      %dma_start3A_361 = arith.constant 1 : i32
      %dma_start3A_362 = arith.constant 1 : i32
      %dma_start3A_363 = arith.constant 1 : i32
      %dma_start3A_364 = arith.constant 0 : i32
      %dma_start3A_365 = arith.constant 0 : i32
      %dma_start3A_366 = tpu.memref_slice %arg8[%dma_start3A_361, %dma_start3A_364, %dma_start3A_365] : memref<2x80x128xf32, #tpu.memory_space<vmem>> -> memref<1x80x128xf32, #tpu.memory_space<vmem>>
      %dma_start3A_367 = tpu.memref_squeeze %dma_start3A_366 : memref<1x80x128xf32, #tpu.memory_space<vmem>> -> memref<80x128xf32, #tpu.memory_space<vmem>>
      %dma_start3A_368 = arith.constant 0 : i32
      %dma_start3A_369 = tpu.memref_slice %arg7[%dma_start3A_362, %dma_start3A_368] : memref<2x80xi32, #tpu.memory_space<vmem>> -> memref<1x80xi32, #tpu.memory_space<vmem>>
      %dma_start3A_370 = tpu.memref_squeeze %dma_start3A_369 : memref<1x80xi32, #tpu.memory_space<vmem>> -> memref<80xi32, #tpu.memory_space<vmem>>
      %dma_start3A_371 = arith.constant 0 : i32
      %dma_start3A_372 = arith.constant 0 : i32
      %dma_start3A_373 = tpu.memref_slice %arg9[%dma_start3A_371, %dma_start3A_372] : memref<10240x128xf32, #tpu.memory_space<vmem_shared>> -> memref<10240x128xf32, #tpu.memory_space<vmem_shared>>
      %dma_start3A_374 = tpu.memref_slice %arg11[%dma_start3A_363] : memref<2x!tpu.dma_semaphore, #tpu.memory_space<semaphore_mem>> -> memref<1x!tpu.dma_semaphore, #tpu.memory_space<semaphore_mem>>
      %dma_start3A_375 = tpu.memref_squeeze %dma_start3A_374 : memref<1x!tpu.dma_semaphore, #tpu.memory_space<semaphore_mem>> -> memref<!tpu.dma_semaphore, #tpu.memory_space<semaphore_mem>>
      tpu.enqueue_indirect_dma source(%dma_start3A_367 : memref<80x128xf32, #tpu.memory_space<vmem>>) target(%dma_start3A_373 : memref<10240x128xf32, #tpu.memory_space<vmem_shared>>) offsets(%dma_start3A_370 : memref<80xi32, #tpu.memory_space<vmem>>) semaphore(%dma_start3A_375 : memref<!tpu.dma_semaphore, #tpu.memory_space<semaphore_mem>>) {add = true}
    }
    %scan3A_76 = arith.constant 62 : i32
    %dma_wait3A_77 = arith.constant 1 : i32
    %dma_wait3A_78 = arith.constant 1 : i32
    %dma_wait3A_79 = arith.constant 1 : i32
    %dma_wait3A_80 = arith.constant 0 : i32
    %dma_wait3A_81 = arith.constant 0 : i32
    %dma_wait3A_82 = tpu.memref_slice %arg8[%dma_wait3A_77, %dma_wait3A_80, %dma_wait3A_81] : memref<2x80x128xf32, #tpu.memory_space<vmem>> -> memref<1x80x128xf32, #tpu.memory_space<vmem>>
    %dma_wait3A_83 = tpu.memref_squeeze %dma_wait3A_82 : memref<1x80x128xf32, #tpu.memory_space<vmem>> -> memref<80x128xf32, #tpu.memory_space<vmem>>
    %dma_wait3A_84 = arith.constant 0 : i32
    %dma_wait3A_85 = tpu.memref_slice %arg7[%dma_wait3A_78, %dma_wait3A_84] : memref<2x80xi32, #tpu.memory_space<vmem>> -> memref<1x80xi32, #tpu.memory_space<vmem>>
    %dma_wait3A_86 = tpu.memref_squeeze %dma_wait3A_85 : memref<1x80xi32, #tpu.memory_space<vmem>> -> memref<80xi32, #tpu.memory_space<vmem>>
    %dma_wait3A_87 = arith.constant 0 : i32
    %dma_wait3A_88 = arith.constant 0 : i32
    %dma_wait3A_89 = tpu.memref_slice %arg9[%dma_wait3A_87, %dma_wait3A_88] : memref<10240x128xf32, #tpu.memory_space<vmem_shared>> -> memref<10240x128xf32, #tpu.memory_space<vmem_shared>>
    %dma_wait3A_90 = tpu.memref_slice %arg11[%dma_wait3A_79] : memref<2x!tpu.dma_semaphore, #tpu.memory_space<semaphore_mem>> -> memref<1x!tpu.dma_semaphore, #tpu.memory_space<semaphore_mem>>
    %dma_wait3A_91 = tpu.memref_squeeze %dma_wait3A_90 : memref<1x!tpu.dma_semaphore, #tpu.memory_space<semaphore_mem>> -> memref<!tpu.dma_semaphore, #tpu.memory_space<semaphore_mem>>
    tpu.wait_indirect_dma semaphore(%dma_wait3A_91 : memref<!tpu.dma_semaphore, #tpu.memory_space<semaphore_mem>>) src(%dma_wait3A_83 : memref<80x128xf32, #tpu.memory_space<vmem>>) dst(%dma_wait3A_89 : memref<10240x128xf32, #tpu.memory_space<vmem_shared>>)
    %multiple_of3A_92 = arith.constant 9920 : i32
    %multiple_of3A_93 = tpu.assume_multiple %multiple_of3A_92, 8 : i32
    %dma_wait3A_94 = arith.constant 0 : i32
    %dma_wait3A_95 = arith.constant 0 : i32
    %dma_wait3A_96 = arith.constant 0 : i32
    %dma_wait3A_97 = arith.constant 0 : i32
    %dma_wait3A_98 = tpu.memref_slice %arg8[%dma_wait3A_94, %dma_wait3A_96, %dma_wait3A_97] : memref<2x80x128xf32, #tpu.memory_space<vmem>> -> memref<1x80x128xf32, #tpu.memory_space<vmem>>
    %dma_wait3A_99 = tpu.memref_squeeze %dma_wait3A_98 : memref<1x80x128xf32, #tpu.memory_space<vmem>> -> memref<80x128xf32, #tpu.memory_space<vmem>>
    %dma_wait3A_100 = tpu.memref_slice %arg5[%multiple_of3A_93] : memref<10000xi32, #tpu.memory_space<vmem>> -> memref<80xi32, #tpu.memory_space<vmem>>
    %dma_wait3A_101 = arith.constant 0 : i32
    %dma_wait3A_102 = arith.constant 0 : i32
    %dma_wait3A_103 = tpu.memref_slice %arg2[%dma_wait3A_101, %dma_wait3A_102] : memref<10000x128xf32, #tpu.memory_space<hbm>> -> memref<10000x128xf32, #tpu.memory_space<hbm>>
    %dma_wait3A_104 = tpu.memref_slice %arg10[%dma_wait3A_95] : memref<2x!tpu.dma_semaphore, #tpu.memory_space<semaphore_mem>> -> memref<1x!tpu.dma_semaphore, #tpu.memory_space<semaphore_mem>>
    %dma_wait3A_105 = tpu.memref_squeeze %dma_wait3A_104 : memref<1x!tpu.dma_semaphore, #tpu.memory_space<semaphore_mem>> -> memref<!tpu.dma_semaphore, #tpu.memory_space<semaphore_mem>>
    tpu.wait_indirect_dma semaphore(%dma_wait3A_105 : memref<!tpu.dma_semaphore, #tpu.memory_space<semaphore_mem>>) src(%dma_wait3A_103 : memref<10000x128xf32, #tpu.memory_space<hbm>>) dst(%dma_wait3A_99 : memref<80x128xf32, #tpu.memory_space<vmem>>)
    %multiple_of3A_106 = arith.constant 9920 : i32
    %multiple_of3A_107 = tpu.assume_multiple %multiple_of3A_106, 8 : i32
    %add3A_108 = arith.constant 0 : i32
    %add3A_109 = arith.addi %multiple_of3A_107, %add3A_108 : i32
    %get3A = arith.index_cast %add3A_109 : i32 to index
    %get3A_110 = tpu.vector_load %arg6[%get3A] {strides = array<i32>} : memref<10000xi32, #tpu.memory_space<vmem>>, vector<16xi32>,
    %swap3A = arith.constant 0 : i32
    %swap3A_111 = arith.index_cast %swap3A : i32 to index
    %swap3A_112 = arith.constant 0 : index
    %swap3A_113 = tpu.vector_load %arg7[%swap3A_111, %swap3A_112] {strides = array<i32>} : memref<2x80xi32, #tpu.memory_space<vmem>>, vector<16xi32>,
    tpu.vector_store %arg7[%swap3A_111, %swap3A_112], %get3A_110 {strides = array<i32>} : memref<2x80xi32, #tpu.memory_space<vmem>>, vector<16xi32>,
    %add3A_114 = arith.constant 16 : i32
    %add3A_115 = arith.addi %multiple_of3A_107, %add3A_114 : i32
    %get3A_116 = arith.index_cast %add3A_115 : i32 to index
    %get3A_117 = tpu.vector_load %arg6[%get3A_116] {strides = array<i32>} : memref<10000xi32, #tpu.memory_space<vmem>>, vector<16xi32>,
    %swap3A_118 = arith.constant 0 : i32
    %swap3A_119 = arith.index_cast %swap3A_118 : i32 to index
    %swap3A_120 = arith.constant 16 : index
    %swap3A_121 = tpu.vector_load %arg7[%swap3A_119, %swap3A_120] {strides = array<i32>} : memref<2x80xi32, #tpu.memory_space<vmem>>, vector<16xi32>,
    tpu.vector_store %arg7[%swap3A_119, %swap3A_120], %get3A_117 {strides = array<i32>} : memref<2x80xi32, #tpu.memory_space<vmem>>, vector<16xi32>,
    %add3A_122 = arith.constant 32 : i32
    %add3A_123 = arith.addi %multiple_of3A_107, %add3A_122 : i32
    %get3A_124 = arith.index_cast %add3A_123 : i32 to index
    %get3A_125 = tpu.vector_load %arg6[%get3A_124] {strides = array<i32>} : memref<10000xi32, #tpu.memory_space<vmem>>, vector<16xi32>,
    %swap3A_126 = arith.constant 0 : i32
    %swap3A_127 = arith.index_cast %swap3A_126 : i32 to index
    %swap3A_128 = arith.constant 32 : index
    %swap3A_129 = tpu.vector_load %arg7[%swap3A_127, %swap3A_128] {strides = array<i32>} : memref<2x80xi32, #tpu.memory_space<vmem>>, vector<16xi32>,
    tpu.vector_store %arg7[%swap3A_127, %swap3A_128], %get3A_125 {strides = array<i32>} : memref<2x80xi32, #tpu.memory_space<vmem>>, vector<16xi32>,
    %add3A_130 = arith.constant 48 : i32
    %add3A_131 = arith.addi %multiple_of3A_107, %add3A_130 : i32
    %get3A_132 = arith.index_cast %add3A_131 : i32 to index
    %get3A_133 = tpu.vector_load %arg6[%get3A_132] {strides = array<i32>} : memref<10000xi32, #tpu.memory_space<vmem>>, vector<16xi32>,
    %swap3A_134 = arith.constant 0 : i32
    %swap3A_135 = arith.index_cast %swap3A_134 : i32 to index
    %swap3A_136 = arith.constant 48 : index
    %swap3A_137 = tpu.vector_load %arg7[%swap3A_135, %swap3A_136] {strides = array<i32>} : memref<2x80xi32, #tpu.memory_space<vmem>>, vector<16xi32>,
    tpu.vector_store %arg7[%swap3A_135, %swap3A_136], %get3A_133 {strides = array<i32>} : memref<2x80xi32, #tpu.memory_space<vmem>>, vector<16xi32>,
    %add3A_138 = arith.constant 64 : i32
    %add3A_139 = arith.addi %multiple_of3A_107, %add3A_138 : i32
    %get3A_140 = arith.index_cast %add3A_139 : i32 to index
    %get3A_141 = tpu.vector_load %arg6[%get3A_140] {strides = array<i32>} : memref<10000xi32, #tpu.memory_space<vmem>>, vector<16xi32>,
    %swap3A_142 = arith.constant 0 : i32
    %swap3A_143 = arith.index_cast %swap3A_142 : i32 to index
    %swap3A_144 = arith.constant 64 : index
    %swap3A_145 = tpu.vector_load %arg7[%swap3A_143, %swap3A_144] {strides = array<i32>} : memref<2x80xi32, #tpu.memory_space<vmem>>, vector<16xi32>,
    tpu.vector_store %arg7[%swap3A_143, %swap3A_144], %get3A_141 {strides = array<i32>} : memref<2x80xi32, #tpu.memory_space<vmem>>, vector<16xi32>,
    %dma_start3A_146 = arith.constant 0 : i32
    %dma_start3A_147 = arith.constant 0 : i32
    %dma_start3A_148 = arith.constant 0 : i32
    %dma_start3A_149 = arith.constant 0 : i32
    %dma_start3A_150 = arith.constant 0 : i32
    %dma_start3A_151 = tpu.memref_slice %arg8[%dma_start3A_146, %dma_start3A_149, %dma_start3A_150] : memref<2x80x128xf32, #tpu.memory_space<vmem>> -> memref<1x80x128xf32, #tpu.memory_space<vmem>>
    %dma_start3A_152 = tpu.memref_squeeze %dma_start3A_151 : memref<1x80x128xf32, #tpu.memory_space<vmem>> -> memref<80x128xf32, #tpu.memory_space<vmem>>
    %dma_start3A_153 = arith.constant 0 : i32
    %dma_start3A_154 = tpu.memref_slice %arg7[%dma_start3A_147, %dma_start3A_153] : memref<2x80xi32, #tpu.memory_space<vmem>> -> memref<1x80xi32, #tpu.memory_space<vmem>>
    %dma_start3A_155 = tpu.memref_squeeze %dma_start3A_154 : memref<1x80xi32, #tpu.memory_space<vmem>> -> memref<80xi32, #tpu.memory_space<vmem>>
    %dma_start3A_156 = arith.constant 0 : i32
    %dma_start3A_157 = arith.constant 0 : i32
    %dma_start3A_158 = tpu.memref_slice %arg9[%dma_start3A_156, %dma_start3A_157] : memref<10240x128xf32, #tpu.memory_space<vmem_shared>> -> memref<10240x128xf32, #tpu.memory_space<vmem_shared>>
    %dma_start3A_159 = tpu.memref_slice %arg11[%dma_start3A_148] : memref<2x!tpu.dma_semaphore, #tpu.memory_space<semaphore_mem>> -> memref<1x!tpu.dma_semaphore, #tpu.memory_space<semaphore_mem>>
    %dma_start3A_160 = tpu.memref_squeeze %dma_start3A_159 : memref<1x!tpu.dma_semaphore, #tpu.memory_space<semaphore_mem>> -> memref<!tpu.dma_semaphore, #tpu.memory_space<semaphore_mem>>
    tpu.enqueue_indirect_dma source(%dma_start3A_152 : memref<80x128xf32, #tpu.memory_space<vmem>>) target(%dma_start3A_158 : memref<10240x128xf32, #tpu.memory_space<vmem_shared>>) offsets(%dma_start3A_155 : memref<80xi32, #tpu.memory_space<vmem>>) semaphore(%dma_start3A_160 : memref<!tpu.dma_semaphore, #tpu.memory_space<semaphore_mem>>) {add = true}
    %dma_wait3A_161 = arith.constant 0 : i32
    %dma_wait3A_162 = arith.constant 0 : i32
    %dma_wait3A_163 = arith.constant 0 : i32
    %dma_wait3A_164 = arith.constant 0 : i32
    %dma_wait3A_165 = arith.constant 0 : i32
    %dma_wait3A_166 = tpu.memref_slice %arg8[%dma_wait3A_161, %dma_wait3A_164, %dma_wait3A_165] : memref<2x80x128xf32, #tpu.memory_space<vmem>> -> memref<1x80x128xf32, #tpu.memory_space<vmem>>
    %dma_wait3A_167 = tpu.memref_squeeze %dma_wait3A_166 : memref<1x80x128xf32, #tpu.memory_space<vmem>> -> memref<80x128xf32, #tpu.memory_space<vmem>>
    %dma_wait3A_168 = arith.constant 0 : i32
    %dma_wait3A_169 = tpu.memref_slice %arg7[%dma_wait3A_162, %dma_wait3A_168] : memref<2x80xi32, #tpu.memory_space<vmem>> -> memref<1x80xi32, #tpu.memory_space<vmem>>
    %dma_wait3A_170 = tpu.memref_squeeze %dma_wait3A_169 : memref<1x80xi32, #tpu.memory_space<vmem>> -> memref<80xi32, #tpu.memory_space<vmem>>
    %dma_wait3A_171 = arith.constant 0 : i32
    %dma_wait3A_172 = arith.constant 0 : i32
    %dma_wait3A_173 = tpu.memref_slice %arg9[%dma_wait3A_171, %dma_wait3A_172] : memref<10240x128xf32, #tpu.memory_space<vmem_shared>> -> memref<10240x128xf32, #tpu.memory_space<vmem_shared>>
    %dma_wait3A_174 = tpu.memref_slice %arg11[%dma_wait3A_163] : memref<2x!tpu.dma_semaphore, #tpu.memory_space<semaphore_mem>> -> memref<1x!tpu.dma_semaphore, #tpu.memory_space<semaphore_mem>>
    %dma_wait3A_175 = tpu.memref_squeeze %dma_wait3A_174 : memref<1x!tpu.dma_semaphore, #tpu.memory_space<semaphore_mem>> -> memref<!tpu.dma_semaphore, #tpu.memory_space<semaphore_mem>>
    tpu.wait_indirect_dma semaphore(%dma_wait3A_175 : memref<!tpu.dma_semaphore, #tpu.memory_space<semaphore_mem>>) src(%dma_wait3A_167 : memref<80x128xf32, #tpu.memory_space<vmem>>) dst(%dma_wait3A_173 : memref<10240x128xf32, #tpu.memory_space<vmem_shared>>)
    %barrier3A_176 = arith.constant 0 : index
    tpu.barrier barrier_id(%barrier3A_176)
    %mul3A_177 = arith.constant 10240 : i32
    %mul3A_178 = arith.muli %arg0, %mul3A_177 : i32
    %mul3A_179 = arith.constant 640 : i32
    %mul3A_180 = arith.muli %arg1, %mul3A_179 : i32
    %add3A_181 = arith.addi %mul3A_178, %mul3A_180 : i32
    %multiple_of3A_182 = tpu.assume_multiple %add3A_181, 8 : i32
    "tpu.region"() ({
      %run_scoped3A_183 = tpu.sem_alloc : memref<!tpu.dma_semaphore, #tpu.memory_space<semaphore_mem>>
      %dma_start3A_184 = arith.constant 0 : i32
      %dma_start3A_185 = tpu.memref_slice %arg4[%multiple_of3A_182, %dma_start3A_184] : memref<20480x128xf32, #tpu.memory_space<hbm>> -> memref<640x128xf32, #tpu.memory_space<hbm>>
      %dma_start3A_186 = arith.constant 0 : i32
      %dma_start3A_187 = tpu.memref_slice %arg9[%multiple_of3A_40, %dma_start3A_186] : memref<10240x128xf32, #tpu.memory_space<vmem_shared>> -> memref<640x128xf32, #tpu.memory_space<vmem_shared>>
      tpu.enqueue_dma source(%dma_start3A_187 : memref<640x128xf32, #tpu.memory_space<vmem_shared>>) target(%dma_start3A_185 : memref<640x128xf32, #tpu.memory_space<hbm>>) target_semaphore(%run_scoped3A_183 : memref<!tpu.dma_semaphore, #tpu.memory_space<semaphore_mem>>)
      %dma_wait3A_188 = arith.constant 0 : i32
      %dma_wait3A_189 = tpu.memref_slice %arg4[%multiple_of3A_182, %dma_wait3A_188] : memref<20480x128xf32, #tpu.memory_space<hbm>> -> memref<640x128xf32, #tpu.memory_space<hbm>>
      %dma_wait3A_190 = arith.constant 0 : i32
      %dma_wait3A_191 = tpu.memref_slice %arg9[%multiple_of3A_40, %dma_wait3A_190] : memref<10240x128xf32, #tpu.memory_space<vmem_shared>> -> memref<640x128xf32, #tpu.memory_space<vmem_shared>>
      tpu.wait_dma2 semaphore(%run_scoped3A_183 : memref<!tpu.dma_semaphore, #tpu.memory_space<semaphore_mem>>) src(%dma_wait3A_191 : memref<640x128xf32, #tpu.memory_space<vmem_shared>>) dst(%dma_wait3A_189 : memref<640x128xf32, #tpu.memory_space<hbm>>)
      tpu.yield
    }) : () -> ()
    return
  }
}

#map = affine_map<(d0, d1) -> (0)>
module attributes {stable_mosaic.version = 14 : i64} {
  func.func @_deg_body(%arg0: i32, %arg1: i32, %arg2: memref<640000xi32, #tpu.memory_space<hbm>>, %arg3: memref<640000xf32, #tpu.memory_space<hbm>>, %arg4: memref<10000xi32, #tpu.memory_space<vmem>>, %arg5: memref<10000xi32, #tpu.memory_space<vmem>>, %arg6: memref<10000xf32, #tpu.memory_space<vmem>>, %arg7: memref<10000xf32, #tpu.memory_space<vmem>>, %arg8: memref<2x!tpu.dma_semaphore, #tpu.memory_space<semaphore_mem>>) attributes {dimension_semantics = [#tpu.dimension_semantics<core_parallel>, #tpu.dimension_semantics<subcore_parallel>], iteration_bounds = array<i64: 2, 16>, scalar_prefetch = 0 : i64, scratch_operands = 5 : i64, tpu.core_type = #tpu.core_type<sc_vector_subcore>, window_params = [{transform_indices = #map}, {transform_indices = #map}]} {
    %mul3A = arith.constant 16 : i32
    %mul3A_0 = arith.muli %arg0, %mul3A : i32
    %add3A = arith.addi %mul3A_0, %arg1 : i32
    %mul3A_1 = arith.constant 10000 : i32
    %mul3A_2 = arith.muli %add3A, %mul3A_1 : i32
    %multiple_of3A = tpu.assume_multiple %mul3A_2, 8 : i32
    %broadcast_in_dim3A = arith.constant 0.000000e+00 : f32
    %broadcast_in_dim3A_3 = vector.broadcast %broadcast_in_dim3A : f32 to vector<16xf32>
    %broadcast_in_dim3A_4 = arith.constant 1.000000e+00 : f32
    %broadcast_in_dim3A_5 = vector.broadcast %broadcast_in_dim3A_4 : f32 to vector<16xf32>
    %dma_start3A = arith.constant 0 : i32
    %dma_start3A_6 = tpu.memref_slice %arg2[%multiple_of3A] : memref<640000xi32, #tpu.memory_space<hbm>> -> memref<10000xi32, #tpu.memory_space<hbm>>
    %dma_start3A_7 = tpu.memref_slice %arg8[%dma_start3A] : memref<2x!tpu.dma_semaphore, #tpu.memory_space<semaphore_mem>> -> memref<1x!tpu.dma_semaphore, #tpu.memory_space<semaphore_mem>>
    %dma_start3A_8 = tpu.memref_squeeze %dma_start3A_7 : memref<1x!tpu.dma_semaphore, #tpu.memory_space<semaphore_mem>> -> memref<!tpu.dma_semaphore, #tpu.memory_space<semaphore_mem>>
    %dma_start3A_9 = tpu.memref_slice %arg2[%multiple_of3A] : memref<640000xi32, #tpu.memory_space<hbm>> -> memref<10000xi32, #tpu.memory_space<hbm>>
    tpu.enqueue_dma source(%dma_start3A_9 : memref<10000xi32, #tpu.memory_space<hbm>>) target(%arg4 : memref<10000xi32, #tpu.memory_space<vmem>>) target_semaphore(%dma_start3A_8 : memref<!tpu.dma_semaphore, #tpu.memory_space<semaphore_mem>>)
    %add3A_10 = arith.constant 320000 : i32
    %add3A_11 = arith.addi %add3A_10, %multiple_of3A : i32
    %dma_start3A_12 = arith.constant 1 : i32
    %dma_start3A_13 = tpu.memref_slice %arg2[%add3A_11] : memref<640000xi32, #tpu.memory_space<hbm>> -> memref<10000xi32, #tpu.memory_space<hbm>>
    %dma_start3A_14 = tpu.memref_slice %arg8[%dma_start3A_12] : memref<2x!tpu.dma_semaphore, #tpu.memory_space<semaphore_mem>> -> memref<1x!tpu.dma_semaphore, #tpu.memory_space<semaphore_mem>>
    %dma_start3A_15 = tpu.memref_squeeze %dma_start3A_14 : memref<1x!tpu.dma_semaphore, #tpu.memory_space<semaphore_mem>> -> memref<!tpu.dma_semaphore, #tpu.memory_space<semaphore_mem>>
    %dma_start3A_16 = tpu.memref_slice %arg2[%add3A_11] : memref<640000xi32, #tpu.memory_space<hbm>> -> memref<10000xi32, #tpu.memory_space<hbm>>
    tpu.enqueue_dma source(%dma_start3A_16 : memref<10000xi32, #tpu.memory_space<hbm>>) target(%arg5 : memref<10000xi32, #tpu.memory_space<vmem>>) target_semaphore(%dma_start3A_15 : memref<!tpu.dma_semaphore, #tpu.memory_space<semaphore_mem>>)
    %scan3A = arith.constant 0 : i32
    %scan3A_17 = arith.constant 0 : i32
    %scan3A_18 = arith.constant 125 : i32
    %scan3A_19 = arith.addi %scan3A_17, %scan3A_18 : i32
    %scan3A_20 = arith.constant 1 : i32
    scf.for %scan3A_47 = %scan3A_17 to %scan3A_19 step %scan3A_20  : i32 {
      %mul3A_48 = arith.constant 5 : i32
      %mul3A_49 = arith.muli %scan3A_47, %mul3A_48 : i32
      %add3A_50 = arith.constant 0 : i32
      %add3A_51 = arith.addi %mul3A_49, %add3A_50 : i32
      %mul3A_52 = arith.constant 16 : i32
      %mul3A_53 = arith.muli %add3A_51, %mul3A_52 : i32
      %swap3A = arith.index_cast %mul3A_53 : i32 to index
      %swap3A_54 = tpu.vector_load %arg6[%swap3A] {strides = array<i32>} : memref<10000xf32, #tpu.memory_space<vmem>>, vector<16xf32>,
      tpu.vector_store %arg6[%swap3A], %broadcast_in_dim3A_3 {strides = array<i32>} : memref<10000xf32, #tpu.memory_space<vmem>>, vector<16xf32>,
      %mul3A_55 = arith.constant 5 : i32
      %mul3A_56 = arith.muli %scan3A_47, %mul3A_55 : i32
      %add3A_57 = arith.constant 0 : i32
      %add3A_58 = arith.addi %mul3A_56, %add3A_57 : i32
      %mul3A_59 = arith.constant 16 : i32
      %mul3A_60 = arith.muli %add3A_58, %mul3A_59 : i32
      %swap3A_61 = arith.index_cast %mul3A_60 : i32 to index
      %swap3A_62 = tpu.vector_load %arg7[%swap3A_61] {strides = array<i32>} : memref<10000xf32, #tpu.memory_space<vmem>>, vector<16xf32>,
      tpu.vector_store %arg7[%swap3A_61], %broadcast_in_dim3A_3 {strides = array<i32>} : memref<10000xf32, #tpu.memory_space<vmem>>, vector<16xf32>,
      %mul3A_63 = arith.constant 5 : i32
      %mul3A_64 = arith.muli %scan3A_47, %mul3A_63 : i32
      %add3A_65 = arith.constant 1 : i32
      %add3A_66 = arith.addi %mul3A_64, %add3A_65 : i32
      %mul3A_67 = arith.constant 16 : i32
      %mul3A_68 = arith.muli %add3A_66, %mul3A_67 : i32
      %swap3A_69 = arith.index_cast %mul3A_68 : i32 to index
      %swap3A_70 = tpu.vector_load %arg6[%swap3A_69] {strides = array<i32>} : memref<10000xf32, #tpu.memory_space<vmem>>, vector<16xf32>,
      tpu.vector_store %arg6[%swap3A_69], %broadcast_in_dim3A_3 {strides = array<i32>} : memref<10000xf32, #tpu.memory_space<vmem>>, vector<16xf32>,
      %mul3A_71 = arith.constant 5 : i32
      %mul3A_72 = arith.muli %scan3A_47, %mul3A_71 : i32
      %add3A_73 = arith.constant 1 : i32
      %add3A_74 = arith.addi %mul3A_72, %add3A_73 : i32
      %mul3A_75 = arith.constant 16 : i32
      %mul3A_76 = arith.muli %add3A_74, %mul3A_75 : i32
      %swap3A_77 = arith.index_cast %mul3A_76 : i32 to index
      %swap3A_78 = tpu.vector_load %arg7[%swap3A_77] {strides = array<i32>} : memref<10000xf32, #tpu.memory_space<vmem>>, vector<16xf32>,
      tpu.vector_store %arg7[%swap3A_77], %broadcast_in_dim3A_3 {strides = array<i32>} : memref<10000xf32, #tpu.memory_space<vmem>>, vector<16xf32>,
      %mul3A_79 = arith.constant 5 : i32
      %mul3A_80 = arith.muli %scan3A_47, %mul3A_79 : i32
      %add3A_81 = arith.constant 2 : i32
      %add3A_82 = arith.addi %mul3A_80, %add3A_81 : i32
      %mul3A_83 = arith.constant 16 : i32
      %mul3A_84 = arith.muli %add3A_82, %mul3A_83 : i32
      %swap3A_85 = arith.index_cast %mul3A_84 : i32 to index
      %swap3A_86 = tpu.vector_load %arg6[%swap3A_85] {strides = array<i32>} : memref<10000xf32, #tpu.memory_space<vmem>>, vector<16xf32>,
      tpu.vector_store %arg6[%swap3A_85], %broadcast_in_dim3A_3 {strides = array<i32>} : memref<10000xf32, #tpu.memory_space<vmem>>, vector<16xf32>,
      %mul3A_87 = arith.constant 5 : i32
      %mul3A_88 = arith.muli %scan3A_47, %mul3A_87 : i32
      %add3A_89 = arith.constant 2 : i32
      %add3A_90 = arith.addi %mul3A_88, %add3A_89 : i32
      %mul3A_91 = arith.constant 16 : i32
      %mul3A_92 = arith.muli %add3A_90, %mul3A_91 : i32
      %swap3A_93 = arith.index_cast %mul3A_92 : i32 to index
      %swap3A_94 = tpu.vector_load %arg7[%swap3A_93] {strides = array<i32>} : memref<10000xf32, #tpu.memory_space<vmem>>, vector<16xf32>,
      tpu.vector_store %arg7[%swap3A_93], %broadcast_in_dim3A_3 {strides = array<i32>} : memref<10000xf32, #tpu.memory_space<vmem>>, vector<16xf32>,
      %mul3A_95 = arith.constant 5 : i32
      %mul3A_96 = arith.muli %scan3A_47, %mul3A_95 : i32
      %add3A_97 = arith.constant 3 : i32
      %add3A_98 = arith.addi %mul3A_96, %add3A_97 : i32
      %mul3A_99 = arith.constant 16 : i32
      %mul3A_100 = arith.muli %add3A_98, %mul3A_99 : i32
      %swap3A_101 = arith.index_cast %mul3A_100 : i32 to index
      %swap3A_102 = tpu.vector_load %arg6[%swap3A_101] {strides = array<i32>} : memref<10000xf32, #tpu.memory_space<vmem>>, vector<16xf32>,
      tpu.vector_store %arg6[%swap3A_101], %broadcast_in_dim3A_3 {strides = array<i32>} : memref<10000xf32, #tpu.memory_space<vmem>>, vector<16xf32>,
      %mul3A_103 = arith.constant 5 : i32
      %mul3A_104 = arith.muli %scan3A_47, %mul3A_103 : i32
      %add3A_105 = arith.constant 3 : i32
      %add3A_106 = arith.addi %mul3A_104, %add3A_105 : i32
      %mul3A_107 = arith.constant 16 : i32
      %mul3A_108 = arith.muli %add3A_106, %mul3A_107 : i32
      %swap3A_109 = arith.index_cast %mul3A_108 : i32 to index
      %swap3A_110 = tpu.vector_load %arg7[%swap3A_109] {strides = array<i32>} : memref<10000xf32, #tpu.memory_space<vmem>>, vector<16xf32>,
      tpu.vector_store %arg7[%swap3A_109], %broadcast_in_dim3A_3 {strides = array<i32>} : memref<10000xf32, #tpu.memory_space<vmem>>, vector<16xf32>,
      %mul3A_111 = arith.constant 5 : i32
      %mul3A_112 = arith.muli %scan3A_47, %mul3A_111 : i32
      %add3A_113 = arith.constant 4 : i32
      %add3A_114 = arith.addi %mul3A_112, %add3A_113 : i32
      %mul3A_115 = arith.constant 16 : i32
      %mul3A_116 = arith.muli %add3A_114, %mul3A_115 : i32
      %swap3A_117 = arith.index_cast %mul3A_116 : i32 to index
      %swap3A_118 = tpu.vector_load %arg6[%swap3A_117] {strides = array<i32>} : memref<10000xf32, #tpu.memory_space<vmem>>, vector<16xf32>,
      tpu.vector_store %arg6[%swap3A_117], %broadcast_in_dim3A_3 {strides = array<i32>} : memref<10000xf32, #tpu.memory_space<vmem>>, vector<16xf32>,
      %mul3A_119 = arith.constant 5 : i32
      %mul3A_120 = arith.muli %scan3A_47, %mul3A_119 : i32
      %add3A_121 = arith.constant 4 : i32
      %add3A_122 = arith.addi %mul3A_120, %add3A_121 : i32
      %mul3A_123 = arith.constant 16 : i32
      %mul3A_124 = arith.muli %add3A_122, %mul3A_123 : i32
      %swap3A_125 = arith.index_cast %mul3A_124 : i32 to index
      %swap3A_126 = tpu.vector_load %arg7[%swap3A_125] {strides = array<i32>} : memref<10000xf32, #tpu.memory_space<vmem>>, vector<16xf32>,
      tpu.vector_store %arg7[%swap3A_125], %broadcast_in_dim3A_3 {strides = array<i32>} : memref<10000xf32, #tpu.memory_space<vmem>>, vector<16xf32>,
    }
    %scan3A_21 = arith.constant 125 : i32
    %dma_wait3A = arith.constant 0 : i32
    %dma_wait3A_22 = tpu.memref_slice %arg2[%multiple_of3A] : memref<640000xi32, #tpu.memory_space<hbm>> -> memref<10000xi32, #tpu.memory_space<hbm>>
    %dma_wait3A_23 = tpu.memref_slice %arg8[%dma_wait3A] : memref<2x!tpu.dma_semaphore, #tpu.memory_space<semaphore_mem>> -> memref<1x!tpu.dma_semaphore, #tpu.memory_space<semaphore_mem>>
    %dma_wait3A_24 = tpu.memref_squeeze %dma_wait3A_23 : memref<1x!tpu.dma_semaphore, #tpu.memory_space<semaphore_mem>> -> memref<!tpu.dma_semaphore, #tpu.memory_space<semaphore_mem>>
    %dma_wait3A_25 = tpu.memref_slice %arg2[%multiple_of3A] : memref<640000xi32, #tpu.memory_space<hbm>> -> memref<10000xi32, #tpu.memory_space<hbm>>
    tpu.wait_dma2 semaphore(%dma_wait3A_24 : memref<!tpu.dma_semaphore, #tpu.memory_space<semaphore_mem>>) src(%dma_wait3A_25 : memref<10000xi32, #tpu.memory_space<hbm>>) dst(%arg4 : memref<10000xi32, #tpu.memory_space<vmem>>)
    %add3A_26 = arith.constant 320000 : i32
    %add3A_27 = arith.addi %add3A_26, %multiple_of3A : i32
    %dma_wait3A_28 = arith.constant 1 : i32
    %dma_wait3A_29 = tpu.memref_slice %arg2[%add3A_27] : memref<640000xi32, #tpu.memory_space<hbm>> -> memref<10000xi32, #tpu.memory_space<hbm>>
    %dma_wait3A_30 = tpu.memref_slice %arg8[%dma_wait3A_28] : memref<2x!tpu.dma_semaphore, #tpu.memory_space<semaphore_mem>> -> memref<1x!tpu.dma_semaphore, #tpu.memory_space<semaphore_mem>>
    %dma_wait3A_31 = tpu.memref_squeeze %dma_wait3A_30 : memref<1x!tpu.dma_semaphore, #tpu.memory_space<semaphore_mem>> -> memref<!tpu.dma_semaphore, #tpu.memory_space<semaphore_mem>>
    %dma_wait3A_32 = tpu.memref_slice %arg2[%add3A_27] : memref<640000xi32, #tpu.memory_space<hbm>> -> memref<10000xi32, #tpu.memory_space<hbm>>
    tpu.wait_dma2 semaphore(%dma_wait3A_31 : memref<!tpu.dma_semaphore, #tpu.memory_space<semaphore_mem>>) src(%dma_wait3A_32 : memref<10000xi32, #tpu.memory_space<hbm>>) dst(%arg5 : memref<10000xi32, #tpu.memory_space<vmem>>)
    %scan3A_33 = arith.constant 0 : i32
    %scan3A_34 = arith.constant 0 : i32
    %scan3A_35 = arith.constant 125 : i32
    %scan3A_36 = arith.addi %scan3A_34, %scan3A_35 : i32
    %scan3A_37 = arith.constant 1 : i32
    scf.for %scan3A_47 = %scan3A_34 to %scan3A_36 step %scan3A_37  : i32 {
      %mul3A_48 = arith.constant 5 : i32
      %mul3A_49 = arith.muli %scan3A_47, %mul3A_48 : i32
      %add3A_50 = arith.constant 0 : i32
      %add3A_51 = arith.addi %mul3A_49, %add3A_50 : i32
      %mul3A_52 = arith.constant 16 : i32
      %mul3A_53 = arith.muli %add3A_51, %mul3A_52 : i32
      %get3A = arith.index_cast %mul3A_53 : i32 to index
      %get3A_54 = tpu.vector_load %arg4[%get3A] {strides = array<i32>} : memref<10000xi32, #tpu.memory_space<vmem>>, vector<16xi32>,
      %get3A_55 = arith.index_cast %mul3A_53 : i32 to index
      %get3A_56 = tpu.vector_load %arg5[%get3A_55] {strides = array<i32>} : memref<10000xi32, #tpu.memory_space<vmem>>, vector<16xi32>,
      tpu.vector_store_idx %arg6[%get3A_54], %broadcast_in_dim3A_5 {add = true} : memref<10000xf32, #tpu.memory_space<vmem>>[vector<16xi32>], vector<16xf32>,
      tpu.vector_store_idx %arg7[%get3A_56], %broadcast_in_dim3A_5 {add = true} : memref<10000xf32, #tpu.memory_space<vmem>>[vector<16xi32>], vector<16xf32>,
      %mul3A_57 = arith.constant 5 : i32
      %mul3A_58 = arith.muli %scan3A_47, %mul3A_57 : i32
      %add3A_59 = arith.constant 1 : i32
      %add3A_60 = arith.addi %mul3A_58, %add3A_59 : i32
      %mul3A_61 = arith.constant 16 : i32
      %mul3A_62 = arith.muli %add3A_60, %mul3A_61 : i32
      %get3A_63 = arith.index_cast %mul3A_62 : i32 to index
      %get3A_64 = tpu.vector_load %arg4[%get3A_63] {strides = array<i32>} : memref<10000xi32, #tpu.memory_space<vmem>>, vector<16xi32>,
      %get3A_65 = arith.index_cast %mul3A_62 : i32 to index
      %get3A_66 = tpu.vector_load %arg5[%get3A_65] {strides = array<i32>} : memref<10000xi32, #tpu.memory_space<vmem>>, vector<16xi32>,
      tpu.vector_store_idx %arg6[%get3A_64], %broadcast_in_dim3A_5 {add = true} : memref<10000xf32, #tpu.memory_space<vmem>>[vector<16xi32>], vector<16xf32>,
      tpu.vector_store_idx %arg7[%get3A_66], %broadcast_in_dim3A_5 {add = true} : memref<10000xf32, #tpu.memory_space<vmem>>[vector<16xi32>], vector<16xf32>,
      %mul3A_67 = arith.constant 5 : i32
      %mul3A_68 = arith.muli %scan3A_47, %mul3A_67 : i32
      %add3A_69 = arith.constant 2 : i32
      %add3A_70 = arith.addi %mul3A_68, %add3A_69 : i32
      %mul3A_71 = arith.constant 16 : i32
      %mul3A_72 = arith.muli %add3A_70, %mul3A_71 : i32
      %get3A_73 = arith.index_cast %mul3A_72 : i32 to index
      %get3A_74 = tpu.vector_load %arg4[%get3A_73] {strides = array<i32>} : memref<10000xi32, #tpu.memory_space<vmem>>, vector<16xi32>,
      %get3A_75 = arith.index_cast %mul3A_72 : i32 to index
      %get3A_76 = tpu.vector_load %arg5[%get3A_75] {strides = array<i32>} : memref<10000xi32, #tpu.memory_space<vmem>>, vector<16xi32>,
      tpu.vector_store_idx %arg6[%get3A_74], %broadcast_in_dim3A_5 {add = true} : memref<10000xf32, #tpu.memory_space<vmem>>[vector<16xi32>], vector<16xf32>,
      tpu.vector_store_idx %arg7[%get3A_76], %broadcast_in_dim3A_5 {add = true} : memref<10000xf32, #tpu.memory_space<vmem>>[vector<16xi32>], vector<16xf32>,
      %mul3A_77 = arith.constant 5 : i32
      %mul3A_78 = arith.muli %scan3A_47, %mul3A_77 : i32
      %add3A_79 = arith.constant 3 : i32
      %add3A_80 = arith.addi %mul3A_78, %add3A_79 : i32
      %mul3A_81 = arith.constant 16 : i32
      %mul3A_82 = arith.muli %add3A_80, %mul3A_81 : i32
      %get3A_83 = arith.index_cast %mul3A_82 : i32 to index
      %get3A_84 = tpu.vector_load %arg4[%get3A_83] {strides = array<i32>} : memref<10000xi32, #tpu.memory_space<vmem>>, vector<16xi32>,
      %get3A_85 = arith.index_cast %mul3A_82 : i32 to index
      %get3A_86 = tpu.vector_load %arg5[%get3A_85] {strides = array<i32>} : memref<10000xi32, #tpu.memory_space<vmem>>, vector<16xi32>,
      tpu.vector_store_idx %arg6[%get3A_84], %broadcast_in_dim3A_5 {add = true} : memref<10000xf32, #tpu.memory_space<vmem>>[vector<16xi32>], vector<16xf32>,
      tpu.vector_store_idx %arg7[%get3A_86], %broadcast_in_dim3A_5 {add = true} : memref<10000xf32, #tpu.memory_space<vmem>>[vector<16xi32>], vector<16xf32>,
      %mul3A_87 = arith.constant 5 : i32
      %mul3A_88 = arith.muli %scan3A_47, %mul3A_87 : i32
      %add3A_89 = arith.constant 4 : i32
      %add3A_90 = arith.addi %mul3A_88, %add3A_89 : i32
      %mul3A_91 = arith.constant 16 : i32
      %mul3A_92 = arith.muli %add3A_90, %mul3A_91 : i32
      %get3A_93 = arith.index_cast %mul3A_92 : i32 to index
      %get3A_94 = tpu.vector_load %arg4[%get3A_93] {strides = array<i32>} : memref<10000xi32, #tpu.memory_space<vmem>>, vector<16xi32>,
      %get3A_95 = arith.index_cast %mul3A_92 : i32 to index
      %get3A_96 = tpu.vector_load %arg5[%get3A_95] {strides = array<i32>} : memref<10000xi32, #tpu.memory_space<vmem>>, vector<16xi32>,
      tpu.vector_store_idx %arg6[%get3A_94], %broadcast_in_dim3A_5 {add = true} : memref<10000xf32, #tpu.memory_space<vmem>>[vector<16xi32>], vector<16xf32>,
      tpu.vector_store_idx %arg7[%get3A_96], %broadcast_in_dim3A_5 {add = true} : memref<10000xf32, #tpu.memory_space<vmem>>[vector<16xi32>], vector<16xf32>,
    }
    %scan3A_38 = arith.constant 125 : i32
    %mul3A_39 = arith.constant 10000 : i32
    %mul3A_40 = arith.muli %add3A, %mul3A_39 : i32
    %multiple_of3A_41 = tpu.assume_multiple %mul3A_40, 8 : i32
    "tpu.region"() ({
      %run_scoped3A = tpu.sem_alloc : memref<!tpu.dma_semaphore, #tpu.memory_space<semaphore_mem>>
      %dma_start3A_47 = tpu.memref_slice %arg3[%multiple_of3A_41] : memref<640000xf32, #tpu.memory_space<hbm>> -> memref<10000xf32, #tpu.memory_space<hbm>>
      %dma_start3A_48 = tpu.memref_slice %arg3[%multiple_of3A_41] : memref<640000xf32, #tpu.memory_space<hbm>> -> memref<10000xf32, #tpu.memory_space<hbm>>
      tpu.enqueue_dma source(%arg6 : memref<10000xf32, #tpu.memory_space<vmem>>) target(%dma_start3A_48 : memref<10000xf32, #tpu.memory_space<hbm>>) target_semaphore(%run_scoped3A : memref<!tpu.dma_semaphore, #tpu.memory_space<semaphore_mem>>)
      %dma_wait3A_49 = tpu.memref_slice %arg3[%multiple_of3A_41] : memref<640000xf32, #tpu.memory_space<hbm>> -> memref<10000xf32, #tpu.memory_space<hbm>>
      %dma_wait3A_50 = tpu.memref_slice %arg3[%multiple_of3A_41] : memref<640000xf32, #tpu.memory_space<hbm>> -> memref<10000xf32, #tpu.memory_space<hbm>>
      tpu.wait_dma2 semaphore(%run_scoped3A : memref<!tpu.dma_semaphore, #tpu.memory_space<semaphore_mem>>) src(%arg6 : memref<10000xf32, #tpu.memory_space<vmem>>) dst(%dma_wait3A_50 : memref<10000xf32, #tpu.memory_space<hbm>>)
      tpu.yield
    }) : () -> ()
    %add3A_42 = arith.constant 32 : i32
    %add3A_43 = arith.addi %add3A_42, %add3A : i32
    %mul3A_44 = arith.constant 10000 : i32
    %mul3A_45 = arith.muli %add3A_43, %mul3A_44 : i32
    %multiple_of3A_46 = tpu.assume_multiple %mul3A_45, 8 : i32
    "tpu.region"() ({
      %run_scoped3A = tpu.sem_alloc : memref<!tpu.dma_semaphore, #tpu.memory_space<semaphore_mem>>
      %dma_start3A_47 = tpu.memref_slice %arg3[%multiple_of3A_46] : memref<640000xf32, #tpu.memory_space<hbm>> -> memref<10000xf32, #tpu.memory_space<hbm>>
      %dma_start3A_48 = tpu.memref_slice %arg3[%multiple_of3A_46] : memref<640000xf32, #tpu.memory_space<hbm>> -> memref<10000xf32, #tpu.memory_space<hbm>>
      tpu.enqueue_dma source(%arg7 : memref<10000xf32, #tpu.memory_space<vmem>>) target(%dma_start3A_48 : memref<10000xf32, #tpu.memory_space<hbm>>) target_semaphore(%run_scoped3A : memref<!tpu.dma_semaphore, #tpu.memory_space<semaphore_mem>>)
      %dma_wait3A_49 = tpu.memref_slice %arg3[%multiple_of3A_46] : memref<640000xf32, #tpu.memory_space<hbm>> -> memref<10000xf32, #tpu.memory_space<hbm>>
      %dma_wait3A_50 = tpu.memref_slice %arg3[%multiple_of3A_46] : memref<640000xf32, #tpu.memory_space<hbm>> -> memref<10000xf32, #tpu.memory_space<hbm>>
      tpu.wait_dma2 semaphore(%run_scoped3A : memref<!tpu.dma_semaphore, #tpu.memory_space<semaphore_mem>>) src(%arg7 : memref<10000xf32, #tpu.memory_space<vmem>>) dst(%dma_wait3A_50 : memref<10000xf32, #tpu.memory_space<hbm>>)
      tpu.yield
    }) : () -> ()
    return
  }
}

#map = affine_map<(d0, d1) -> (0, 0)>
#map1 = affine_map<(d0, d1) -> (0)>
module attributes {stable_mosaic.version = 14 : i64} {
  func.func @_agg_body(%arg0: i32, %arg1: i32, %arg2: memref<10000x128xf32, #tpu.memory_space<hbm>>, %arg3: memref<640000xi32, #tpu.memory_space<hbm>>, %arg4: memref<20480x128xf32, #tpu.memory_space<hbm>>, %arg5: memref<10000xi32, #tpu.memory_space<vmem>>, %arg6: memref<10000xi32, #tpu.memory_space<vmem>>, %arg7: memref<2x80xi32, #tpu.memory_space<vmem>>, %arg8: memref<2x80x128xf32, #tpu.memory_space<vmem>>, %arg9: memref<10240x128xf32, #tpu.memory_space<vmem_shared>>, %arg10: memref<2x!tpu.dma_semaphore, #tpu.memory_space<semaphore_mem>>, %arg11: memref<2x!tpu.dma_semaphore, #tpu.memory_space<semaphore_mem>>, %arg12: memref<2x!tpu.dma_semaphore, #tpu.memory_space<semaphore_mem>>) attributes {dimension_semantics = [#tpu.dimension_semantics<core_parallel>, #tpu.dimension_semantics<subcore_parallel>], iteration_bounds = array<i64: 2, 16>, scalar_prefetch = 0 : i64, scratch_operands = 8 : i64, tpu.core_type = #tpu.core_type<sc_vector_subcore>, window_params = [{transform_indices = #map}, {transform_indices = #map1}, {transform_indices = #map}]} {
    %mul3A = arith.constant 16 : i32
    %mul3A_0 = arith.muli %arg0, %mul3A : i32
    %add3A = arith.addi %mul3A_0, %arg1 : i32
    %mul3A_1 = arith.constant 10000 : i32
    %mul3A_2 = arith.muli %add3A, %mul3A_1 : i32
    %multiple_of3A = tpu.assume_multiple %mul3A_2, 8 : i32
    %broadcast_in_dim3A = arith.constant 0.000000e+00 : f32
    %broadcast_in_dim3A_3 = vector.broadcast %broadcast_in_dim3A : f32 to vector<16xf32>
    %dma_start3A = arith.constant 0 : i32
    %dma_start3A_4 = tpu.memref_slice %arg3[%multiple_of3A] : memref<640000xi32, #tpu.memory_space<hbm>> -> memref<10000xi32, #tpu.memory_space<hbm>>
    %dma_start3A_5 = tpu.memref_slice %arg12[%dma_start3A] : memref<2x!tpu.dma_semaphore, #tpu.memory_space<semaphore_mem>> -> memref<1x!tpu.dma_semaphore, #tpu.memory_space<semaphore_mem>>
    %dma_start3A_6 = tpu.memref_squeeze %dma_start3A_5 : memref<1x!tpu.dma_semaphore, #tpu.memory_space<semaphore_mem>> -> memref<!tpu.dma_semaphore, #tpu.memory_space<semaphore_mem>>
    %dma_start3A_7 = tpu.memref_slice %arg3[%multiple_of3A] : memref<640000xi32, #tpu.memory_space<hbm>> -> memref<10000xi32, #tpu.memory_space<hbm>>
    tpu.enqueue_dma source(%dma_start3A_7 : memref<10000xi32, #tpu.memory_space<hbm>>) target(%arg5 : memref<10000xi32, #tpu.memory_space<vmem>>) target_semaphore(%dma_start3A_6 : memref<!tpu.dma_semaphore, #tpu.memory_space<semaphore_mem>>)
    %add3A_8 = arith.constant 320000 : i32
    %add3A_9 = arith.addi %add3A_8, %multiple_of3A : i32
    %dma_start3A_10 = arith.constant 1 : i32
    %dma_start3A_11 = tpu.memref_slice %arg3[%add3A_9] : memref<640000xi32, #tpu.memory_space<hbm>> -> memref<10000xi32, #tpu.memory_space<hbm>>
    %dma_start3A_12 = tpu.memref_slice %arg12[%dma_start3A_10] : memref<2x!tpu.dma_semaphore, #tpu.memory_space<semaphore_mem>> -> memref<1x!tpu.dma_semaphore, #tpu.memory_space<semaphore_mem>>
    %dma_start3A_13 = tpu.memref_squeeze %dma_start3A_12 : memref<1x!tpu.dma_semaphore, #tpu.memory_space<semaphore_mem>> -> memref<!tpu.dma_semaphore, #tpu.memory_space<semaphore_mem>>
    %dma_start3A_14 = tpu.memref_slice %arg3[%add3A_9] : memref<640000xi32, #tpu.memory_space<hbm>> -> memref<10000xi32, #tpu.memory_space<hbm>>
    tpu.enqueue_dma source(%dma_start3A_14 : memref<10000xi32, #tpu.memory_space<hbm>>) target(%arg6 : memref<10000xi32, #tpu.memory_space<vmem>>) target_semaphore(%dma_start3A_13 : memref<!tpu.dma_semaphore, #tpu.memory_space<semaphore_mem>>)
    %scan3A = arith.constant 0 : i32
    %scan3A_15 = arith.constant 0 : i32
    %scan3A_16 = arith.constant 80 : i32
    %scan3A_17 = arith.addi %scan3A_15, %scan3A_16 : i32
    %scan3A_18 = arith.constant 1 : i32
    scf.for %scan3A_183 = %scan3A_15 to %scan3A_17 step %scan3A_18  : i32 {
      %swap3A_184 = arith.constant 1 : i32
      %swap3A_185 = arith.index_cast %swap3A_184 : i32 to index
      %swap3A_186 = arith.index_cast %scan3A_183 : i32 to index
      %swap3A_187 = arith.constant 0 : index
      %swap3A_188 = tpu.vector_load %arg8[%swap3A_185, %swap3A_186, %swap3A_187] {strides = array<i32>} : memref<2x80x128xf32, #tpu.memory_space<vmem>>, vector<16xf32>,
      tpu.vector_store %arg8[%swap3A_185, %swap3A_186, %swap3A_187], %broadcast_in_dim3A_3 {strides = array<i32>} : memref<2x80x128xf32, #tpu.memory_space<vmem>>, vector<16xf32>,
      %swap3A_189 = arith.constant 1 : i32
      %swap3A_190 = arith.index_cast %swap3A_189 : i32 to index
      %swap3A_191 = arith.index_cast %scan3A_183 : i32 to index
      %swap3A_192 = arith.constant 16 : index
      %swap3A_193 = tpu.vector_load %arg8[%swap3A_190, %swap3A_191, %swap3A_192] {strides = array<i32>} : memref<2x80x128xf32, #tpu.memory_space<vmem>>, vector<16xf32>,
      tpu.vector_store %arg8[%swap3A_190, %swap3A_191, %swap3A_192], %broadcast_in_dim3A_3 {strides = array<i32>} : memref<2x80x128xf32, #tpu.memory_space<vmem>>, vector<16xf32>,
      %swap3A_194 = arith.constant 1 : i32
      %swap3A_195 = arith.index_cast %swap3A_194 : i32 to index
      %swap3A_196 = arith.index_cast %scan3A_183 : i32 to index
      %swap3A_197 = arith.constant 32 : index
      %swap3A_198 = tpu.vector_load %arg8[%swap3A_195, %swap3A_196, %swap3A_197] {strides = array<i32>} : memref<2x80x128xf32, #tpu.memory_space<vmem>>, vector<16xf32>,
      tpu.vector_store %arg8[%swap3A_195, %swap3A_196, %swap3A_197], %broadcast_in_dim3A_3 {strides = array<i32>} : memref<2x80x128xf32, #tpu.memory_space<vmem>>, vector<16xf32>,
      %swap3A_199 = arith.constant 1 : i32
      %swap3A_200 = arith.index_cast %swap3A_199 : i32 to index
      %swap3A_201 = arith.index_cast %scan3A_183 : i32 to index
      %swap3A_202 = arith.constant 48 : index
      %swap3A_203 = tpu.vector_load %arg8[%swap3A_200, %swap3A_201, %swap3A_202] {strides = array<i32>} : memref<2x80x128xf32, #tpu.memory_space<vmem>>, vector<16xf32>,
      tpu.vector_store %arg8[%swap3A_200, %swap3A_201, %swap3A_202], %broadcast_in_dim3A_3 {strides = array<i32>} : memref<2x80x128xf32, #tpu.memory_space<vmem>>, vector<16xf32>,
      %swap3A_204 = arith.constant 1 : i32
      %swap3A_205 = arith.index_cast %swap3A_204 : i32 to index
      %swap3A_206 = arith.index_cast %scan3A_183 : i32 to index
      %swap3A_207 = arith.constant 64 : index
      %swap3A_208 = tpu.vector_load %arg8[%swap3A_205, %swap3A_206, %swap3A_207] {strides = array<i32>} : memref<2x80x128xf32, #tpu.memory_space<vmem>>, vector<16xf32>,
      tpu.vector_store %arg8[%swap3A_205, %swap3A_206, %swap3A_207], %broadcast_in_dim3A_3 {strides = array<i32>} : memref<2x80x128xf32, #tpu.memory_space<vmem>>, vector<16xf32>,
      %swap3A_209 = arith.constant 1 : i32
      %swap3A_210 = arith.index_cast %swap3A_209 : i32 to index
      %swap3A_211 = arith.index_cast %scan3A_183 : i32 to index
      %swap3A_212 = arith.constant 80 : index
      %swap3A_213 = tpu.vector_load %arg8[%swap3A_210, %swap3A_211, %swap3A_212] {strides = array<i32>} : memref<2x80x128xf32, #tpu.memory_space<vmem>>, vector<16xf32>,
      tpu.vector_store %arg8[%swap3A_210, %swap3A_211, %swap3A_212], %broadcast_in_dim3A_3 {strides = array<i32>} : memref<2x80x128xf32, #tpu.memory_space<vmem>>, vector<16xf32>,
      %swap3A_214 = arith.constant 1 : i32
      %swap3A_215 = arith.index_cast %swap3A_214 : i32 to index
      %swap3A_216 = arith.index_cast %scan3A_183 : i32 to index
      %swap3A_217 = arith.constant 96 : index
      %swap3A_218 = tpu.vector_load %arg8[%swap3A_215, %swap3A_216, %swap3A_217] {strides = array<i32>} : memref<2x80x128xf32, #tpu.memory_space<vmem>>, vector<16xf32>,
      tpu.vector_store %arg8[%swap3A_215, %swap3A_216, %swap3A_217], %broadcast_in_dim3A_3 {strides = array<i32>} : memref<2x80x128xf32, #tpu.memory_space<vmem>>, vector<16xf32>,
      %swap3A_219 = arith.constant 1 : i32
      %swap3A_220 = arith.index_cast %swap3A_219 : i32 to index
      %swap3A_221 = arith.index_cast %scan3A_183 : i32 to index
      %swap3A_222 = arith.constant 112 : index
      %swap3A_223 = tpu.vector_load %arg8[%swap3A_220, %swap3A_221, %swap3A_222] {strides = array<i32>} : memref<2x80x128xf32, #tpu.memory_space<vmem>>, vector<16xf32>,
      tpu.vector_store %arg8[%swap3A_220, %swap3A_221, %swap3A_222], %broadcast_in_dim3A_3 {strides = array<i32>} : memref<2x80x128xf32, #tpu.memory_space<vmem>>, vector<16xf32>,
    }
    %scan3A_19 = arith.constant 80 : i32
    %dma_wait3A = arith.constant 0 : i32
    %dma_wait3A_20 = tpu.memref_slice %arg3[%multiple_of3A] : memref<640000xi32, #tpu.memory_space<hbm>> -> memref<10000xi32, #tpu.memory_space<hbm>>
    %dma_wait3A_21 = tpu.memref_slice %arg12[%dma_wait3A] : memref<2x!tpu.dma_semaphore, #tpu.memory_space<semaphore_mem>> -> memref<1x!tpu.dma_semaphore, #tpu.memory_space<semaphore_mem>>
    %dma_wait3A_22 = tpu.memref_squeeze %dma_wait3A_21 : memref<1x!tpu.dma_semaphore, #tpu.memory_space<semaphore_mem>> -> memref<!tpu.dma_semaphore, #tpu.memory_space<semaphore_mem>>
    %dma_wait3A_23 = tpu.memref_slice %arg3[%multiple_of3A] : memref<640000xi32, #tpu.memory_space<hbm>> -> memref<10000xi32, #tpu.memory_space<hbm>>
    tpu.wait_dma2 semaphore(%dma_wait3A_22 : memref<!tpu.dma_semaphore, #tpu.memory_space<semaphore_mem>>) src(%dma_wait3A_23 : memref<10000xi32, #tpu.memory_space<hbm>>) dst(%arg5 : memref<10000xi32, #tpu.memory_space<vmem>>)
    %multiple_of3A_24 = arith.constant 0 : i32
    %multiple_of3A_25 = tpu.assume_multiple %multiple_of3A_24, 8 : i32
    %dma_start3A_26 = arith.constant 0 : i32
    %dma_start3A_27 = arith.constant 0 : i32
    %dma_start3A_28 = arith.constant 0 : i32
    %dma_start3A_29 = arith.constant 0 : i32
    %dma_start3A_30 = tpu.memref_slice %arg8[%dma_start3A_26, %dma_start3A_28, %dma_start3A_29] : memref<2x80x128xf32, #tpu.memory_space<vmem>> -> memref<1x80x128xf32, #tpu.memory_space<vmem>>
    %dma_start3A_31 = tpu.memref_squeeze %dma_start3A_30 : memref<1x80x128xf32, #tpu.memory_space<vmem>> -> memref<80x128xf32, #tpu.memory_space<vmem>>
    %dma_start3A_32 = tpu.memref_slice %arg5[%multiple_of3A_25] : memref<10000xi32, #tpu.memory_space<vmem>> -> memref<80xi32, #tpu.memory_space<vmem>>
    %dma_start3A_33 = arith.constant 0 : i32
    %dma_start3A_34 = arith.constant 0 : i32
    %dma_start3A_35 = tpu.memref_slice %arg2[%dma_start3A_33, %dma_start3A_34] : memref<10000x128xf32, #tpu.memory_space<hbm>> -> memref<10000x128xf32, #tpu.memory_space<hbm>>
    %dma_start3A_36 = tpu.memref_slice %arg10[%dma_start3A_27] : memref<2x!tpu.dma_semaphore, #tpu.memory_space<semaphore_mem>> -> memref<1x!tpu.dma_semaphore, #tpu.memory_space<semaphore_mem>>
    %dma_start3A_37 = tpu.memref_squeeze %dma_start3A_36 : memref<1x!tpu.dma_semaphore, #tpu.memory_space<semaphore_mem>> -> memref<!tpu.dma_semaphore, #tpu.memory_space<semaphore_mem>>
    tpu.enqueue_indirect_dma source(%dma_start3A_35 : memref<10000x128xf32, #tpu.memory_space<hbm>>) target(%dma_start3A_31 : memref<80x128xf32, #tpu.memory_space<vmem>>) offsets(%dma_start3A_32 : memref<80xi32, #tpu.memory_space<vmem>>) semaphore(%dma_start3A_37 : memref<!tpu.dma_semaphore, #tpu.memory_space<semaphore_mem>>)
    %mul3A_38 = arith.constant 640 : i32
    %mul3A_39 = arith.muli %arg1, %mul3A_38 : i32
    %multiple_of3A_40 = tpu.assume_multiple %mul3A_39, 8 : i32
    %add3A_41 = arith.constant 0 : i32
    %add3A_42 = arith.addi %multiple_of3A_40, %add3A_41 : i32
    %run_scoped3A = arith.constant 1 : i32
    "tpu.region"() ({
      %run_scoped3A_183 = tpu.sem_alloc : memref<!tpu.dma_semaphore, #tpu.memory_space<semaphore_mem>>
      %dma_start3A_184 = arith.constant 0 : i32
      %dma_start3A_185 = arith.constant 0 : i32
      %dma_start3A_186 = tpu.memref_slice %arg8[%run_scoped3A, %dma_start3A_184, %dma_start3A_185] : memref<2x80x128xf32, #tpu.memory_space<vmem>> -> memref<1x80x128xf32, #tpu.memory_space<vmem>>
      %dma_start3A_187 = tpu.memref_squeeze %dma_start3A_186 : memref<1x80x128xf32, #tpu.memory_space<vmem>> -> memref<80x128xf32, #tpu.memory_space<vmem>>
      %dma_start3A_188 = arith.constant 0 : i32
      %dma_start3A_189 = tpu.memref_slice %arg9[%add3A_42, %dma_start3A_188] : memref<10240x128xf32, #tpu.memory_space<vmem_shared>> -> memref<80x128xf32, #tpu.memory_space<vmem_shared>>
      %dma_start3A_190 = arith.constant 0 : i32
      %dma_start3A_191 = tpu.memref_slice %arg9[%add3A_42, %dma_start3A_190] : memref<10240x128xf32, #tpu.memory_space<vmem_shared>> -> memref<80x128xf32, #tpu.memory_space<vmem_shared>>
      %dma_start3A_192 = arith.constant 0 : i32
      %dma_start3A_193 = arith.constant 0 : i32
      %dma_start3A_194 = tpu.memref_slice %arg8[%run_scoped3A, %dma_start3A_192, %dma_start3A_193] : memref<2x80x128xf32, #tpu.memory_space<vmem>> -> memref<1x80x128xf32, #tpu.memory_space<vmem>>
      %dma_start3A_195 = tpu.memref_squeeze %dma_start3A_194 : memref<1x80x128xf32, #tpu.memory_space<vmem>> -> memref<80x128xf32, #tpu.memory_space<vmem>>
      tpu.enqueue_dma source(%dma_start3A_195 : memref<80x128xf32, #tpu.memory_space<vmem>>) target(%dma_start3A_191 : memref<80x128xf32, #tpu.memory_space<vmem_shared>>) target_semaphore(%run_scoped3A_183 : memref<!tpu.dma_semaphore, #tpu.memory_space<semaphore_mem>>)
      %dma_wait3A_196 = arith.constant 0 : i32
      %dma_wait3A_197 = arith.constant 0 : i32
      %dma_wait3A_198 = tpu.memref_slice %arg8[%run_scoped3A, %dma_wait3A_196, %dma_wait3A_197] : memref<2x80x128xf32, #tpu.memory_space<vmem>> -> memref<1x80x128xf32, #tpu.memory_space<vmem>>
      %dma_wait3A_199 = tpu.memref_squeeze %dma_wait3A_198 : memref<1x80x128xf32, #tpu.memory_space<vmem>> -> memref<80x128xf32, #tpu.memory_space<vmem>>
      %dma_wait3A_200 = arith.constant 0 : i32
      %dma_wait3A_201 = tpu.memref_slice %arg9[%add3A_42, %dma_wait3A_200] : memref<10240x128xf32, #tpu.memory_space<vmem_shared>> -> memref<80x128xf32, #tpu.memory_space<vmem_shared>>
      %dma_wait3A_202 = arith.constant 0 : i32
      %dma_wait3A_203 = tpu.memref_slice %arg9[%add3A_42, %dma_wait3A_202] : memref<10240x128xf32, #tpu.memory_space<vmem_shared>> -> memref<80x128xf32, #tpu.memory_space<vmem_shared>>
      %dma_wait3A_204 = arith.constant 0 : i32
      %dma_wait3A_205 = arith.constant 0 : i32
      %dma_wait3A_206 = tpu.memref_slice %arg8[%run_scoped3A, %dma_wait3A_204, %dma_wait3A_205] : memref<2x80x128xf32, #tpu.memory_space<vmem>> -> memref<1x80x128xf32, #tpu.memory_space<vmem>>
      %dma_wait3A_207 = tpu.memref_squeeze %dma_wait3A_206 : memref<1x80x128xf32, #tpu.memory_space<vmem>> -> memref<80x128xf32, #tpu.memory_space<vmem>>
      tpu.wait_dma2 semaphore(%run_scoped3A_183 : memref<!tpu.dma_semaphore, #tpu.memory_space<semaphore_mem>>) src(%dma_wait3A_207 : memref<80x128xf32, #tpu.memory_space<vmem>>) dst(%dma_wait3A_203 : memref<80x128xf32, #tpu.memory_space<vmem_shared>>)
      tpu.yield
    }) : () -> ()
    %add3A_43 = arith.constant 80 : i32
    %add3A_44 = arith.addi %multiple_of3A_40, %add3A_43 : i32
    %run_scoped3A_45 = arith.constant 1 : i32
    "tpu.region"() ({
      %run_scoped3A_183 = tpu.sem_alloc : memref<!tpu.dma_semaphore, #tpu.memory_space<semaphore_mem>>
      %dma_start3A_184 = arith.constant 0 : i32
      %dma_start3A_185 = arith.constant 0 : i32
      %dma_start3A_186 = tpu.memref_slice %arg8[%run_scoped3A_45, %dma_start3A_184, %dma_start3A_185] : memref<2x80x128xf32, #tpu.memory_space<vmem>> -> memref<1x80x128xf32, #tpu.memory_space<vmem>>
      %dma_start3A_187 = tpu.memref_squeeze %dma_start3A_186 : memref<1x80x128xf32, #tpu.memory_space<vmem>> -> memref<80x128xf32, #tpu.memory_space<vmem>>
      %dma_start3A_188 = arith.constant 0 : i32
      %dma_start3A_189 = tpu.memref_slice %arg9[%add3A_44, %dma_start3A_188] : memref<10240x128xf32, #tpu.memory_space<vmem_shared>> -> memref<80x128xf32, #tpu.memory_space<vmem_shared>>
      %dma_start3A_190 = arith.constant 0 : i32
      %dma_start3A_191 = tpu.memref_slice %arg9[%add3A_44, %dma_start3A_190] : memref<10240x128xf32, #tpu.memory_space<vmem_shared>> -> memref<80x128xf32, #tpu.memory_space<vmem_shared>>
      %dma_start3A_192 = arith.constant 0 : i32
      %dma_start3A_193 = arith.constant 0 : i32
      %dma_start3A_194 = tpu.memref_slice %arg8[%run_scoped3A_45, %dma_start3A_192, %dma_start3A_193] : memref<2x80x128xf32, #tpu.memory_space<vmem>> -> memref<1x80x128xf32, #tpu.memory_space<vmem>>
      %dma_start3A_195 = tpu.memref_squeeze %dma_start3A_194 : memref<1x80x128xf32, #tpu.memory_space<vmem>> -> memref<80x128xf32, #tpu.memory_space<vmem>>
      tpu.enqueue_dma source(%dma_start3A_195 : memref<80x128xf32, #tpu.memory_space<vmem>>) target(%dma_start3A_191 : memref<80x128xf32, #tpu.memory_space<vmem_shared>>) target_semaphore(%run_scoped3A_183 : memref<!tpu.dma_semaphore, #tpu.memory_space<semaphore_mem>>)
      %dma_wait3A_196 = arith.constant 0 : i32
      %dma_wait3A_197 = arith.constant 0 : i32
      %dma_wait3A_198 = tpu.memref_slice %arg8[%run_scoped3A_45, %dma_wait3A_196, %dma_wait3A_197] : memref<2x80x128xf32, #tpu.memory_space<vmem>> -> memref<1x80x128xf32, #tpu.memory_space<vmem>>
      %dma_wait3A_199 = tpu.memref_squeeze %dma_wait3A_198 : memref<1x80x128xf32, #tpu.memory_space<vmem>> -> memref<80x128xf32, #tpu.memory_space<vmem>>
      %dma_wait3A_200 = arith.constant 0 : i32
      %dma_wait3A_201 = tpu.memref_slice %arg9[%add3A_44, %dma_wait3A_200] : memref<10240x128xf32, #tpu.memory_space<vmem_shared>> -> memref<80x128xf32, #tpu.memory_space<vmem_shared>>
      %dma_wait3A_202 = arith.constant 0 : i32
      %dma_wait3A_203 = tpu.memref_slice %arg9[%add3A_44, %dma_wait3A_202] : memref<10240x128xf32, #tpu.memory_space<vmem_shared>> -> memref<80x128xf32, #tpu.memory_space<vmem_shared>>
      %dma_wait3A_204 = arith.constant 0 : i32
      %dma_wait3A_205 = arith.constant 0 : i32
      %dma_wait3A_206 = tpu.memref_slice %arg8[%run_scoped3A_45, %dma_wait3A_204, %dma_wait3A_205] : memref<2x80x128xf32, #tpu.memory_space<vmem>> -> memref<1x80x128xf32, #tpu.memory_space<vmem>>
      %dma_wait3A_207 = tpu.memref_squeeze %dma_wait3A_206 : memref<1x80x128xf32, #tpu.memory_space<vmem>> -> memref<80x128xf32, #tpu.memory_space<vmem>>
      tpu.wait_dma2 semaphore(%run_scoped3A_183 : memref<!tpu.dma_semaphore, #tpu.memory_space<semaphore_mem>>) src(%dma_wait3A_207 : memref<80x128xf32, #tpu.memory_space<vmem>>) dst(%dma_wait3A_203 : memref<80x128xf32, #tpu.memory_space<vmem_shared>>)
      tpu.yield
    }) : () -> ()
    %add3A_46 = arith.constant 160 : i32
    %add3A_47 = arith.addi %multiple_of3A_40, %add3A_46 : i32
    %run_scoped3A_48 = arith.constant 1 : i32
    "tpu.region"() ({
      %run_scoped3A_183 = tpu.sem_alloc : memref<!tpu.dma_semaphore, #tpu.memory_space<semaphore_mem>>
      %dma_start3A_184 = arith.constant 0 : i32
      %dma_start3A_185 = arith.constant 0 : i32
      %dma_start3A_186 = tpu.memref_slice %arg8[%run_scoped3A_48, %dma_start3A_184, %dma_start3A_185] : memref<2x80x128xf32, #tpu.memory_space<vmem>> -> memref<1x80x128xf32, #tpu.memory_space<vmem>>
      %dma_start3A_187 = tpu.memref_squeeze %dma_start3A_186 : memref<1x80x128xf32, #tpu.memory_space<vmem>> -> memref<80x128xf32, #tpu.memory_space<vmem>>
      %dma_start3A_188 = arith.constant 0 : i32
      %dma_start3A_189 = tpu.memref_slice %arg9[%add3A_47, %dma_start3A_188] : memref<10240x128xf32, #tpu.memory_space<vmem_shared>> -> memref<80x128xf32, #tpu.memory_space<vmem_shared>>
      %dma_start3A_190 = arith.constant 0 : i32
      %dma_start3A_191 = tpu.memref_slice %arg9[%add3A_47, %dma_start3A_190] : memref<10240x128xf32, #tpu.memory_space<vmem_shared>> -> memref<80x128xf32, #tpu.memory_space<vmem_shared>>
      %dma_start3A_192 = arith.constant 0 : i32
      %dma_start3A_193 = arith.constant 0 : i32
      %dma_start3A_194 = tpu.memref_slice %arg8[%run_scoped3A_48, %dma_start3A_192, %dma_start3A_193] : memref<2x80x128xf32, #tpu.memory_space<vmem>> -> memref<1x80x128xf32, #tpu.memory_space<vmem>>
      %dma_start3A_195 = tpu.memref_squeeze %dma_start3A_194 : memref<1x80x128xf32, #tpu.memory_space<vmem>> -> memref<80x128xf32, #tpu.memory_space<vmem>>
      tpu.enqueue_dma source(%dma_start3A_195 : memref<80x128xf32, #tpu.memory_space<vmem>>) target(%dma_start3A_191 : memref<80x128xf32, #tpu.memory_space<vmem_shared>>) target_semaphore(%run_scoped3A_183 : memref<!tpu.dma_semaphore, #tpu.memory_space<semaphore_mem>>)
      %dma_wait3A_196 = arith.constant 0 : i32
      %dma_wait3A_197 = arith.constant 0 : i32
      %dma_wait3A_198 = tpu.memref_slice %arg8[%run_scoped3A_48, %dma_wait3A_196, %dma_wait3A_197] : memref<2x80x128xf32, #tpu.memory_space<vmem>> -> memref<1x80x128xf32, #tpu.memory_space<vmem>>
      %dma_wait3A_199 = tpu.memref_squeeze %dma_wait3A_198 : memref<1x80x128xf32, #tpu.memory_space<vmem>> -> memref<80x128xf32, #tpu.memory_space<vmem>>
      %dma_wait3A_200 = arith.constant 0 : i32
      %dma_wait3A_201 = tpu.memref_slice %arg9[%add3A_47, %dma_wait3A_200] : memref<10240x128xf32, #tpu.memory_space<vmem_shared>> -> memref<80x128xf32, #tpu.memory_space<vmem_shared>>
      %dma_wait3A_202 = arith.constant 0 : i32
      %dma_wait3A_203 = tpu.memref_slice %arg9[%add3A_47, %dma_wait3A_202] : memref<10240x128xf32, #tpu.memory_space<vmem_shared>> -> memref<80x128xf32, #tpu.memory_space<vmem_shared>>
      %dma_wait3A_204 = arith.constant 0 : i32
      %dma_wait3A_205 = arith.constant 0 : i32
      %dma_wait3A_206 = tpu.memref_slice %arg8[%run_scoped3A_48, %dma_wait3A_204, %dma_wait3A_205] : memref<2x80x128xf32, #tpu.memory_space<vmem>> -> memref<1x80x128xf32, #tpu.memory_space<vmem>>
      %dma_wait3A_207 = tpu.memref_squeeze %dma_wait3A_206 : memref<1x80x128xf32, #tpu.memory_space<vmem>> -> memref<80x128xf32, #tpu.memory_space<vmem>>
      tpu.wait_dma2 semaphore(%run_scoped3A_183 : memref<!tpu.dma_semaphore, #tpu.memory_space<semaphore_mem>>) src(%dma_wait3A_207 : memref<80x128xf32, #tpu.memory_space<vmem>>) dst(%dma_wait3A_203 : memref<80x128xf32, #tpu.memory_space<vmem_shared>>)
      tpu.yield
    }) : () -> ()
    %add3A_49 = arith.constant 240 : i32
    %add3A_50 = arith.addi %multiple_of3A_40, %add3A_49 : i32
    %run_scoped3A_51 = arith.constant 1 : i32
    "tpu.region"() ({
      %run_scoped3A_183 = tpu.sem_alloc : memref<!tpu.dma_semaphore, #tpu.memory_space<semaphore_mem>>
      %dma_start3A_184 = arith.constant 0 : i32
      %dma_start3A_185 = arith.constant 0 : i32
      %dma_start3A_186 = tpu.memref_slice %arg8[%run_scoped3A_51, %dma_start3A_184, %dma_start3A_185] : memref<2x80x128xf32, #tpu.memory_space<vmem>> -> memref<1x80x128xf32, #tpu.memory_space<vmem>>
      %dma_start3A_187 = tpu.memref_squeeze %dma_start3A_186 : memref<1x80x128xf32, #tpu.memory_space<vmem>> -> memref<80x128xf32, #tpu.memory_space<vmem>>
      %dma_start3A_188 = arith.constant 0 : i32
      %dma_start3A_189 = tpu.memref_slice %arg9[%add3A_50, %dma_start3A_188] : memref<10240x128xf32, #tpu.memory_space<vmem_shared>> -> memref<80x128xf32, #tpu.memory_space<vmem_shared>>
      %dma_start3A_190 = arith.constant 0 : i32
      %dma_start3A_191 = tpu.memref_slice %arg9[%add3A_50, %dma_start3A_190] : memref<10240x128xf32, #tpu.memory_space<vmem_shared>> -> memref<80x128xf32, #tpu.memory_space<vmem_shared>>
      %dma_start3A_192 = arith.constant 0 : i32
      %dma_start3A_193 = arith.constant 0 : i32
      %dma_start3A_194 = tpu.memref_slice %arg8[%run_scoped3A_51, %dma_start3A_192, %dma_start3A_193] : memref<2x80x128xf32, #tpu.memory_space<vmem>> -> memref<1x80x128xf32, #tpu.memory_space<vmem>>
      %dma_start3A_195 = tpu.memref_squeeze %dma_start3A_194 : memref<1x80x128xf32, #tpu.memory_space<vmem>> -> memref<80x128xf32, #tpu.memory_space<vmem>>
      tpu.enqueue_dma source(%dma_start3A_195 : memref<80x128xf32, #tpu.memory_space<vmem>>) target(%dma_start3A_191 : memref<80x128xf32, #tpu.memory_space<vmem_shared>>) target_semaphore(%run_scoped3A_183 : memref<!tpu.dma_semaphore, #tpu.memory_space<semaphore_mem>>)
      %dma_wait3A_196 = arith.constant 0 : i32
      %dma_wait3A_197 = arith.constant 0 : i32
      %dma_wait3A_198 = tpu.memref_slice %arg8[%run_scoped3A_51, %dma_wait3A_196, %dma_wait3A_197] : memref<2x80x128xf32, #tpu.memory_space<vmem>> -> memref<1x80x128xf32, #tpu.memory_space<vmem>>
      %dma_wait3A_199 = tpu.memref_squeeze %dma_wait3A_198 : memref<1x80x128xf32, #tpu.memory_space<vmem>> -> memref<80x128xf32, #tpu.memory_space<vmem>>
      %dma_wait3A_200 = arith.constant 0 : i32
      %dma_wait3A_201 = tpu.memref_slice %arg9[%add3A_50, %dma_wait3A_200] : memref<10240x128xf32, #tpu.memory_space<vmem_shared>> -> memref<80x128xf32, #tpu.memory_space<vmem_shared>>
      %dma_wait3A_202 = arith.constant 0 : i32
      %dma_wait3A_203 = tpu.memref_slice %arg9[%add3A_50, %dma_wait3A_202] : memref<10240x128xf32, #tpu.memory_space<vmem_shared>> -> memref<80x128xf32, #tpu.memory_space<vmem_shared>>
      %dma_wait3A_204 = arith.constant 0 : i32
      %dma_wait3A_205 = arith.constant 0 : i32
      %dma_wait3A_206 = tpu.memref_slice %arg8[%run_scoped3A_51, %dma_wait3A_204, %dma_wait3A_205] : memref<2x80x128xf32, #tpu.memory_space<vmem>> -> memref<1x80x128xf32, #tpu.memory_space<vmem>>
      %dma_wait3A_207 = tpu.memref_squeeze %dma_wait3A_206 : memref<1x80x128xf32, #tpu.memory_space<vmem>> -> memref<80x128xf32, #tpu.memory_space<vmem>>
      tpu.wait_dma2 semaphore(%run_scoped3A_183 : memref<!tpu.dma_semaphore, #tpu.memory_space<semaphore_mem>>) src(%dma_wait3A_207 : memref<80x128xf32, #tpu.memory_space<vmem>>) dst(%dma_wait3A_203 : memref<80x128xf32, #tpu.memory_space<vmem_shared>>)
      tpu.yield
    }) : () -> ()
    %add3A_52 = arith.constant 320 : i32
    %add3A_53 = arith.addi %multiple_of3A_40, %add3A_52 : i32
    %run_scoped3A_54 = arith.constant 1 : i32
    "tpu.region"() ({
      %run_scoped3A_183 = tpu.sem_alloc : memref<!tpu.dma_semaphore, #tpu.memory_space<semaphore_mem>>
      %dma_start3A_184 = arith.constant 0 : i32
      %dma_start3A_185 = arith.constant 0 : i32
      %dma_start3A_186 = tpu.memref_slice %arg8[%run_scoped3A_54, %dma_start3A_184, %dma_start3A_185] : memref<2x80x128xf32, #tpu.memory_space<vmem>> -> memref<1x80x128xf32, #tpu.memory_space<vmem>>
      %dma_start3A_187 = tpu.memref_squeeze %dma_start3A_186 : memref<1x80x128xf32, #tpu.memory_space<vmem>> -> memref<80x128xf32, #tpu.memory_space<vmem>>
      %dma_start3A_188 = arith.constant 0 : i32
      %dma_start3A_189 = tpu.memref_slice %arg9[%add3A_53, %dma_start3A_188] : memref<10240x128xf32, #tpu.memory_space<vmem_shared>> -> memref<80x128xf32, #tpu.memory_space<vmem_shared>>
      %dma_start3A_190 = arith.constant 0 : i32
      %dma_start3A_191 = tpu.memref_slice %arg9[%add3A_53, %dma_start3A_190] : memref<10240x128xf32, #tpu.memory_space<vmem_shared>> -> memref<80x128xf32, #tpu.memory_space<vmem_shared>>
      %dma_start3A_192 = arith.constant 0 : i32
      %dma_start3A_193 = arith.constant 0 : i32
      %dma_start3A_194 = tpu.memref_slice %arg8[%run_scoped3A_54, %dma_start3A_192, %dma_start3A_193] : memref<2x80x128xf32, #tpu.memory_space<vmem>> -> memref<1x80x128xf32, #tpu.memory_space<vmem>>
      %dma_start3A_195 = tpu.memref_squeeze %dma_start3A_194 : memref<1x80x128xf32, #tpu.memory_space<vmem>> -> memref<80x128xf32, #tpu.memory_space<vmem>>
      tpu.enqueue_dma source(%dma_start3A_195 : memref<80x128xf32, #tpu.memory_space<vmem>>) target(%dma_start3A_191 : memref<80x128xf32, #tpu.memory_space<vmem_shared>>) target_semaphore(%run_scoped3A_183 : memref<!tpu.dma_semaphore, #tpu.memory_space<semaphore_mem>>)
      %dma_wait3A_196 = arith.constant 0 : i32
      %dma_wait3A_197 = arith.constant 0 : i32
      %dma_wait3A_198 = tpu.memref_slice %arg8[%run_scoped3A_54, %dma_wait3A_196, %dma_wait3A_197] : memref<2x80x128xf32, #tpu.memory_space<vmem>> -> memref<1x80x128xf32, #tpu.memory_space<vmem>>
      %dma_wait3A_199 = tpu.memref_squeeze %dma_wait3A_198 : memref<1x80x128xf32, #tpu.memory_space<vmem>> -> memref<80x128xf32, #tpu.memory_space<vmem>>
      %dma_wait3A_200 = arith.constant 0 : i32
      %dma_wait3A_201 = tpu.memref_slice %arg9[%add3A_53, %dma_wait3A_200] : memref<10240x128xf32, #tpu.memory_space<vmem_shared>> -> memref<80x128xf32, #tpu.memory_space<vmem_shared>>
      %dma_wait3A_202 = arith.constant 0 : i32
      %dma_wait3A_203 = tpu.memref_slice %arg9[%add3A_53, %dma_wait3A_202] : memref<10240x128xf32, #tpu.memory_space<vmem_shared>> -> memref<80x128xf32, #tpu.memory_space<vmem_shared>>
      %dma_wait3A_204 = arith.constant 0 : i32
      %dma_wait3A_205 = arith.constant 0 : i32
      %dma_wait3A_206 = tpu.memref_slice %arg8[%run_scoped3A_54, %dma_wait3A_204, %dma_wait3A_205] : memref<2x80x128xf32, #tpu.memory_space<vmem>> -> memref<1x80x128xf32, #tpu.memory_space<vmem>>
      %dma_wait3A_207 = tpu.memref_squeeze %dma_wait3A_206 : memref<1x80x128xf32, #tpu.memory_space<vmem>> -> memref<80x128xf32, #tpu.memory_space<vmem>>
      tpu.wait_dma2 semaphore(%run_scoped3A_183 : memref<!tpu.dma_semaphore, #tpu.memory_space<semaphore_mem>>) src(%dma_wait3A_207 : memref<80x128xf32, #tpu.memory_space<vmem>>) dst(%dma_wait3A_203 : memref<80x128xf32, #tpu.memory_space<vmem_shared>>)
      tpu.yield
    }) : () -> ()
    %add3A_55 = arith.constant 400 : i32
    %add3A_56 = arith.addi %multiple_of3A_40, %add3A_55 : i32
    %run_scoped3A_57 = arith.constant 1 : i32
    "tpu.region"() ({
      %run_scoped3A_183 = tpu.sem_alloc : memref<!tpu.dma_semaphore, #tpu.memory_space<semaphore_mem>>
      %dma_start3A_184 = arith.constant 0 : i32
      %dma_start3A_185 = arith.constant 0 : i32
      %dma_start3A_186 = tpu.memref_slice %arg8[%run_scoped3A_57, %dma_start3A_184, %dma_start3A_185] : memref<2x80x128xf32, #tpu.memory_space<vmem>> -> memref<1x80x128xf32, #tpu.memory_space<vmem>>
      %dma_start3A_187 = tpu.memref_squeeze %dma_start3A_186 : memref<1x80x128xf32, #tpu.memory_space<vmem>> -> memref<80x128xf32, #tpu.memory_space<vmem>>
      %dma_start3A_188 = arith.constant 0 : i32
      %dma_start3A_189 = tpu.memref_slice %arg9[%add3A_56, %dma_start3A_188] : memref<10240x128xf32, #tpu.memory_space<vmem_shared>> -> memref<80x128xf32, #tpu.memory_space<vmem_shared>>
      %dma_start3A_190 = arith.constant 0 : i32
      %dma_start3A_191 = tpu.memref_slice %arg9[%add3A_56, %dma_start3A_190] : memref<10240x128xf32, #tpu.memory_space<vmem_shared>> -> memref<80x128xf32, #tpu.memory_space<vmem_shared>>
      %dma_start3A_192 = arith.constant 0 : i32
      %dma_start3A_193 = arith.constant 0 : i32
      %dma_start3A_194 = tpu.memref_slice %arg8[%run_scoped3A_57, %dma_start3A_192, %dma_start3A_193] : memref<2x80x128xf32, #tpu.memory_space<vmem>> -> memref<1x80x128xf32, #tpu.memory_space<vmem>>
      %dma_start3A_195 = tpu.memref_squeeze %dma_start3A_194 : memref<1x80x128xf32, #tpu.memory_space<vmem>> -> memref<80x128xf32, #tpu.memory_space<vmem>>
      tpu.enqueue_dma source(%dma_start3A_195 : memref<80x128xf32, #tpu.memory_space<vmem>>) target(%dma_start3A_191 : memref<80x128xf32, #tpu.memory_space<vmem_shared>>) target_semaphore(%run_scoped3A_183 : memref<!tpu.dma_semaphore, #tpu.memory_space<semaphore_mem>>)
      %dma_wait3A_196 = arith.constant 0 : i32
      %dma_wait3A_197 = arith.constant 0 : i32
      %dma_wait3A_198 = tpu.memref_slice %arg8[%run_scoped3A_57, %dma_wait3A_196, %dma_wait3A_197] : memref<2x80x128xf32, #tpu.memory_space<vmem>> -> memref<1x80x128xf32, #tpu.memory_space<vmem>>
      %dma_wait3A_199 = tpu.memref_squeeze %dma_wait3A_198 : memref<1x80x128xf32, #tpu.memory_space<vmem>> -> memref<80x128xf32, #tpu.memory_space<vmem>>
      %dma_wait3A_200 = arith.constant 0 : i32
      %dma_wait3A_201 = tpu.memref_slice %arg9[%add3A_56, %dma_wait3A_200] : memref<10240x128xf32, #tpu.memory_space<vmem_shared>> -> memref<80x128xf32, #tpu.memory_space<vmem_shared>>
      %dma_wait3A_202 = arith.constant 0 : i32
      %dma_wait3A_203 = tpu.memref_slice %arg9[%add3A_56, %dma_wait3A_202] : memref<10240x128xf32, #tpu.memory_space<vmem_shared>> -> memref<80x128xf32, #tpu.memory_space<vmem_shared>>
      %dma_wait3A_204 = arith.constant 0 : i32
      %dma_wait3A_205 = arith.constant 0 : i32
      %dma_wait3A_206 = tpu.memref_slice %arg8[%run_scoped3A_57, %dma_wait3A_204, %dma_wait3A_205] : memref<2x80x128xf32, #tpu.memory_space<vmem>> -> memref<1x80x128xf32, #tpu.memory_space<vmem>>
      %dma_wait3A_207 = tpu.memref_squeeze %dma_wait3A_206 : memref<1x80x128xf32, #tpu.memory_space<vmem>> -> memref<80x128xf32, #tpu.memory_space<vmem>>
      tpu.wait_dma2 semaphore(%run_scoped3A_183 : memref<!tpu.dma_semaphore, #tpu.memory_space<semaphore_mem>>) src(%dma_wait3A_207 : memref<80x128xf32, #tpu.memory_space<vmem>>) dst(%dma_wait3A_203 : memref<80x128xf32, #tpu.memory_space<vmem_shared>>)
      tpu.yield
    }) : () -> ()
    %add3A_58 = arith.constant 480 : i32
    %add3A_59 = arith.addi %multiple_of3A_40, %add3A_58 : i32
    %run_scoped3A_60 = arith.constant 1 : i32
    "tpu.region"() ({
      %run_scoped3A_183 = tpu.sem_alloc : memref<!tpu.dma_semaphore, #tpu.memory_space<semaphore_mem>>
      %dma_start3A_184 = arith.constant 0 : i32
      %dma_start3A_185 = arith.constant 0 : i32
      %dma_start3A_186 = tpu.memref_slice %arg8[%run_scoped3A_60, %dma_start3A_184, %dma_start3A_185] : memref<2x80x128xf32, #tpu.memory_space<vmem>> -> memref<1x80x128xf32, #tpu.memory_space<vmem>>
      %dma_start3A_187 = tpu.memref_squeeze %dma_start3A_186 : memref<1x80x128xf32, #tpu.memory_space<vmem>> -> memref<80x128xf32, #tpu.memory_space<vmem>>
      %dma_start3A_188 = arith.constant 0 : i32
      %dma_start3A_189 = tpu.memref_slice %arg9[%add3A_59, %dma_start3A_188] : memref<10240x128xf32, #tpu.memory_space<vmem_shared>> -> memref<80x128xf32, #tpu.memory_space<vmem_shared>>
      %dma_start3A_190 = arith.constant 0 : i32
      %dma_start3A_191 = tpu.memref_slice %arg9[%add3A_59, %dma_start3A_190] : memref<10240x128xf32, #tpu.memory_space<vmem_shared>> -> memref<80x128xf32, #tpu.memory_space<vmem_shared>>
      %dma_start3A_192 = arith.constant 0 : i32
      %dma_start3A_193 = arith.constant 0 : i32
      %dma_start3A_194 = tpu.memref_slice %arg8[%run_scoped3A_60, %dma_start3A_192, %dma_start3A_193] : memref<2x80x128xf32, #tpu.memory_space<vmem>> -> memref<1x80x128xf32, #tpu.memory_space<vmem>>
      %dma_start3A_195 = tpu.memref_squeeze %dma_start3A_194 : memref<1x80x128xf32, #tpu.memory_space<vmem>> -> memref<80x128xf32, #tpu.memory_space<vmem>>
      tpu.enqueue_dma source(%dma_start3A_195 : memref<80x128xf32, #tpu.memory_space<vmem>>) target(%dma_start3A_191 : memref<80x128xf32, #tpu.memory_space<vmem_shared>>) target_semaphore(%run_scoped3A_183 : memref<!tpu.dma_semaphore, #tpu.memory_space<semaphore_mem>>)
      %dma_wait3A_196 = arith.constant 0 : i32
      %dma_wait3A_197 = arith.constant 0 : i32
      %dma_wait3A_198 = tpu.memref_slice %arg8[%run_scoped3A_60, %dma_wait3A_196, %dma_wait3A_197] : memref<2x80x128xf32, #tpu.memory_space<vmem>> -> memref<1x80x128xf32, #tpu.memory_space<vmem>>
      %dma_wait3A_199 = tpu.memref_squeeze %dma_wait3A_198 : memref<1x80x128xf32, #tpu.memory_space<vmem>> -> memref<80x128xf32, #tpu.memory_space<vmem>>
      %dma_wait3A_200 = arith.constant 0 : i32
      %dma_wait3A_201 = tpu.memref_slice %arg9[%add3A_59, %dma_wait3A_200] : memref<10240x128xf32, #tpu.memory_space<vmem_shared>> -> memref<80x128xf32, #tpu.memory_space<vmem_shared>>
      %dma_wait3A_202 = arith.constant 0 : i32
      %dma_wait3A_203 = tpu.memref_slice %arg9[%add3A_59, %dma_wait3A_202] : memref<10240x128xf32, #tpu.memory_space<vmem_shared>> -> memref<80x128xf32, #tpu.memory_space<vmem_shared>>
      %dma_wait3A_204 = arith.constant 0 : i32
      %dma_wait3A_205 = arith.constant 0 : i32
      %dma_wait3A_206 = tpu.memref_slice %arg8[%run_scoped3A_60, %dma_wait3A_204, %dma_wait3A_205] : memref<2x80x128xf32, #tpu.memory_space<vmem>> -> memref<1x80x128xf32, #tpu.memory_space<vmem>>
      %dma_wait3A_207 = tpu.memref_squeeze %dma_wait3A_206 : memref<1x80x128xf32, #tpu.memory_space<vmem>> -> memref<80x128xf32, #tpu.memory_space<vmem>>
      tpu.wait_dma2 semaphore(%run_scoped3A_183 : memref<!tpu.dma_semaphore, #tpu.memory_space<semaphore_mem>>) src(%dma_wait3A_207 : memref<80x128xf32, #tpu.memory_space<vmem>>) dst(%dma_wait3A_203 : memref<80x128xf32, #tpu.memory_space<vmem_shared>>)
      tpu.yield
    }) : () -> ()
    %add3A_61 = arith.constant 560 : i32
    %add3A_62 = arith.addi %multiple_of3A_40, %add3A_61 : i32
    %run_scoped3A_63 = arith.constant 1 : i32
    "tpu.region"() ({
      %run_scoped3A_183 = tpu.sem_alloc : memref<!tpu.dma_semaphore, #tpu.memory_space<semaphore_mem>>
      %dma_start3A_184 = arith.constant 0 : i32
      %dma_start3A_185 = arith.constant 0 : i32
      %dma_start3A_186 = tpu.memref_slice %arg8[%run_scoped3A_63, %dma_start3A_184, %dma_start3A_185] : memref<2x80x128xf32, #tpu.memory_space<vmem>> -> memref<1x80x128xf32, #tpu.memory_space<vmem>>
      %dma_start3A_187 = tpu.memref_squeeze %dma_start3A_186 : memref<1x80x128xf32, #tpu.memory_space<vmem>> -> memref<80x128xf32, #tpu.memory_space<vmem>>
      %dma_start3A_188 = arith.constant 0 : i32
      %dma_start3A_189 = tpu.memref_slice %arg9[%add3A_62, %dma_start3A_188] : memref<10240x128xf32, #tpu.memory_space<vmem_shared>> -> memref<80x128xf32, #tpu.memory_space<vmem_shared>>
      %dma_start3A_190 = arith.constant 0 : i32
      %dma_start3A_191 = tpu.memref_slice %arg9[%add3A_62, %dma_start3A_190] : memref<10240x128xf32, #tpu.memory_space<vmem_shared>> -> memref<80x128xf32, #tpu.memory_space<vmem_shared>>
      %dma_start3A_192 = arith.constant 0 : i32
      %dma_start3A_193 = arith.constant 0 : i32
      %dma_start3A_194 = tpu.memref_slice %arg8[%run_scoped3A_63, %dma_start3A_192, %dma_start3A_193] : memref<2x80x128xf32, #tpu.memory_space<vmem>> -> memref<1x80x128xf32, #tpu.memory_space<vmem>>
      %dma_start3A_195 = tpu.memref_squeeze %dma_start3A_194 : memref<1x80x128xf32, #tpu.memory_space<vmem>> -> memref<80x128xf32, #tpu.memory_space<vmem>>
      tpu.enqueue_dma source(%dma_start3A_195 : memref<80x128xf32, #tpu.memory_space<vmem>>) target(%dma_start3A_191 : memref<80x128xf32, #tpu.memory_space<vmem_shared>>) target_semaphore(%run_scoped3A_183 : memref<!tpu.dma_semaphore, #tpu.memory_space<semaphore_mem>>)
      %dma_wait3A_196 = arith.constant 0 : i32
      %dma_wait3A_197 = arith.constant 0 : i32
      %dma_wait3A_198 = tpu.memref_slice %arg8[%run_scoped3A_63, %dma_wait3A_196, %dma_wait3A_197] : memref<2x80x128xf32, #tpu.memory_space<vmem>> -> memref<1x80x128xf32, #tpu.memory_space<vmem>>
      %dma_wait3A_199 = tpu.memref_squeeze %dma_wait3A_198 : memref<1x80x128xf32, #tpu.memory_space<vmem>> -> memref<80x128xf32, #tpu.memory_space<vmem>>
      %dma_wait3A_200 = arith.constant 0 : i32
      %dma_wait3A_201 = tpu.memref_slice %arg9[%add3A_62, %dma_wait3A_200] : memref<10240x128xf32, #tpu.memory_space<vmem_shared>> -> memref<80x128xf32, #tpu.memory_space<vmem_shared>>
      %dma_wait3A_202 = arith.constant 0 : i32
      %dma_wait3A_203 = tpu.memref_slice %arg9[%add3A_62, %dma_wait3A_202] : memref<10240x128xf32, #tpu.memory_space<vmem_shared>> -> memref<80x128xf32, #tpu.memory_space<vmem_shared>>
      %dma_wait3A_204 = arith.constant 0 : i32
      %dma_wait3A_205 = arith.constant 0 : i32
      %dma_wait3A_206 = tpu.memref_slice %arg8[%run_scoped3A_63, %dma_wait3A_204, %dma_wait3A_205] : memref<2x80x128xf32, #tpu.memory_space<vmem>> -> memref<1x80x128xf32, #tpu.memory_space<vmem>>
      %dma_wait3A_207 = tpu.memref_squeeze %dma_wait3A_206 : memref<1x80x128xf32, #tpu.memory_space<vmem>> -> memref<80x128xf32, #tpu.memory_space<vmem>>
      tpu.wait_dma2 semaphore(%run_scoped3A_183 : memref<!tpu.dma_semaphore, #tpu.memory_space<semaphore_mem>>) src(%dma_wait3A_207 : memref<80x128xf32, #tpu.memory_space<vmem>>) dst(%dma_wait3A_203 : memref<80x128xf32, #tpu.memory_space<vmem_shared>>)
      tpu.yield
    }) : () -> ()
    %add3A_64 = arith.constant 320000 : i32
    %add3A_65 = arith.addi %add3A_64, %multiple_of3A : i32
    %dma_wait3A_66 = arith.constant 1 : i32
    %dma_wait3A_67 = tpu.memref_slice %arg3[%add3A_65] : memref<640000xi32, #tpu.memory_space<hbm>> -> memref<10000xi32, #tpu.memory_space<hbm>>
    %dma_wait3A_68 = tpu.memref_slice %arg12[%dma_wait3A_66] : memref<2x!tpu.dma_semaphore, #tpu.memory_space<semaphore_mem>> -> memref<1x!tpu.dma_semaphore, #tpu.memory_space<semaphore_mem>>
    %dma_wait3A_69 = tpu.memref_squeeze %dma_wait3A_68 : memref<1x!tpu.dma_semaphore, #tpu.memory_space<semaphore_mem>> -> memref<!tpu.dma_semaphore, #tpu.memory_space<semaphore_mem>>
    %dma_wait3A_70 = tpu.memref_slice %arg3[%add3A_65] : memref<640000xi32, #tpu.memory_space<hbm>> -> memref<10000xi32, #tpu.memory_space<hbm>>
    tpu.wait_dma2 semaphore(%dma_wait3A_69 : memref<!tpu.dma_semaphore, #tpu.memory_space<semaphore_mem>>) src(%dma_wait3A_70 : memref<10000xi32, #tpu.memory_space<hbm>>) dst(%arg6 : memref<10000xi32, #tpu.memory_space<vmem>>)
    %barrier3A = arith.constant 0 : index
    tpu.barrier barrier_id(%barrier3A)
    %scan3A_71 = arith.constant 0 : i32
    %scan3A_72 = arith.constant 0 : i32
    %scan3A_73 = arith.constant 62 : i32
    %scan3A_74 = arith.addi %scan3A_72, %scan3A_73 : i32
    %scan3A_75 = arith.constant 1 : i32
    scf.for %scan3A_183 = %scan3A_72 to %scan3A_74 step %scan3A_75  : i32 {
      %mul3A_184 = arith.constant 2 : i32
      %mul3A_185 = arith.muli %scan3A_183, %mul3A_184 : i32
      %mul3A_186 = arith.constant 80 : i32
      %mul3A_187 = arith.muli %mul3A_185, %mul3A_186 : i32
      %multiple_of3A_188 = tpu.assume_multiple %mul3A_187, 8 : i32
      %dma_wait3A_189 = arith.constant 0 : i32
      %dma_wait3A_190 = arith.constant 0 : i32
      %dma_wait3A_191 = arith.constant 0 : i32
      %dma_wait3A_192 = arith.constant 0 : i32
      %dma_wait3A_193 = tpu.memref_slice %arg8[%dma_wait3A_189, %dma_wait3A_191, %dma_wait3A_192] : memref<2x80x128xf32, #tpu.memory_space<vmem>> -> memref<1x80x128xf32, #tpu.memory_space<vmem>>
      %dma_wait3A_194 = tpu.memref_squeeze %dma_wait3A_193 : memref<1x80x128xf32, #tpu.memory_space<vmem>> -> memref<80x128xf32, #tpu.memory_space<vmem>>
      %dma_wait3A_195 = tpu.memref_slice %arg5[%multiple_of3A_188] : memref<10000xi32, #tpu.memory_space<vmem>> -> memref<80xi32, #tpu.memory_space<vmem>>
      %dma_wait3A_196 = arith.constant 0 : i32
      %dma_wait3A_197 = arith.constant 0 : i32
      %dma_wait3A_198 = tpu.memref_slice %arg2[%dma_wait3A_196, %dma_wait3A_197] : memref<10000x128xf32, #tpu.memory_space<hbm>> -> memref<10000x128xf32, #tpu.memory_space<hbm>>
      %dma_wait3A_199 = tpu.memref_slice %arg10[%dma_wait3A_190] : memref<2x!tpu.dma_semaphore, #tpu.memory_space<semaphore_mem>> -> memref<1x!tpu.dma_semaphore, #tpu.memory_space<semaphore_mem>>
      %dma_wait3A_200 = tpu.memref_squeeze %dma_wait3A_199 : memref<1x!tpu.dma_semaphore, #tpu.memory_space<semaphore_mem>> -> memref<!tpu.dma_semaphore, #tpu.memory_space<semaphore_mem>>
      tpu.wait_indirect_dma semaphore(%dma_wait3A_200 : memref<!tpu.dma_semaphore, #tpu.memory_space<semaphore_mem>>) src(%dma_wait3A_198 : memref<10000x128xf32, #tpu.memory_space<hbm>>) dst(%dma_wait3A_194 : memref<80x128xf32, #tpu.memory_space<vmem>>)
      %ge3A = arith.constant 2 : i32
      %ge3A_201 = arith.cmpi sge, %mul3A_185, %ge3A : i32
      %convert_element_type3A = arith.extui %ge3A_201 : i1 to i32
      %cond3A = arith.constant 0 : i32
      %cond3A_202 = arith.cmpi ne, %convert_element_type3A, %cond3A : i32
      scf.if %cond3A_202 {
        %dma_wait3A_376 = arith.constant 1 : i32
        %dma_wait3A_377 = arith.constant 1 : i32
        %dma_wait3A_378 = arith.constant 1 : i32
        %dma_wait3A_379 = arith.constant 0 : i32
        %dma_wait3A_380 = arith.constant 0 : i32
        %dma_wait3A_381 = tpu.memref_slice %arg8[%dma_wait3A_376, %dma_wait3A_379, %dma_wait3A_380] : memref<2x80x128xf32, #tpu.memory_space<vmem>> -> memref<1x80x128xf32, #tpu.memory_space<vmem>>
        %dma_wait3A_382 = tpu.memref_squeeze %dma_wait3A_381 : memref<1x80x128xf32, #tpu.memory_space<vmem>> -> memref<80x128xf32, #tpu.memory_space<vmem>>
        %dma_wait3A_383 = arith.constant 0 : i32
        %dma_wait3A_384 = tpu.memref_slice %arg7[%dma_wait3A_377, %dma_wait3A_383] : memref<2x80xi32, #tpu.memory_space<vmem>> -> memref<1x80xi32, #tpu.memory_space<vmem>>
        %dma_wait3A_385 = tpu.memref_squeeze %dma_wait3A_384 : memref<1x80xi32, #tpu.memory_space<vmem>> -> memref<80xi32, #tpu.memory_space<vmem>>
        %dma_wait3A_386 = arith.constant 0 : i32
        %dma_wait3A_387 = arith.constant 0 : i32
        %dma_wait3A_388 = tpu.memref_slice %arg9[%dma_wait3A_386, %dma_wait3A_387] : memref<10240x128xf32, #tpu.memory_space<vmem_shared>> -> memref<10240x128xf32, #tpu.memory_space<vmem_shared>>
        %dma_wait3A_389 = tpu.memref_slice %arg11[%dma_wait3A_378] : memref<2x!tpu.dma_semaphore, #tpu.memory_space<semaphore_mem>> -> memref<1x!tpu.dma_semaphore, #tpu.memory_space<semaphore_mem>>
        %dma_wait3A_390 = tpu.memref_squeeze %dma_wait3A_389 : memref<1x!tpu.dma_semaphore, #tpu.memory_space<semaphore_mem>> -> memref<!tpu.dma_semaphore, #tpu.memory_space<semaphore_mem>>
        tpu.wait_indirect_dma semaphore(%dma_wait3A_390 : memref<!tpu.dma_semaphore, #tpu.memory_space<semaphore_mem>>) src(%dma_wait3A_382 : memref<80x128xf32, #tpu.memory_space<vmem>>) dst(%dma_wait3A_388 : memref<10240x128xf32, #tpu.memory_space<vmem_shared>>)
      } else {
      }
      %add3A_203 = arith.constant 1 : i32
      %add3A_204 = arith.addi %mul3A_185, %add3A_203 : i32
      %mul3A_205 = arith.constant 80 : i32
      %mul3A_206 = arith.muli %add3A_204, %mul3A_205 : i32
      %multiple_of3A_207 = tpu.assume_multiple %mul3A_206, 8 : i32
      %dma_start3A_208 = arith.constant 1 : i32
      %dma_start3A_209 = arith.constant 1 : i32
      %dma_start3A_210 = arith.constant 0 : i32
      %dma_start3A_211 = arith.constant 0 : i32
      %dma_start3A_212 = tpu.memref_slice %arg8[%dma_start3A_208, %dma_start3A_210, %dma_start3A_211] : memref<2x80x128xf32, #tpu.memory_space<vmem>> -> memref<1x80x128xf32, #tpu.memory_space<vmem>>
      %dma_start3A_213 = tpu.memref_squeeze %dma_start3A_212 : memref<1x80x128xf32, #tpu.memory_space<vmem>> -> memref<80x128xf32, #tpu.memory_space<vmem>>
      %dma_start3A_214 = tpu.memref_slice %arg5[%multiple_of3A_207] : memref<10000xi32, #tpu.memory_space<vmem>> -> memref<80xi32, #tpu.memory_space<vmem>>
      %dma_start3A_215 = arith.constant 0 : i32
      %dma_start3A_216 = arith.constant 0 : i32
      %dma_start3A_217 = tpu.memref_slice %arg2[%dma_start3A_215, %dma_start3A_216] : memref<10000x128xf32, #tpu.memory_space<hbm>> -> memref<10000x128xf32, #tpu.memory_space<hbm>>
      %dma_start3A_218 = tpu.memref_slice %arg10[%dma_start3A_209] : memref<2x!tpu.dma_semaphore, #tpu.memory_space<semaphore_mem>> -> memref<1x!tpu.dma_semaphore, #tpu.memory_space<semaphore_mem>>
      %dma_start3A_219 = tpu.memref_squeeze %dma_start3A_218 : memref<1x!tpu.dma_semaphore, #tpu.memory_space<semaphore_mem>> -> memref<!tpu.dma_semaphore, #tpu.memory_space<semaphore_mem>>
      tpu.enqueue_indirect_dma source(%dma_start3A_217 : memref<10000x128xf32, #tpu.memory_space<hbm>>) target(%dma_start3A_213 : memref<80x128xf32, #tpu.memory_space<vmem>>) offsets(%dma_start3A_214 : memref<80xi32, #tpu.memory_space<vmem>>) semaphore(%dma_start3A_219 : memref<!tpu.dma_semaphore, #tpu.memory_space<semaphore_mem>>)
      %mul3A_220 = arith.constant 80 : i32
      %mul3A_221 = arith.muli %mul3A_185, %mul3A_220 : i32
      %multiple_of3A_222 = tpu.assume_multiple %mul3A_221, 8 : i32
      %add3A_223 = arith.constant 0 : i32
      %add3A_224 = arith.addi %multiple_of3A_222, %add3A_223 : i32
      %get3A_225 = arith.index_cast %add3A_224 : i32 to index
      %get3A_226 = tpu.vector_load %arg6[%get3A_225] {strides = array<i32>} : memref<10000xi32, #tpu.memory_space<vmem>>, vector<16xi32>,
      %swap3A_227 = arith.constant 0 : i32
      %swap3A_228 = arith.index_cast %swap3A_227 : i32 to index
      %swap3A_229 = arith.constant 0 : index
      %swap3A_230 = tpu.vector_load %arg7[%swap3A_228, %swap3A_229] {strides = array<i32>} : memref<2x80xi32, #tpu.memory_space<vmem>>, vector<16xi32>,
      tpu.vector_store %arg7[%swap3A_228, %swap3A_229], %get3A_226 {strides = array<i32>} : memref<2x80xi32, #tpu.memory_space<vmem>>, vector<16xi32>,
      %add3A_231 = arith.constant 16 : i32
      %add3A_232 = arith.addi %multiple_of3A_222, %add3A_231 : i32
      %get3A_233 = arith.index_cast %add3A_232 : i32 to index
      %get3A_234 = tpu.vector_load %arg6[%get3A_233] {strides = array<i32>} : memref<10000xi32, #tpu.memory_space<vmem>>, vector<16xi32>,
      %swap3A_235 = arith.constant 0 : i32
      %swap3A_236 = arith.index_cast %swap3A_235 : i32 to index
      %swap3A_237 = arith.constant 16 : index
      %swap3A_238 = tpu.vector_load %arg7[%swap3A_236, %swap3A_237] {strides = array<i32>} : memref<2x80xi32, #tpu.memory_space<vmem>>, vector<16xi32>,
      tpu.vector_store %arg7[%swap3A_236, %swap3A_237], %get3A_234 {strides = array<i32>} : memref<2x80xi32, #tpu.memory_space<vmem>>, vector<16xi32>,
      %add3A_239 = arith.constant 32 : i32
      %add3A_240 = arith.addi %multiple_of3A_222, %add3A_239 : i32
      %get3A_241 = arith.index_cast %add3A_240 : i32 to index
      %get3A_242 = tpu.vector_load %arg6[%get3A_241] {strides = array<i32>} : memref<10000xi32, #tpu.memory_space<vmem>>, vector<16xi32>,
      %swap3A_243 = arith.constant 0 : i32
      %swap3A_244 = arith.index_cast %swap3A_243 : i32 to index
      %swap3A_245 = arith.constant 32 : index
      %swap3A_246 = tpu.vector_load %arg7[%swap3A_244, %swap3A_245] {strides = array<i32>} : memref<2x80xi32, #tpu.memory_space<vmem>>, vector<16xi32>,
      tpu.vector_store %arg7[%swap3A_244, %swap3A_245], %get3A_242 {strides = array<i32>} : memref<2x80xi32, #tpu.memory_space<vmem>>, vector<16xi32>,
      %add3A_247 = arith.constant 48 : i32
      %add3A_248 = arith.addi %multiple_of3A_222, %add3A_247 : i32
      %get3A_249 = arith.index_cast %add3A_248 : i32 to index
      %get3A_250 = tpu.vector_load %arg6[%get3A_249] {strides = array<i32>} : memref<10000xi32, #tpu.memory_space<vmem>>, vector<16xi32>,
      %swap3A_251 = arith.constant 0 : i32
      %swap3A_252 = arith.index_cast %swap3A_251 : i32 to index
      %swap3A_253 = arith.constant 48 : index
      %swap3A_254 = tpu.vector_load %arg7[%swap3A_252, %swap3A_253] {strides = array<i32>} : memref<2x80xi32, #tpu.memory_space<vmem>>, vector<16xi32>,
      tpu.vector_store %arg7[%swap3A_252, %swap3A_253], %get3A_250 {strides = array<i32>} : memref<2x80xi32, #tpu.memory_space<vmem>>, vector<16xi32>,
      %add3A_255 = arith.constant 64 : i32
      %add3A_256 = arith.addi %multiple_of3A_222, %add3A_255 : i32
      %get3A_257 = arith.index_cast %add3A_256 : i32 to index
      %get3A_258 = tpu.vector_load %arg6[%get3A_257] {strides = array<i32>} : memref<10000xi32, #tpu.memory_space<vmem>>, vector<16xi32>,
      %swap3A_259 = arith.constant 0 : i32
      %swap3A_260 = arith.index_cast %swap3A_259 : i32 to index
      %swap3A_261 = arith.constant 64 : index
      %swap3A_262 = tpu.vector_load %arg7[%swap3A_260, %swap3A_261] {strides = array<i32>} : memref<2x80xi32, #tpu.memory_space<vmem>>, vector<16xi32>,
      tpu.vector_store %arg7[%swap3A_260, %swap3A_261], %get3A_258 {strides = array<i32>} : memref<2x80xi32, #tpu.memory_space<vmem>>, vector<16xi32>,
      %dma_start3A_263 = arith.constant 0 : i32
      %dma_start3A_264 = arith.constant 0 : i32
      %dma_start3A_265 = arith.constant 0 : i32
      %dma_start3A_266 = arith.constant 0 : i32
      %dma_start3A_267 = arith.constant 0 : i32
      %dma_start3A_268 = tpu.memref_slice %arg8[%dma_start3A_263, %dma_start3A_266, %dma_start3A_267] : memref<2x80x128xf32, #tpu.memory_space<vmem>> -> memref<1x80x128xf32, #tpu.memory_space<vmem>>
      %dma_start3A_269 = tpu.memref_squeeze %dma_start3A_268 : memref<1x80x128xf32, #tpu.memory_space<vmem>> -> memref<80x128xf32, #tpu.memory_space<vmem>>
      %dma_start3A_270 = arith.constant 0 : i32
      %dma_start3A_271 = tpu.memref_slice %arg7[%dma_start3A_264, %dma_start3A_270] : memref<2x80xi32, #tpu.memory_space<vmem>> -> memref<1x80xi32, #tpu.memory_space<vmem>>
      %dma_start3A_272 = tpu.memref_squeeze %dma_start3A_271 : memref<1x80xi32, #tpu.memory_space<vmem>> -> memref<80xi32, #tpu.memory_space<vmem>>
      %dma_start3A_273 = arith.constant 0 : i32
      %dma_start3A_274 = arith.constant 0 : i32
      %dma_start3A_275 = tpu.memref_slice %arg9[%dma_start3A_273, %dma_start3A_274] : memref<10240x128xf32, #tpu.memory_space<vmem_shared>> -> memref<10240x128xf32, #tpu.memory_space<vmem_shared>>
      %dma_start3A_276 = tpu.memref_slice %arg11[%dma_start3A_265] : memref<2x!tpu.dma_semaphore, #tpu.memory_space<semaphore_mem>> -> memref<1x!tpu.dma_semaphore, #tpu.memory_space<semaphore_mem>>
      %dma_start3A_277 = tpu.memref_squeeze %dma_start3A_276 : memref<1x!tpu.dma_semaphore, #tpu.memory_space<semaphore_mem>> -> memref<!tpu.dma_semaphore, #tpu.memory_space<semaphore_mem>>
      tpu.enqueue_indirect_dma source(%dma_start3A_269 : memref<80x128xf32, #tpu.memory_space<vmem>>) target(%dma_start3A_275 : memref<10240x128xf32, #tpu.memory_space<vmem_shared>>) offsets(%dma_start3A_272 : memref<80xi32, #tpu.memory_space<vmem>>) semaphore(%dma_start3A_277 : memref<!tpu.dma_semaphore, #tpu.memory_space<semaphore_mem>>) {add = true}
      %add3A_278 = arith.constant 1 : i32
      %add3A_279 = arith.addi %mul3A_185, %add3A_278 : i32
      %mul3A_280 = arith.constant 80 : i32
      %mul3A_281 = arith.muli %add3A_279, %mul3A_280 : i32
      %multiple_of3A_282 = tpu.assume_multiple %mul3A_281, 8 : i32
      %dma_wait3A_283 = arith.constant 1 : i32
      %dma_wait3A_284 = arith.constant 1 : i32
      %dma_wait3A_285 = arith.constant 0 : i32
      %dma_wait3A_286 = arith.constant 0 : i32
      %dma_wait3A_287 = tpu.memref_slice %arg8[%dma_wait3A_283, %dma_wait3A_285, %dma_wait3A_286] : memref<2x80x128xf32, #tpu.memory_space<vmem>> -> memref<1x80x128xf32, #tpu.memory_space<vmem>>
      %dma_wait3A_288 = tpu.memref_squeeze %dma_wait3A_287 : memref<1x80x128xf32, #tpu.memory_space<vmem>> -> memref<80x128xf32, #tpu.memory_space<vmem>>
      %dma_wait3A_289 = tpu.memref_slice %arg5[%multiple_of3A_282] : memref<10000xi32, #tpu.memory_space<vmem>> -> memref<80xi32, #tpu.memory_space<vmem>>
      %dma_wait3A_290 = arith.constant 0 : i32
      %dma_wait3A_291 = arith.constant 0 : i32
      %dma_wait3A_292 = tpu.memref_slice %arg2[%dma_wait3A_290, %dma_wait3A_291] : memref<10000x128xf32, #tpu.memory_space<hbm>> -> memref<10000x128xf32, #tpu.memory_space<hbm>>
      %dma_wait3A_293 = tpu.memref_slice %arg10[%dma_wait3A_284] : memref<2x!tpu.dma_semaphore, #tpu.memory_space<semaphore_mem>> -> memref<1x!tpu.dma_semaphore, #tpu.memory_space<semaphore_mem>>
      %dma_wait3A_294 = tpu.memref_squeeze %dma_wait3A_293 : memref<1x!tpu.dma_semaphore, #tpu.memory_space<semaphore_mem>> -> memref<!tpu.dma_semaphore, #tpu.memory_space<semaphore_mem>>
      tpu.wait_indirect_dma semaphore(%dma_wait3A_294 : memref<!tpu.dma_semaphore, #tpu.memory_space<semaphore_mem>>) src(%dma_wait3A_292 : memref<10000x128xf32, #tpu.memory_space<hbm>>) dst(%dma_wait3A_288 : memref<80x128xf32, #tpu.memory_space<vmem>>)
      %dma_wait3A_295 = arith.constant 0 : i32
      %dma_wait3A_296 = arith.constant 0 : i32
      %dma_wait3A_297 = arith.constant 0 : i32
      %dma_wait3A_298 = arith.constant 0 : i32
      %dma_wait3A_299 = arith.constant 0 : i32
      %dma_wait3A_300 = tpu.memref_slice %arg8[%dma_wait3A_295, %dma_wait3A_298, %dma_wait3A_299] : memref<2x80x128xf32, #tpu.memory_space<vmem>> -> memref<1x80x128xf32, #tpu.memory_space<vmem>>
      %dma_wait3A_301 = tpu.memref_squeeze %dma_wait3A_300 : memref<1x80x128xf32, #tpu.memory_space<vmem>> -> memref<80x128xf32, #tpu.memory_space<vmem>>
      %dma_wait3A_302 = arith.constant 0 : i32
      %dma_wait3A_303 = tpu.memref_slice %arg7[%dma_wait3A_296, %dma_wait3A_302] : memref<2x80xi32, #tpu.memory_space<vmem>> -> memref<1x80xi32, #tpu.memory_space<vmem>>
      %dma_wait3A_304 = tpu.memref_squeeze %dma_wait3A_303 : memref<1x80xi32, #tpu.memory_space<vmem>> -> memref<80xi32, #tpu.memory_space<vmem>>
      %dma_wait3A_305 = arith.constant 0 : i32
      %dma_wait3A_306 = arith.constant 0 : i32
      %dma_wait3A_307 = tpu.memref_slice %arg9[%dma_wait3A_305, %dma_wait3A_306] : memref<10240x128xf32, #tpu.memory_space<vmem_shared>> -> memref<10240x128xf32, #tpu.memory_space<vmem_shared>>
      %dma_wait3A_308 = tpu.memref_slice %arg11[%dma_wait3A_297] : memref<2x!tpu.dma_semaphore, #tpu.memory_space<semaphore_mem>> -> memref<1x!tpu.dma_semaphore, #tpu.memory_space<semaphore_mem>>
      %dma_wait3A_309 = tpu.memref_squeeze %dma_wait3A_308 : memref<1x!tpu.dma_semaphore, #tpu.memory_space<semaphore_mem>> -> memref<!tpu.dma_semaphore, #tpu.memory_space<semaphore_mem>>
      tpu.wait_indirect_dma semaphore(%dma_wait3A_309 : memref<!tpu.dma_semaphore, #tpu.memory_space<semaphore_mem>>) src(%dma_wait3A_301 : memref<80x128xf32, #tpu.memory_space<vmem>>) dst(%dma_wait3A_307 : memref<10240x128xf32, #tpu.memory_space<vmem_shared>>)
      %add3A_310 = arith.constant 2 : i32
      %add3A_311 = arith.addi %mul3A_185, %add3A_310 : i32
      %lt3A = arith.constant 125 : i32
      %lt3A_312 = arith.cmpi slt, %add3A_311, %lt3A : i32
      %convert_element_type3A_313 = arith.extui %lt3A_312 : i1 to i32
      %cond3A_314 = arith.constant 0 : i32
      %cond3A_315 = arith.cmpi ne, %convert_element_type3A_313, %cond3A_314 : i32
      scf.if %cond3A_315 {
        %add3A_376 = arith.constant 2 : i32
        %add3A_377 = arith.addi %mul3A_185, %add3A_376 : i32
        %mul3A_378 = arith.constant 80 : i32
        %mul3A_379 = arith.muli %add3A_377, %mul3A_378 : i32
        %multiple_of3A_380 = tpu.assume_multiple %mul3A_379, 8 : i32
        %dma_start3A_381 = arith.constant 0 : i32
        %dma_start3A_382 = arith.constant 0 : i32
        %dma_start3A_383 = arith.constant 0 : i32
        %dma_start3A_384 = arith.constant 0 : i32
        %dma_start3A_385 = tpu.memref_slice %arg8[%dma_start3A_381, %dma_start3A_383, %dma_start3A_384] : memref<2x80x128xf32, #tpu.memory_space<vmem>> -> memref<1x80x128xf32, #tpu.memory_space<vmem>>
        %dma_start3A_386 = tpu.memref_squeeze %dma_start3A_385 : memref<1x80x128xf32, #tpu.memory_space<vmem>> -> memref<80x128xf32, #tpu.memory_space<vmem>>
        %dma_start3A_387 = tpu.memref_slice %arg5[%multiple_of3A_380] : memref<10000xi32, #tpu.memory_space<vmem>> -> memref<80xi32, #tpu.memory_space<vmem>>
        %dma_start3A_388 = arith.constant 0 : i32
        %dma_start3A_389 = arith.constant 0 : i32
        %dma_start3A_390 = tpu.memref_slice %arg2[%dma_start3A_388, %dma_start3A_389] : memref<10000x128xf32, #tpu.memory_space<hbm>> -> memref<10000x128xf32, #tpu.memory_space<hbm>>
        %dma_start3A_391 = tpu.memref_slice %arg10[%dma_start3A_382] : memref<2x!tpu.dma_semaphore, #tpu.memory_space<semaphore_mem>> -> memref<1x!tpu.dma_semaphore, #tpu.memory_space<semaphore_mem>>
        %dma_start3A_392 = tpu.memref_squeeze %dma_start3A_391 : memref<1x!tpu.dma_semaphore, #tpu.memory_space<semaphore_mem>> -> memref<!tpu.dma_semaphore, #tpu.memory_space<semaphore_mem>>
        tpu.enqueue_indirect_dma source(%dma_start3A_390 : memref<10000x128xf32, #tpu.memory_space<hbm>>) target(%dma_start3A_386 : memref<80x128xf32, #tpu.memory_space<vmem>>) offsets(%dma_start3A_387 : memref<80xi32, #tpu.memory_space<vmem>>) semaphore(%dma_start3A_392 : memref<!tpu.dma_semaphore, #tpu.memory_space<semaphore_mem>>)
      } else {
      }
      %add3A_316 = arith.constant 1 : i32
      %add3A_317 = arith.addi %mul3A_185, %add3A_316 : i32
      %mul3A_318 = arith.constant 80 : i32
      %mul3A_319 = arith.muli %add3A_317, %mul3A_318 : i32
      %multiple_of3A_320 = tpu.assume_multiple %mul3A_319, 8 : i32
      %add3A_321 = arith.constant 0 : i32
      %add3A_322 = arith.addi %multiple_of3A_320, %add3A_321 : i32
      %get3A_323 = arith.index_cast %add3A_322 : i32 to index
      %get3A_324 = tpu.vector_load %arg6[%get3A_323] {strides = array<i32>} : memref<10000xi32, #tpu.memory_space<vmem>>, vector<16xi32>,
      %swap3A_325 = arith.constant 1 : i32
      %swap3A_326 = arith.index_cast %swap3A_325 : i32 to index
      %swap3A_327 = arith.constant 0 : index
      %swap3A_328 = tpu.vector_load %arg7[%swap3A_326, %swap3A_327] {strides = array<i32>} : memref<2x80xi32, #tpu.memory_space<vmem>>, vector<16xi32>,
      tpu.vector_store %arg7[%swap3A_326, %swap3A_327], %get3A_324 {strides = array<i32>} : memref<2x80xi32, #tpu.memory_space<vmem>>, vector<16xi32>,
      %add3A_329 = arith.constant 16 : i32
      %add3A_330 = arith.addi %multiple_of3A_320, %add3A_329 : i32
      %get3A_331 = arith.index_cast %add3A_330 : i32 to index
      %get3A_332 = tpu.vector_load %arg6[%get3A_331] {strides = array<i32>} : memref<10000xi32, #tpu.memory_space<vmem>>, vector<16xi32>,
      %swap3A_333 = arith.constant 1 : i32
      %swap3A_334 = arith.index_cast %swap3A_333 : i32 to index
      %swap3A_335 = arith.constant 16 : index
      %swap3A_336 = tpu.vector_load %arg7[%swap3A_334, %swap3A_335] {strides = array<i32>} : memref<2x80xi32, #tpu.memory_space<vmem>>, vector<16xi32>,
      tpu.vector_store %arg7[%swap3A_334, %swap3A_335], %get3A_332 {strides = array<i32>} : memref<2x80xi32, #tpu.memory_space<vmem>>, vector<16xi32>,
      %add3A_337 = arith.constant 32 : i32
      %add3A_338 = arith.addi %multiple_of3A_320, %add3A_337 : i32
      %get3A_339 = arith.index_cast %add3A_338 : i32 to index
      %get3A_340 = tpu.vector_load %arg6[%get3A_339] {strides = array<i32>} : memref<10000xi32, #tpu.memory_space<vmem>>, vector<16xi32>,
      %swap3A_341 = arith.constant 1 : i32
      %swap3A_342 = arith.index_cast %swap3A_341 : i32 to index
      %swap3A_343 = arith.constant 32 : index
      %swap3A_344 = tpu.vector_load %arg7[%swap3A_342, %swap3A_343] {strides = array<i32>} : memref<2x80xi32, #tpu.memory_space<vmem>>, vector<16xi32>,
      tpu.vector_store %arg7[%swap3A_342, %swap3A_343], %get3A_340 {strides = array<i32>} : memref<2x80xi32, #tpu.memory_space<vmem>>, vector<16xi32>,
      %add3A_345 = arith.constant 48 : i32
      %add3A_346 = arith.addi %multiple_of3A_320, %add3A_345 : i32
      %get3A_347 = arith.index_cast %add3A_346 : i32 to index
      %get3A_348 = tpu.vector_load %arg6[%get3A_347] {strides = array<i32>} : memref<10000xi32, #tpu.memory_space<vmem>>, vector<16xi32>,
      %swap3A_349 = arith.constant 1 : i32
      %swap3A_350 = arith.index_cast %swap3A_349 : i32 to index
      %swap3A_351 = arith.constant 48 : index
      %swap3A_352 = tpu.vector_load %arg7[%swap3A_350, %swap3A_351] {strides = array<i32>} : memref<2x80xi32, #tpu.memory_space<vmem>>, vector<16xi32>,
      tpu.vector_store %arg7[%swap3A_350, %swap3A_351], %get3A_348 {strides = array<i32>} : memref<2x80xi32, #tpu.memory_space<vmem>>, vector<16xi32>,
      %add3A_353 = arith.constant 64 : i32
      %add3A_354 = arith.addi %multiple_of3A_320, %add3A_353 : i32
      %get3A_355 = arith.index_cast %add3A_354 : i32 to index
      %get3A_356 = tpu.vector_load %arg6[%get3A_355] {strides = array<i32>} : memref<10000xi32, #tpu.memory_space<vmem>>, vector<16xi32>,
      %swap3A_357 = arith.constant 1 : i32
      %swap3A_358 = arith.index_cast %swap3A_357 : i32 to index
      %swap3A_359 = arith.constant 64 : index
      %swap3A_360 = tpu.vector_load %arg7[%swap3A_358, %swap3A_359] {strides = array<i32>} : memref<2x80xi32, #tpu.memory_space<vmem>>, vector<16xi32>,
      tpu.vector_store %arg7[%swap3A_358, %swap3A_359], %get3A_356 {strides = array<i32>} : memref<2x80xi32, #tpu.memory_space<vmem>>, vector<16xi32>,
      %dma_start3A_361 = arith.constant 1 : i32
      %dma_start3A_362 = arith.constant 1 : i32
      %dma_start3A_363 = arith.constant 1 : i32
      %dma_start3A_364 = arith.constant 0 : i32
      %dma_start3A_365 = arith.constant 0 : i32
      %dma_start3A_366 = tpu.memref_slice %arg8[%dma_start3A_361, %dma_start3A_364, %dma_start3A_365] : memref<2x80x128xf32, #tpu.memory_space<vmem>> -> memref<1x80x128xf32, #tpu.memory_space<vmem>>
      %dma_start3A_367 = tpu.memref_squeeze %dma_start3A_366 : memref<1x80x128xf32, #tpu.memory_space<vmem>> -> memref<80x128xf32, #tpu.memory_space<vmem>>
      %dma_start3A_368 = arith.constant 0 : i32
      %dma_start3A_369 = tpu.memref_slice %arg7[%dma_start3A_362, %dma_start3A_368] : memref<2x80xi32, #tpu.memory_space<vmem>> -> memref<1x80xi32, #tpu.memory_space<vmem>>
      %dma_start3A_370 = tpu.memref_squeeze %dma_start3A_369 : memref<1x80xi32, #tpu.memory_space<vmem>> -> memref<80xi32, #tpu.memory_space<vmem>>
      %dma_start3A_371 = arith.constant 0 : i32
      %dma_start3A_372 = arith.constant 0 : i32
      %dma_start3A_373 = tpu.memref_slice %arg9[%dma_start3A_371, %dma_start3A_372] : memref<10240x128xf32, #tpu.memory_space<vmem_shared>> -> memref<10240x128xf32, #tpu.memory_space<vmem_shared>>
      %dma_start3A_374 = tpu.memref_slice %arg11[%dma_start3A_363] : memref<2x!tpu.dma_semaphore, #tpu.memory_space<semaphore_mem>> -> memref<1x!tpu.dma_semaphore, #tpu.memory_space<semaphore_mem>>
      %dma_start3A_375 = tpu.memref_squeeze %dma_start3A_374 : memref<1x!tpu.dma_semaphore, #tpu.memory_space<semaphore_mem>> -> memref<!tpu.dma_semaphore, #tpu.memory_space<semaphore_mem>>
      tpu.enqueue_indirect_dma source(%dma_start3A_367 : memref<80x128xf32, #tpu.memory_space<vmem>>) target(%dma_start3A_373 : memref<10240x128xf32, #tpu.memory_space<vmem_shared>>) offsets(%dma_start3A_370 : memref<80xi32, #tpu.memory_space<vmem>>) semaphore(%dma_start3A_375 : memref<!tpu.dma_semaphore, #tpu.memory_space<semaphore_mem>>) {add = true}
    }
    %scan3A_76 = arith.constant 62 : i32
    %dma_wait3A_77 = arith.constant 1 : i32
    %dma_wait3A_78 = arith.constant 1 : i32
    %dma_wait3A_79 = arith.constant 1 : i32
    %dma_wait3A_80 = arith.constant 0 : i32
    %dma_wait3A_81 = arith.constant 0 : i32
    %dma_wait3A_82 = tpu.memref_slice %arg8[%dma_wait3A_77, %dma_wait3A_80, %dma_wait3A_81] : memref<2x80x128xf32, #tpu.memory_space<vmem>> -> memref<1x80x128xf32, #tpu.memory_space<vmem>>
    %dma_wait3A_83 = tpu.memref_squeeze %dma_wait3A_82 : memref<1x80x128xf32, #tpu.memory_space<vmem>> -> memref<80x128xf32, #tpu.memory_space<vmem>>
    %dma_wait3A_84 = arith.constant 0 : i32
    %dma_wait3A_85 = tpu.memref_slice %arg7[%dma_wait3A_78, %dma_wait3A_84] : memref<2x80xi32, #tpu.memory_space<vmem>> -> memref<1x80xi32, #tpu.memory_space<vmem>>
    %dma_wait3A_86 = tpu.memref_squeeze %dma_wait3A_85 : memref<1x80xi32, #tpu.memory_space<vmem>> -> memref<80xi32, #tpu.memory_space<vmem>>
    %dma_wait3A_87 = arith.constant 0 : i32
    %dma_wait3A_88 = arith.constant 0 : i32
    %dma_wait3A_89 = tpu.memref_slice %arg9[%dma_wait3A_87, %dma_wait3A_88] : memref<10240x128xf32, #tpu.memory_space<vmem_shared>> -> memref<10240x128xf32, #tpu.memory_space<vmem_shared>>
    %dma_wait3A_90 = tpu.memref_slice %arg11[%dma_wait3A_79] : memref<2x!tpu.dma_semaphore, #tpu.memory_space<semaphore_mem>> -> memref<1x!tpu.dma_semaphore, #tpu.memory_space<semaphore_mem>>
    %dma_wait3A_91 = tpu.memref_squeeze %dma_wait3A_90 : memref<1x!tpu.dma_semaphore, #tpu.memory_space<semaphore_mem>> -> memref<!tpu.dma_semaphore, #tpu.memory_space<semaphore_mem>>
    tpu.wait_indirect_dma semaphore(%dma_wait3A_91 : memref<!tpu.dma_semaphore, #tpu.memory_space<semaphore_mem>>) src(%dma_wait3A_83 : memref<80x128xf32, #tpu.memory_space<vmem>>) dst(%dma_wait3A_89 : memref<10240x128xf32, #tpu.memory_space<vmem_shared>>)
    %multiple_of3A_92 = arith.constant 9920 : i32
    %multiple_of3A_93 = tpu.assume_multiple %multiple_of3A_92, 8 : i32
    %dma_wait3A_94 = arith.constant 0 : i32
    %dma_wait3A_95 = arith.constant 0 : i32
    %dma_wait3A_96 = arith.constant 0 : i32
    %dma_wait3A_97 = arith.constant 0 : i32
    %dma_wait3A_98 = tpu.memref_slice %arg8[%dma_wait3A_94, %dma_wait3A_96, %dma_wait3A_97] : memref<2x80x128xf32, #tpu.memory_space<vmem>> -> memref<1x80x128xf32, #tpu.memory_space<vmem>>
    %dma_wait3A_99 = tpu.memref_squeeze %dma_wait3A_98 : memref<1x80x128xf32, #tpu.memory_space<vmem>> -> memref<80x128xf32, #tpu.memory_space<vmem>>
    %dma_wait3A_100 = tpu.memref_slice %arg5[%multiple_of3A_93] : memref<10000xi32, #tpu.memory_space<vmem>> -> memref<80xi32, #tpu.memory_space<vmem>>
    %dma_wait3A_101 = arith.constant 0 : i32
    %dma_wait3A_102 = arith.constant 0 : i32
    %dma_wait3A_103 = tpu.memref_slice %arg2[%dma_wait3A_101, %dma_wait3A_102] : memref<10000x128xf32, #tpu.memory_space<hbm>> -> memref<10000x128xf32, #tpu.memory_space<hbm>>
    %dma_wait3A_104 = tpu.memref_slice %arg10[%dma_wait3A_95] : memref<2x!tpu.dma_semaphore, #tpu.memory_space<semaphore_mem>> -> memref<1x!tpu.dma_semaphore, #tpu.memory_space<semaphore_mem>>
    %dma_wait3A_105 = tpu.memref_squeeze %dma_wait3A_104 : memref<1x!tpu.dma_semaphore, #tpu.memory_space<semaphore_mem>> -> memref<!tpu.dma_semaphore, #tpu.memory_space<semaphore_mem>>
    tpu.wait_indirect_dma semaphore(%dma_wait3A_105 : memref<!tpu.dma_semaphore, #tpu.memory_space<semaphore_mem>>) src(%dma_wait3A_103 : memref<10000x128xf32, #tpu.memory_space<hbm>>) dst(%dma_wait3A_99 : memref<80x128xf32, #tpu.memory_space<vmem>>)
    %multiple_of3A_106 = arith.constant 9920 : i32
    %multiple_of3A_107 = tpu.assume_multiple %multiple_of3A_106, 8 : i32
    %add3A_108 = arith.constant 0 : i32
    %add3A_109 = arith.addi %multiple_of3A_107, %add3A_108 : i32
    %get3A = arith.index_cast %add3A_109 : i32 to index
    %get3A_110 = tpu.vector_load %arg6[%get3A] {strides = array<i32>} : memref<10000xi32, #tpu.memory_space<vmem>>, vector<16xi32>,
    %swap3A = arith.constant 0 : i32
    %swap3A_111 = arith.index_cast %swap3A : i32 to index
    %swap3A_112 = arith.constant 0 : index
    %swap3A_113 = tpu.vector_load %arg7[%swap3A_111, %swap3A_112] {strides = array<i32>} : memref<2x80xi32, #tpu.memory_space<vmem>>, vector<16xi32>,
    tpu.vector_store %arg7[%swap3A_111, %swap3A_112], %get3A_110 {strides = array<i32>} : memref<2x80xi32, #tpu.memory_space<vmem>>, vector<16xi32>,
    %add3A_114 = arith.constant 16 : i32
    %add3A_115 = arith.addi %multiple_of3A_107, %add3A_114 : i32
    %get3A_116 = arith.index_cast %add3A_115 : i32 to index
    %get3A_117 = tpu.vector_load %arg6[%get3A_116] {strides = array<i32>} : memref<10000xi32, #tpu.memory_space<vmem>>, vector<16xi32>,
    %swap3A_118 = arith.constant 0 : i32
    %swap3A_119 = arith.index_cast %swap3A_118 : i32 to index
    %swap3A_120 = arith.constant 16 : index
    %swap3A_121 = tpu.vector_load %arg7[%swap3A_119, %swap3A_120] {strides = array<i32>} : memref<2x80xi32, #tpu.memory_space<vmem>>, vector<16xi32>,
    tpu.vector_store %arg7[%swap3A_119, %swap3A_120], %get3A_117 {strides = array<i32>} : memref<2x80xi32, #tpu.memory_space<vmem>>, vector<16xi32>,
    %add3A_122 = arith.constant 32 : i32
    %add3A_123 = arith.addi %multiple_of3A_107, %add3A_122 : i32
    %get3A_124 = arith.index_cast %add3A_123 : i32 to index
    %get3A_125 = tpu.vector_load %arg6[%get3A_124] {strides = array<i32>} : memref<10000xi32, #tpu.memory_space<vmem>>, vector<16xi32>,
    %swap3A_126 = arith.constant 0 : i32
    %swap3A_127 = arith.index_cast %swap3A_126 : i32 to index
    %swap3A_128 = arith.constant 32 : index
    %swap3A_129 = tpu.vector_load %arg7[%swap3A_127, %swap3A_128] {strides = array<i32>} : memref<2x80xi32, #tpu.memory_space<vmem>>, vector<16xi32>,
    tpu.vector_store %arg7[%swap3A_127, %swap3A_128], %get3A_125 {strides = array<i32>} : memref<2x80xi32, #tpu.memory_space<vmem>>, vector<16xi32>,
    %add3A_130 = arith.constant 48 : i32
    %add3A_131 = arith.addi %multiple_of3A_107, %add3A_130 : i32
    %get3A_132 = arith.index_cast %add3A_131 : i32 to index
    %get3A_133 = tpu.vector_load %arg6[%get3A_132] {strides = array<i32>} : memref<10000xi32, #tpu.memory_space<vmem>>, vector<16xi32>,
    %swap3A_134 = arith.constant 0 : i32
    %swap3A_135 = arith.index_cast %swap3A_134 : i32 to index
    %swap3A_136 = arith.constant 48 : index
    %swap3A_137 = tpu.vector_load %arg7[%swap3A_135, %swap3A_136] {strides = array<i32>} : memref<2x80xi32, #tpu.memory_space<vmem>>, vector<16xi32>,
    tpu.vector_store %arg7[%swap3A_135, %swap3A_136], %get3A_133 {strides = array<i32>} : memref<2x80xi32, #tpu.memory_space<vmem>>, vector<16xi32>,
    %add3A_138 = arith.constant 64 : i32
    %add3A_139 = arith.addi %multiple_of3A_107, %add3A_138 : i32
    %get3A_140 = arith.index_cast %add3A_139 : i32 to index
    %get3A_141 = tpu.vector_load %arg6[%get3A_140] {strides = array<i32>} : memref<10000xi32, #tpu.memory_space<vmem>>, vector<16xi32>,
    %swap3A_142 = arith.constant 0 : i32
    %swap3A_143 = arith.index_cast %swap3A_142 : i32 to index
    %swap3A_144 = arith.constant 64 : index
    %swap3A_145 = tpu.vector_load %arg7[%swap3A_143, %swap3A_144] {strides = array<i32>} : memref<2x80xi32, #tpu.memory_space<vmem>>, vector<16xi32>,
    tpu.vector_store %arg7[%swap3A_143, %swap3A_144], %get3A_141 {strides = array<i32>} : memref<2x80xi32, #tpu.memory_space<vmem>>, vector<16xi32>,
    %dma_start3A_146 = arith.constant 0 : i32
    %dma_start3A_147 = arith.constant 0 : i32
    %dma_start3A_148 = arith.constant 0 : i32
    %dma_start3A_149 = arith.constant 0 : i32
    %dma_start3A_150 = arith.constant 0 : i32
    %dma_start3A_151 = tpu.memref_slice %arg8[%dma_start3A_146, %dma_start3A_149, %dma_start3A_150] : memref<2x80x128xf32, #tpu.memory_space<vmem>> -> memref<1x80x128xf32, #tpu.memory_space<vmem>>
    %dma_start3A_152 = tpu.memref_squeeze %dma_start3A_151 : memref<1x80x128xf32, #tpu.memory_space<vmem>> -> memref<80x128xf32, #tpu.memory_space<vmem>>
    %dma_start3A_153 = arith.constant 0 : i32
    %dma_start3A_154 = tpu.memref_slice %arg7[%dma_start3A_147, %dma_start3A_153] : memref<2x80xi32, #tpu.memory_space<vmem>> -> memref<1x80xi32, #tpu.memory_space<vmem>>
    %dma_start3A_155 = tpu.memref_squeeze %dma_start3A_154 : memref<1x80xi32, #tpu.memory_space<vmem>> -> memref<80xi32, #tpu.memory_space<vmem>>
    %dma_start3A_156 = arith.constant 0 : i32
    %dma_start3A_157 = arith.constant 0 : i32
    %dma_start3A_158 = tpu.memref_slice %arg9[%dma_start3A_156, %dma_start3A_157] : memref<10240x128xf32, #tpu.memory_space<vmem_shared>> -> memref<10240x128xf32, #tpu.memory_space<vmem_shared>>
    %dma_start3A_159 = tpu.memref_slice %arg11[%dma_start3A_148] : memref<2x!tpu.dma_semaphore, #tpu.memory_space<semaphore_mem>> -> memref<1x!tpu.dma_semaphore, #tpu.memory_space<semaphore_mem>>
    %dma_start3A_160 = tpu.memref_squeeze %dma_start3A_159 : memref<1x!tpu.dma_semaphore, #tpu.memory_space<semaphore_mem>> -> memref<!tpu.dma_semaphore, #tpu.memory_space<semaphore_mem>>
    tpu.enqueue_indirect_dma source(%dma_start3A_152 : memref<80x128xf32, #tpu.memory_space<vmem>>) target(%dma_start3A_158 : memref<10240x128xf32, #tpu.memory_space<vmem_shared>>) offsets(%dma_start3A_155 : memref<80xi32, #tpu.memory_space<vmem>>) semaphore(%dma_start3A_160 : memref<!tpu.dma_semaphore, #tpu.memory_space<semaphore_mem>>) {add = true}
    %dma_wait3A_161 = arith.constant 0 : i32
    %dma_wait3A_162 = arith.constant 0 : i32
    %dma_wait3A_163 = arith.constant 0 : i32
    %dma_wait3A_164 = arith.constant 0 : i32
    %dma_wait3A_165 = arith.constant 0 : i32
    %dma_wait3A_166 = tpu.memref_slice %arg8[%dma_wait3A_161, %dma_wait3A_164, %dma_wait3A_165] : memref<2x80x128xf32, #tpu.memory_space<vmem>> -> memref<1x80x128xf32, #tpu.memory_space<vmem>>
    %dma_wait3A_167 = tpu.memref_squeeze %dma_wait3A_166 : memref<1x80x128xf32, #tpu.memory_space<vmem>> -> memref<80x128xf32, #tpu.memory_space<vmem>>
    %dma_wait3A_168 = arith.constant 0 : i32
    %dma_wait3A_169 = tpu.memref_slice %arg7[%dma_wait3A_162, %dma_wait3A_168] : memref<2x80xi32, #tpu.memory_space<vmem>> -> memref<1x80xi32, #tpu.memory_space<vmem>>
    %dma_wait3A_170 = tpu.memref_squeeze %dma_wait3A_169 : memref<1x80xi32, #tpu.memory_space<vmem>> -> memref<80xi32, #tpu.memory_space<vmem>>
    %dma_wait3A_171 = arith.constant 0 : i32
    %dma_wait3A_172 = arith.constant 0 : i32
    %dma_wait3A_173 = tpu.memref_slice %arg9[%dma_wait3A_171, %dma_wait3A_172] : memref<10240x128xf32, #tpu.memory_space<vmem_shared>> -> memref<10240x128xf32, #tpu.memory_space<vmem_shared>>
    %dma_wait3A_174 = tpu.memref_slice %arg11[%dma_wait3A_163] : memref<2x!tpu.dma_semaphore, #tpu.memory_space<semaphore_mem>> -> memref<1x!tpu.dma_semaphore, #tpu.memory_space<semaphore_mem>>
    %dma_wait3A_175 = tpu.memref_squeeze %dma_wait3A_174 : memref<1x!tpu.dma_semaphore, #tpu.memory_space<semaphore_mem>> -> memref<!tpu.dma_semaphore, #tpu.memory_space<semaphore_mem>>
    tpu.wait_indirect_dma semaphore(%dma_wait3A_175 : memref<!tpu.dma_semaphore, #tpu.memory_space<semaphore_mem>>) src(%dma_wait3A_167 : memref<80x128xf32, #tpu.memory_space<vmem>>) dst(%dma_wait3A_173 : memref<10240x128xf32, #tpu.memory_space<vmem_shared>>)
    %barrier3A_176 = arith.constant 0 : index
    tpu.barrier barrier_id(%barrier3A_176)
    %mul3A_177 = arith.constant 10240 : i32
    %mul3A_178 = arith.muli %arg0, %mul3A_177 : i32
    %mul3A_179 = arith.constant 640 : i32
    %mul3A_180 = arith.muli %arg1, %mul3A_179 : i32
    %add3A_181 = arith.addi %mul3A_178, %mul3A_180 : i32
    %multiple_of3A_182 = tpu.assume_multiple %add3A_181, 8 : i32
    "tpu.region"() ({
      %run_scoped3A_183 = tpu.sem_alloc : memref<!tpu.dma_semaphore, #tpu.memory_space<semaphore_mem>>
      %dma_start3A_184 = arith.constant 0 : i32
      %dma_start3A_185 = tpu.memref_slice %arg4[%multiple_of3A_182, %dma_start3A_184] : memref<20480x128xf32, #tpu.memory_space<hbm>> -> memref<640x128xf32, #tpu.memory_space<hbm>>
      %dma_start3A_186 = arith.constant 0 : i32
      %dma_start3A_187 = tpu.memref_slice %arg9[%multiple_of3A_40, %dma_start3A_186] : memref<10240x128xf32, #tpu.memory_space<vmem_shared>> -> memref<640x128xf32, #tpu.memory_space<vmem_shared>>
      tpu.enqueue_dma source(%dma_start3A_187 : memref<640x128xf32, #tpu.memory_space<vmem_shared>>) target(%dma_start3A_185 : memref<640x128xf32, #tpu.memory_space<hbm>>) target_semaphore(%run_scoped3A_183 : memref<!tpu.dma_semaphore, #tpu.memory_space<semaphore_mem>>)
      %dma_wait3A_188 = arith.constant 0 : i32
      %dma_wait3A_189 = tpu.memref_slice %arg4[%multiple_of3A_182, %dma_wait3A_188] : memref<20480x128xf32, #tpu.memory_space<hbm>> -> memref<640x128xf32, #tpu.memory_space<hbm>>
      %dma_wait3A_190 = arith.constant 0 : i32
      %dma_wait3A_191 = tpu.memref_slice %arg9[%multiple_of3A_40, %dma_wait3A_190] : memref<10240x128xf32, #tpu.memory_space<vmem_shared>> -> memref<640x128xf32, #tpu.memory_space<vmem_shared>>
      tpu.wait_dma2 semaphore(%run_scoped3A_183 : memref<!tpu.dma_semaphore, #tpu.memory_space<semaphore_mem>>) src(%dma_wait3A_191 : memref<640x128xf32, #tpu.memory_space<vmem_shared>>) dst(%dma_wait3A_189 : memref<640x128xf32, #tpu.memory_space<hbm>>)
      tpu.yield
    }) : () -> ()
    return
  }
}

module attributes {stable_mosaic.version = 14 : i64} {
  func.func @_layer_body(%arg0: i32, %arg1: memref<2x5120x128xf32, #tpu.memory_space<vmem>>, %arg2: memref<2x5120xf32, #tpu.memory_space<vmem>>, %arg3: memref<128x128xf32, #tpu.memory_space<vmem>>, %arg4: memref<1x128xf32, #tpu.memory_space<vmem>>, %arg5: memref<5120x128xf32, #tpu.memory_space<vmem>>) attributes {dimension_semantics = [#tpu.dimension_semantics<arbitrary>], iteration_bounds = array<i64: 2>, scalar_prefetch = 0 : i64, scratch_operands = 0 : i64, tpu.core_type = #tpu.core_type<tc>, window_params = [{transform_indices = @transform_0, window_bounds = array<i64: 2, 5120, 128>}, {transform_indices = @transform_1, window_bounds = array<i64: 2, 5120>}, {pipeline_mode = #tpu.pipeline_mode<synchronous>, transform_indices = @transform_2, window_bounds = array<i64: 128, 128>}, {pipeline_mode = #tpu.pipeline_mode<synchronous>, transform_indices = @transform_3, window_bounds = array<i64: 1, 128>}, {transform_indices = @transform_4, window_bounds = array<i64: 5120, 128>}]} {
    %get3A = arith.constant 0 : index
    %get3A_0 = arith.constant 0 : index
    %get3A_1 = arith.constant 0 : index
    %get3A_2 = vector.load %arg1[%get3A, %get3A_0, %get3A_1] : memref<2x5120x128xf32, #tpu.memory_space<vmem>>, vector<1x5120x128xf32>
    %get3A_3 = vector.shape_cast %get3A_2 : vector<1x5120x128xf32> to vector<5120x128xf32>
    %get3A_4 = arith.constant 1 : index
    %get3A_5 = arith.constant 0 : index
    %get3A_6 = arith.constant 0 : index
    %get3A_7 = vector.load %arg1[%get3A_4, %get3A_5, %get3A_6] : memref<2x5120x128xf32, #tpu.memory_space<vmem>>, vector<1x5120x128xf32>
    %get3A_8 = vector.shape_cast %get3A_7 : vector<1x5120x128xf32> to vector<5120x128xf32>
    %add3A = arith.addf %get3A_3, %get3A_8 : vector<5120x128xf32>
    %get3A_9 = arith.constant 0 : index
    %get3A_10 = arith.constant 0 : index
    %get3A_11 = vector.load %arg2[%get3A_9, %get3A_10] : memref<2x5120xf32, #tpu.memory_space<vmem>>, vector<2x5120xf32>
    %slice3A = vector.extract_strided_slice %get3A_11 {offsets = [1, 0], sizes = [1, 5120], strides = [1, 1]} : vector<2x5120xf32> to vector<1x5120xf32>
    %squeeze3A = vector.shape_cast %slice3A : vector<1x5120xf32> to vector<5120xf32>
    %broadcast_in_dim3A = vector.shape_cast %squeeze3A : vector<5120xf32> to vector<5120x1xf32>
    %mul3A = vector.broadcast %broadcast_in_dim3A : vector<5120x1xf32> to vector<5120x128xf32>
    %mul3A_12 = arith.mulf %add3A, %mul3A : vector<5120x128xf32>
    %get3A_13 = arith.constant 0 : index
    %get3A_14 = arith.constant 0 : index
    %get3A_15 = vector.load %arg3[%get3A_13, %get3A_14] : memref<128x128xf32, #tpu.memory_space<vmem>>, vector<128x128xf32>
    %dot_general3A = arith.constant dense<0.000000e+00> : vector<5120x128xf32>
    %dot_general3A_16 = tpu.matmul %mul3A_12, %get3A_15, %dot_general3A {dimension_numbers = #tpu.dot_dimension_numbers<[1], [0], [0], [1], [0, 0, 1, 1], [], []>, transpose_lhs_hint = false} : vector<5120x128xf32>, vector<128x128xf32>, vector<5120x128xf32> -> vector<5120x128xf32>
    %get3A_17 = arith.constant 0 : index
    %get3A_18 = arith.constant 0 : index
    %get3A_19 = vector.load %arg4[%get3A_17, %get3A_18] : memref<1x128xf32, #tpu.memory_space<vmem>>, vector<1x128xf32>
    %add3A_20 = vector.broadcast %get3A_19 : vector<1x128xf32> to vector<5120x128xf32>
    %add3A_21 = arith.addf %dot_general3A_16, %add3A_20 : vector<5120x128xf32>
    %max3A = arith.constant 0.000000e+00 : f32
    %max3A_22 = vector.broadcast %max3A : f32 to vector<5120x128xf32>
    %max3A_23 = arith.maximumf %add3A_21, %max3A_22 : vector<5120x128xf32>
    %slice3A_24 = vector.extract_strided_slice %get3A_11 {offsets = [0, 0], sizes = [1, 5120], strides = [1, 1]} : vector<2x5120xf32> to vector<1x5120xf32>
    %squeeze3A_25 = vector.shape_cast %slice3A_24 : vector<1x5120xf32> to vector<5120xf32>
    %broadcast_in_dim3A_26 = vector.shape_cast %squeeze3A_25 : vector<5120xf32> to vector<5120x1xf32>
    %mul3A_27 = vector.broadcast %broadcast_in_dim3A_26 : vector<5120x1xf32> to vector<5120x128xf32>
    %mul3A_28 = arith.mulf %max3A_23, %mul3A_27 : vector<5120x128xf32>
    %swap3A = arith.constant 0 : index
    %swap3A_29 = arith.constant 0 : index
    %swap3A_30 = vector.load %arg5[%swap3A, %swap3A_29] : memref<5120x128xf32, #tpu.memory_space<vmem>>, vector<5120x128xf32>
    tpu.vector_store %arg5[%swap3A, %swap3A_29], %mul3A_28 {strides = array<i32>} : memref<5120x128xf32, #tpu.memory_space<vmem>>, vector<5120x128xf32>,
    return
  }
  func.func @transform_0(%arg0: i32) -> (i32, i32, i32) {
    %c0_i32 = arith.constant 0 : i32
    %c0_i32_0 = arith.constant 0 : i32
    %c0_i32_1 = arith.constant 0 : i32
    return %c0_i32, %arg0, %c0_i32_0 : i32, i32, i32
  }
  func.func @transform_1(%arg0: i32) -> (i32, i32) {
    %c0_i32 = arith.constant 0 : i32
    %c0_i32_0 = arith.constant 0 : i32
    return %c0_i32, %arg0 : i32, i32
  }
  func.func @transform_2(%arg0: i32) -> (i32, i32) {
    %c0_i32 = arith.constant 0 : i32
    %c0_i32_0 = arith.constant 0 : i32
    %c0_i32_1 = arith.constant 0 : i32
    return %c0_i32, %c0_i32_0 : i32, i32
  }
  func.func @transform_3(%arg0: i32) -> (i32, i32) {
    %c0_i32 = arith.constant 0 : i32
    %c0_i32_0 = arith.constant 0 : i32
    %c0_i32_1 = arith.constant 0 : i32
    return %c0_i32, %c0_i32_0 : i32, i32
  }
  func.func @transform_4(%arg0: i32) -> (i32, i32) {
    %c0_i32 = arith.constant 0 : i32
    %c0_i32_0 = arith.constant 0 : i32
    return %arg0, %c0_i32 : i32, i32
  }
}

module attributes {stable_mosaic.version = 14 : i64} {
  func.func @_norms_body(%arg0: i32, %arg1: memref<64x5120xf32, #tpu.memory_space<vmem>>, %arg2: memref<5120x128xf32, #tpu.memory_space<vmem>>, %arg3: memref<2x5120xf32, #tpu.memory_space<vmem>>, %arg4: memref<5120x128xf32, #tpu.memory_space<vmem>>) attributes {dimension_semantics = [#tpu.dimension_semantics<arbitrary>], iteration_bounds = array<i64: 2>, scalar_prefetch = 0 : i64, scratch_operands = 0 : i64, tpu.core_type = #tpu.core_type<tc>, window_params = [{transform_indices = @transform_0, window_bounds = array<i64: 64, 5120>}, {transform_indices = @transform_1, window_bounds = array<i64: 5120, 128>}, {transform_indices = @transform_2, window_bounds = array<i64: 2, 5120>}, {transform_indices = @transform_3, window_bounds = array<i64: 5120, 128>}]} {
    %get3A = arith.constant 0 : index
    %get3A_0 = arith.constant 0 : index
    %get3A_1 = vector.load %arg1[%get3A, %get3A_0] : memref<64x5120xf32, #tpu.memory_space<vmem>>, vector<64x5120xf32>
    %slice3A = vector.extract_strided_slice %get3A_1 {offsets = [0, 0], sizes = [32, 5120], strides = [1, 1]} : vector<64x5120xf32> to vector<32x5120xf32>
    %reduce_sum3A = arith.constant dense<0.000000e+00> : vector<5120xf32>
    %reduce_sum3A_2 = vector.multi_reduction <add>, %slice3A, %reduce_sum3A [0] : vector<32x5120xf32> to vector<5120xf32>
    %slice3A_3 = vector.extract_strided_slice %get3A_1 {offsets = [32, 0], sizes = [32, 5120], strides = [1, 1]} : vector<64x5120xf32> to vector<32x5120xf32>
    %reduce_sum3A_4 = arith.constant dense<0.000000e+00> : vector<5120xf32>
    %reduce_sum3A_5 = vector.multi_reduction <add>, %slice3A_3, %reduce_sum3A_4 [0] : vector<32x5120xf32> to vector<5120xf32>
    %max3A = arith.constant 1.000000e+00 : f32
    %max3A_6 = vector.broadcast %max3A : f32 to vector<5120xf32>
    %max3A_7 = arith.maximumf %reduce_sum3A_2, %max3A_6 : vector<5120xf32>
    %rsqrt3A = math.rsqrt %max3A_7 : vector<5120xf32>
    %max3A_8 = arith.constant 1.000000e+00 : f32
    %max3A_9 = vector.broadcast %max3A_8 : f32 to vector<5120xf32>
    %max3A_10 = arith.maximumf %reduce_sum3A_5, %max3A_9 : vector<5120xf32>
    %rsqrt3A_11 = math.rsqrt %max3A_10 : vector<5120xf32>
    %stack3A = vector.shape_cast %rsqrt3A : vector<5120xf32> to vector<1x5120xf32>
    %stack3A_12 = vector.shape_cast %rsqrt3A_11 : vector<5120xf32> to vector<1x5120xf32>
    %stack3A_13 = tpu.concatenate %stack3A, %stack3A_12 in 0 : vector<1x5120xf32>, vector<1x5120xf32> -> vector<2x5120xf32>
    %swap3A = arith.constant 0 : index
    %swap3A_14 = arith.constant 0 : index
    %swap3A_15 = vector.load %arg3[%swap3A, %swap3A_14] : memref<2x5120xf32, #tpu.memory_space<vmem>>, vector<2x5120xf32>
    tpu.vector_store %arg3[%swap3A, %swap3A_14], %stack3A_13 {strides = array<i32>} : memref<2x5120xf32, #tpu.memory_space<vmem>>, vector<2x5120xf32>,
    %get3A_16 = arith.constant 0 : index
    %get3A_17 = arith.constant 0 : index
    %get3A_18 = vector.load %arg2[%get3A_16, %get3A_17] : memref<5120x128xf32, #tpu.memory_space<vmem>>, vector<5120x128xf32>
    %broadcast_in_dim3A = vector.shape_cast %rsqrt3A : vector<5120xf32> to vector<5120x1xf32>
    %mul3A = vector.broadcast %broadcast_in_dim3A : vector<5120x1xf32> to vector<5120x128xf32>
    %mul3A_19 = arith.mulf %get3A_18, %mul3A : vector<5120x128xf32>
    %swap3A_20 = arith.constant 0 : index
    %swap3A_21 = arith.constant 0 : index
    %swap3A_22 = vector.load %arg4[%swap3A_20, %swap3A_21] : memref<5120x128xf32, #tpu.memory_space<vmem>>, vector<5120x128xf32>
    tpu.vector_store %arg4[%swap3A_20, %swap3A_21], %mul3A_19 {strides = array<i32>} : memref<5120x128xf32, #tpu.memory_space<vmem>>, vector<5120x128xf32>,
    return
  }
  func.func @transform_0(%arg0: i32) -> (i32, i32) {
    %c0_i32 = arith.constant 0 : i32
    %c0_i32_0 = arith.constant 0 : i32
    return %c0_i32, %arg0 : i32, i32
  }
  func.func @transform_1(%arg0: i32) -> (i32, i32) {
    %c0_i32 = arith.constant 0 : i32
    %c0_i32_0 = arith.constant 0 : i32
    return %arg0, %c0_i32 : i32, i32
  }
  func.func @transform_2(%arg0: i32) -> (i32, i32) {
    %c0_i32 = arith.constant 0 : i32
    %c0_i32_0 = arith.constant 0 : i32
    return %c0_i32, %arg0 : i32, i32
  }
  func.func @transform_3(%arg0: i32) -> (i32, i32) {
    %c0_i32 = arith.constant 0 : i32
    %c0_i32_0 = arith.constant 0 : i32
    return %arg0, %c0_i32 : i32, i32
  }
}

module attributes {stable_mosaic.version = 14 : i64} {
  func.func @_final_body(%arg0: i32, %arg1: memref<2x5120x128xf32, #tpu.memory_space<vmem>>, %arg2: memref<2x5120xf32, #tpu.memory_space<vmem>>, %arg3: memref<128x128xf32, #tpu.memory_space<vmem>>, %arg4: memref<1x128xf32, #tpu.memory_space<vmem>>, %arg5: memref<128x10xf32, #tpu.memory_space<vmem>>, %arg6: memref<1x10xf32, #tpu.memory_space<vmem>>, %arg7: memref<1x10xf32, #tpu.memory_space<vmem>>, %arg8: memref<1x128xf32, #tpu.memory_space<vmem>>) attributes {dimension_semantics = [#tpu.dimension_semantics<arbitrary>], iteration_bounds = array<i64: 2>, scalar_prefetch = 0 : i64, scratch_operands = 1 : i64, tpu.core_type = #tpu.core_type<tc>, window_params = [{transform_indices = @transform_0, window_bounds = array<i64: 2, 5120, 128>}, {transform_indices = @transform_1, window_bounds = array<i64: 2, 5120>}, {pipeline_mode = #tpu.pipeline_mode<synchronous>, transform_indices = @transform_2, window_bounds = array<i64: 128, 128>}, {pipeline_mode = #tpu.pipeline_mode<synchronous>, transform_indices = @transform_3, window_bounds = array<i64: 1, 128>}, {pipeline_mode = #tpu.pipeline_mode<synchronous>, transform_indices = @transform_4, window_bounds = array<i64: 128, 10>}, {pipeline_mode = #tpu.pipeline_mode<synchronous>, transform_indices = @transform_5, window_bounds = array<i64: 1, 10>}, {pipeline_mode = #tpu.pipeline_mode<synchronous>, transform_indices = @transform_6, window_bounds = array<i64: 1, 10>}]} {
    %get3A = arith.constant 0 : index
    %get3A_0 = arith.constant 0 : index
    %get3A_1 = arith.constant 0 : index
    %get3A_2 = vector.load %arg1[%get3A, %get3A_0, %get3A_1] : memref<2x5120x128xf32, #tpu.memory_space<vmem>>, vector<1x5120x128xf32>
    %get3A_3 = vector.shape_cast %get3A_2 : vector<1x5120x128xf32> to vector<5120x128xf32>
    %get3A_4 = arith.constant 1 : index
    %get3A_5 = arith.constant 0 : index
    %get3A_6 = arith.constant 0 : index
    %get3A_7 = vector.load %arg1[%get3A_4, %get3A_5, %get3A_6] : memref<2x5120x128xf32, #tpu.memory_space<vmem>>, vector<1x5120x128xf32>
    %get3A_8 = vector.shape_cast %get3A_7 : vector<1x5120x128xf32> to vector<5120x128xf32>
    %add3A = arith.addf %get3A_3, %get3A_8 : vector<5120x128xf32>
    %get3A_9 = arith.constant 0 : index
    %get3A_10 = arith.constant 0 : index
    %get3A_11 = vector.load %arg2[%get3A_9, %get3A_10] : memref<2x5120xf32, #tpu.memory_space<vmem>>, vector<2x5120xf32>
    %slice3A = vector.extract_strided_slice %get3A_11 {offsets = [1, 0], sizes = [1, 5120], strides = [1, 1]} : vector<2x5120xf32> to vector<1x5120xf32>
    %squeeze3A = vector.shape_cast %slice3A : vector<1x5120xf32> to vector<5120xf32>
    %broadcast_in_dim3A = vector.shape_cast %squeeze3A : vector<5120xf32> to vector<5120x1xf32>
    %mul3A = vector.broadcast %broadcast_in_dim3A : vector<5120x1xf32> to vector<5120x128xf32>
    %mul3A_12 = arith.mulf %add3A, %mul3A : vector<5120x128xf32>
    %get3A_13 = arith.constant 0 : index
    %get3A_14 = arith.constant 0 : index
    %get3A_15 = vector.load %arg3[%get3A_13, %get3A_14] : memref<128x128xf32, #tpu.memory_space<vmem>>, vector<128x128xf32>
    %dot_general3A = arith.constant dense<0.000000e+00> : vector<5120x128xf32>
    %dot_general3A_16 = tpu.matmul %mul3A_12, %get3A_15, %dot_general3A {dimension_numbers = #tpu.dot_dimension_numbers<[1], [0], [0], [1], [0, 0, 1, 1], [], []>, transpose_lhs_hint = false} : vector<5120x128xf32>, vector<128x128xf32>, vector<5120x128xf32> -> vector<5120x128xf32>
    %get3A_17 = arith.constant 0 : index
    %get3A_18 = arith.constant 0 : index
    %get3A_19 = vector.load %arg4[%get3A_17, %get3A_18] : memref<1x128xf32, #tpu.memory_space<vmem>>, vector<1x128xf32>
    %add3A_20 = vector.broadcast %get3A_19 : vector<1x128xf32> to vector<5120x128xf32>
    %add3A_21 = arith.addf %dot_general3A_16, %add3A_20 : vector<5120x128xf32>
    %max3A = arith.constant 0.000000e+00 : f32
    %max3A_22 = vector.broadcast %max3A : f32 to vector<5120x128xf32>
    %max3A_23 = arith.maximumf %add3A_21, %max3A_22 : vector<5120x128xf32>
    %iota3A = tpu.iota {dimensions = array<i32: 0>} : vector<5120x128xi32>
    %mul3A_24 = arith.constant 5120 : i32
    %mul3A_25 = arith.muli %arg0, %mul3A_24 : i32
    %add3A_26 = vector.broadcast %mul3A_25 : i32 to vector<5120x128xi32>
    %add3A_27 = arith.addi %iota3A, %add3A_26 : vector<5120x128xi32>
    %lt3A = arith.constant 10000 : i32
    %lt3A_28 = vector.broadcast %lt3A : i32 to vector<5120x128xi32>
    %lt3A_29 = arith.cmpi slt, %add3A_27, %lt3A_28 : vector<5120x128xi32>
    %jit3A = arith.constant 0.000000e+00 : f32
    %broadcast_in_dim3A_30 = vector.broadcast %jit3A : f32 to vector<5120x128xf32>
    %select_n3A = arith.select %lt3A_29, %max3A_23, %broadcast_in_dim3A_30 : vector<5120x128xi1>, vector<5120x128xf32>
    %eq3A = arith.constant 0 : i32
    %eq3A_31 = arith.cmpi eq, %arg0, %eq3A : i32
    %convert_element_type3A = arith.extui %eq3A_31 : i1 to i32
    %cond3A = arith.constant 0 : i32
    %cond3A_32 = arith.cmpi ne, %convert_element_type3A, %cond3A : i32
    scf.if %cond3A_32 {
      %broadcast_in_dim3A_59 = arith.constant 0.000000e+00 : f32
      %broadcast_in_dim3A_60 = vector.broadcast %broadcast_in_dim3A_59 : f32 to vector<1x128xf32>
      %swap3A_61 = arith.constant 0 : index
      %swap3A_62 = arith.constant 0 : index
      %swap3A_63 = vector.load %arg8[%swap3A_61, %swap3A_62] : memref<1x128xf32, #tpu.memory_space<vmem>>, vector<1x128xf32>
      tpu.vector_store %arg8[%swap3A_61, %swap3A_62], %broadcast_in_dim3A_60 {strides = array<i32>} : memref<1x128xf32, #tpu.memory_space<vmem>>, vector<1x128xf32>,
    } else {
    }
    %get3A_33 = arith.constant 0 : index
    %get3A_34 = arith.constant 0 : index
    %get3A_35 = vector.load %arg8[%get3A_33, %get3A_34] : memref<1x128xf32, #tpu.memory_space<vmem>>, vector<1x128xf32>
    %reduce_sum3A = arith.constant dense<0.000000e+00> : vector<128xf32>
    %reduce_sum3A_36 = vector.multi_reduction <add>, %select_n3A, %reduce_sum3A [0] : vector<5120x128xf32> to vector<128xf32>
    %broadcast_in_dim3A_37 = vector.shape_cast %reduce_sum3A_36 : vector<128xf32> to vector<1x128xf32>
    %add3A_38 = arith.addf %get3A_35, %broadcast_in_dim3A_37 : vector<1x128xf32>
    %swap3A = arith.constant 0 : index
    %swap3A_39 = arith.constant 0 : index
    %swap3A_40 = vector.load %arg8[%swap3A, %swap3A_39] : memref<1x128xf32, #tpu.memory_space<vmem>>, vector<1x128xf32>
    tpu.vector_store %arg8[%swap3A, %swap3A_39], %add3A_38 {strides = array<i32>} : memref<1x128xf32, #tpu.memory_space<vmem>>, vector<1x128xf32>,
    %get3A_41 = arith.constant 0 : index
    %get3A_42 = arith.constant 0 : index
    %get3A_43 = vector.load %arg8[%get3A_41, %get3A_42] : memref<1x128xf32, #tpu.memory_space<vmem>>, vector<1x128xf32>
    %mul3A_44 = arith.constant 9.99999974E-5 : f32
    %mul3A_45 = vector.broadcast %mul3A_44 : f32 to vector<1x128xf32>
    %mul3A_46 = arith.mulf %get3A_43, %mul3A_45 : vector<1x128xf32>
    %get3A_47 = arith.constant 0 : index
    %get3A_48 = arith.constant 0 : index
    %get3A_49 = vector.load %arg5[%get3A_47, %get3A_48] : memref<128x10xf32, #tpu.memory_space<vmem>>, vector<128x10xf32>
    %dot_general3A_50 = arith.constant dense<0.000000e+00> : vector<1x10xf32>
    %dot_general3A_51 = tpu.matmul %mul3A_46, %get3A_49, %dot_general3A_50 {dimension_numbers = #tpu.dot_dimension_numbers<[1], [0], [0], [1], [0, 0, 1, 1], [], []>, transpose_lhs_hint = false} : vector<1x128xf32>, vector<128x10xf32>, vector<1x10xf32> -> vector<1x10xf32>
    %get3A_52 = arith.constant 0 : index
    %get3A_53 = arith.constant 0 : index
    %get3A_54 = vector.load %arg6[%get3A_52, %get3A_53] : memref<1x10xf32, #tpu.memory_space<vmem>>, vector<1x10xf32>
    %add3A_55 = arith.addf %dot_general3A_51, %get3A_54 : vector<1x10xf32>
    %swap3A_56 = arith.constant 0 : index
    %swap3A_57 = arith.constant 0 : index
    %swap3A_58 = vector.load %arg7[%swap3A_56, %swap3A_57] : memref<1x10xf32, #tpu.memory_space<vmem>>, vector<1x10xf32>
    tpu.vector_store %arg7[%swap3A_56, %swap3A_57], %add3A_55 {strides = array<i32>} : memref<1x10xf32, #tpu.memory_space<vmem>>, vector<1x10xf32>,
    return
  }
  func.func @transform_0(%arg0: i32) -> (i32, i32, i32) {
    %c0_i32 = arith.constant 0 : i32
    %c0_i32_0 = arith.constant 0 : i32
    %c0_i32_1 = arith.constant 0 : i32
    return %c0_i32, %arg0, %c0_i32_0 : i32, i32, i32
  }
  func.func @transform_1(%arg0: i32) -> (i32, i32) {
    %c0_i32 = arith.constant 0 : i32
    %c0_i32_0 = arith.constant 0 : i32
    return %c0_i32, %arg0 : i32, i32
  }
  func.func @transform_2(%arg0: i32) -> (i32, i32) {
    %c0_i32 = arith.constant 0 : i32
    %c0_i32_0 = arith.constant 0 : i32
    %c0_i32_1 = arith.constant 0 : i32
    return %c0_i32, %c0_i32_0 : i32, i32
  }
  func.func @transform_3(%arg0: i32) -> (i32, i32) {
    %c0_i32 = arith.constant 0 : i32
    %c0_i32_0 = arith.constant 0 : i32
    %c0_i32_1 = arith.constant 0 : i32
    return %c0_i32, %c0_i32_0 : i32, i32
  }
  func.func @transform_4(%arg0: i32) -> (i32, i32) {
    %c0_i32 = arith.constant 0 : i32
    %c0_i32_0 = arith.constant 0 : i32
    %c0_i32_1 = arith.constant 0 : i32
    return %c0_i32, %c0_i32_0 : i32, i32
  }
  func.func @transform_5(%arg0: i32) -> (i32, i32) {
    %c0_i32 = arith.constant 0 : i32
    %c0_i32_0 = arith.constant 0 : i32
    %c0_i32_1 = arith.constant 0 : i32
    return %c0_i32, %c0_i32_0 : i32, i32
  }
  func.func @transform_6(%arg0: i32) -> (i32, i32) {
    %c0_i32 = arith.constant 0 : i32
    %c0_i32_0 = arith.constant 0 : i32
    %c0_i32_1 = arith.constant 0 : i32
    return %c0_i32, %c0_i32_0 : i32, i32
  }
}

</mosaic_0001>

<sc_bundles>
// kernel: kernel.11.cloned.1.call-start
scs
__scs_entry_jumppad:
0x0: {  	(pc) =	sbr.rel $0x88, $3  }
0x1: {  	(tag) =	ssettag $0x0;
	lr =	simm.s32 $0x1  }
0x2: {  	[smem:$0x3F99] =	sst lr;
	_ =	strace $0xD0000000  }
0x3: {  	_ = 	snop  }
0x4: {  	_ = 	snop  }
0x5: {  	_ = 	snop  }
0x6: {  	_ = 	snop  }
0x7: {  	_ = 	snop  }
__scs_overlays_trampoline_lowered:
0x8: {  	[smem:$0x3FA8] =	sst s0  }
0x9: {  	[smem:$0x3FA9] =	sst s1  }
0xa: {  	[smem:$0x3FAA] =	sst s2  }
0xb: {  	[smem:$0x3FAB] =	sst s3  }
0xc: {  	[smem:$0x3FAC] =	sst s4  }
0xd: {  	[smem:$0x3FAD] =	sst s5  }
0xe: {  	[smem:$0x3FAE] =	sst s6  }
0xf: {  	[smem:$0x3FAF] =	sst s7  }
0x10: {  	[smem:$0x3FB0] =	sst s8  }
0x11: {  	[smem:$0x3FB1] =	sst s9;
	s0 =	simm.s32 @!p0 $0x0  }
0x12: {  	s1 =	sld [smem:$0x3F97];
	s0 =	simm.s32 @p0 $0x1  }
0x13: {  	[smem:$0x3FB2] =	sst s0;
	s0 =	simm.s32 @!p1 $0x0  }
0x14: {  	s2 =	sld [smem:$0x3F96];
	s0 =	simm.s32 @p1 $0x1  }
0x15: {  	[smem:$0x3FB3] =	sst s0;
	s0 =	simm.s32 @!p2 $0x0  }
0x16: {  	s3 =	sld [smem:$0x3FDB];
	s0 =	simm.s32 @p2 $0x1  }
0x17: {  	s4 =	simm.s32 $0x1BF5;
	[smem:$0x3FB5] =	sst s0  }
0x18: {  	s0 =	sld [smem:$0x3F98];
	_ =	swait.ge [sflag:s4], $0x0  }
0x19: {  	s7 =	sld [smem:$0x3F99]  }
0x1a: {  	s8 =	sadd.s32 $0xFFFFE003, lr  }
0x1b: {  	s9 =	sadd.s32 $0xFFFFFEF7, lr;
	s5 =	simm.s32 $0xFFFFFFFF;
	p2 =	slt.u32 s8, $0xFFFFF086  }
0x1c: {  	p1 =	slt.u32 s9, $0xF7A;
	s5 =	simm.s32 @!p2 $0x0  }
0x1d: {  	s5 =	simm.s32 @p1 $0x1;
	p0 =	seq.s32 s7, s2  }
0x1e: {  	s7 =	smul.u32 @!p0 $0xF7A, s2;
	p2 =	seq.s32 @!p0 s5, $0x0  }
0x1f: {  	s9 =	smul.u32 $0xF7A, s1;
	s8 =	simm.s32 @!p0 $0x1BF5;
	p2 =	por !p2, p0  }
0x20: {  	[sflag:s8] =	ssyncset.s32 @!p0 $0xFFFFF086;
	s6 =	sadd.s32 @!p0 s3, s7;
	s7 =	simm.s32 @!p0 $0x108  }
0x21: {  	s3 =	sadd.s32 s3, s9;
	s6 =	sadd.s32 @!p0 $0x88, s6;
	s7 =	simm.s32 @p2 $0x1082  }
0x22: {  	[simem:s7], [sflag:s8] =	dma.local @!p0 [hbm:s6], $0xF7A  }
0x23: {  	s9 =	sor.u32 $0xD0000000, s2;
	s6 =	simm.s32 $0x108;
	_ =	swait.ge @!p0 [sflag:s8], $0x0  }
0x24: {  	s3 =	sadd.s32 $0x88, s3;
	s6 =	simm.s32 @!p1 $0x1082;
	[sflag:s4] =	ssyncset.s32 $0xFFFFF086  }
0x25: {  	[simem:s6], [sflag:s4] =	dma.local [hbm:s3], $0xF7A  }
0x26: {  	[smem:$0x3F99] =	sst s1;
	(tag) =	ssettag s2;
	_ =	strace s9  }
0x27: {  	s1 =	sld [smem:$0x3FA9]  }
0x28: {  	s2 =	sld [smem:$0x3FAA]  }
0x29: {  	s4 =	sld [smem:$0x3FAC]  }
0x2a: {  	p0 =	seq.s32 s5, $0x0;
	s5 =	sld [smem:$0x3FAD]  }
0x2b: {  	s6 =	sld [smem:$0x3FAE]  }
0x2c: {  	s7 =	sld [smem:$0x3FAF]  }
0x2d: {  	s3 =	simm.s32 $0x108;
	s8 =	sld [smem:$0x3FB0]  }
0x2e: {  	s3 =	simm.s32 @!p0 $0x1082;
	s9 =	sld [smem:$0x3FB1]  }
0x2f: {  	lr =	sadd.s32 s0, s3;
	s0 =	sld [smem:$0x3FA8]  }
0x30: {  	s3 =	sld [smem:$0x3FAB]  }
0x31: {  	[smem:$0x3FB4] =	sst s10  }
0x32: {  	s10 =	sld [smem:$0x3FB2];
	_ =	sdelay $0x3  }
0x33: {  	p0 =	seq.s32 s10, $0x1;
	s10 =	sld [smem:$0x3FB4];
	_ =	sdelay $0x3  }
0x34: {  	[smem:$0x3FB4] =	sst s10  }
0x35: {  	s10 =	sld [smem:$0x3FB3];
	_ =	sdelay $0x3  }
0x36: {  	p1 =	seq.s32 s10, $0x1;
	s10 =	sld [smem:$0x3FB4];
	_ =	sdelay $0x3  }
0x37: {  	[smem:$0x3FB4] =	sst s10  }
0x38: {  	s10 =	sld [smem:$0x3FB5]  }
0x39: {  	_ = 	snop;
	(pc) =	sbr.ind lr, $3  }
0x3a: {  	_ = 	snop  }
0x3b: {  	_ = 	snop  }
0x3c: {  	p2 =	seq.s32 s10, $0x1;
	s10 =	sld [smem:$0x3FB4]  }
0x3d: {  	_ =	shalt  }
0x3e: {  	_ =	shalt  }
0x3f: {  	_ =	shalt  }
0x40: {  	_ =	shalt  }
0x41: {  	_ =	shalt  }
0x42: {  	_ =	shalt  }
0x43: {  	_ =	shalt  }
0x44: {  	_ =	shalt  }
0x45: {  	_ =	shalt  }
0x46: {  	_ =	shalt  }
0x47: {  	_ =	shalt  }
0x48: {  	_ =	shalt  }
0x49: {  	_ =	shalt  }
0x4a: {  	_ =	shalt  }
0x4b: {  	_ =	shalt  }
0x4c: {  	_ =	shalt  }
0x4d: {  	_ =	shalt  }
0x4e: {  	_ =	shalt  }
0x4f: {  	_ =	shalt  }
0x50: {  	_ =	shalt  }
0x51: {  	_ =	shalt  }
0x52: {  	_ =	shalt  }
0x53: {  	_ =	shalt  }
0x54: {  	_ =	shalt  }
0x55: {  	_ =	shalt  }
0x56: {  	_ =	shalt  }
0x57: {  	_ =	shalt  }
0x58: {  	_ =	shalt  }
0x59: {  	_ =	shalt  }
0x5a: {  	_ =	shalt  }
0x5b: {  	_ =	shalt  }
0x5c: {  	_ =	shalt  }
0x5d: {  	_ =	shalt  }
0x5e: {  	_ =	shalt  }
0x5f: {  	_ =	shalt  }
0x60: {  	_ =	shalt  }
0x61: {  	_ =	shalt  }
0x62: {  	_ =	shalt  }
0x63: {  	_ =	shalt  }
0x64: {  	_ =	shalt  }
0x65: {  	_ =	shalt  }
0x66: {  	_ =	shalt  }
0x67: {  	_ =	shalt  }
0x68: {  	_ =	shalt  }
0x69: {  	_ =	shalt  }
0x6a: {  	_ =	shalt  }
0x6b: {  	_ =	shalt  }
0x6c: {  	_ =	shalt  }
0x6d: {  	_ =	shalt  }
0x6e: {  	_ =	shalt  }
0x6f: {  	_ =	shalt  }
0x70: {  	_ =	shalt  }
0x71: {  	_ =	shalt  }
0x72: {  	_ =	shalt  }
0x73: {  	_ =	shalt  }
0x74: {  	_ =	shalt  }
0x75: {  	_ =	shalt  }
0x76: {  	_ =	shalt  }
0x77: {  	_ =	shalt  }
0x78: {  	_ =	shalt  }
0x79: {  	_ =	shalt  }
0x7a: {  	_ =	shalt  }
0x7b: {  	_ =	shalt  }
0x7c: {  	_ =	shalt  }
0x7d: {  	_ =	shalt  }
0x7e: {  	_ =	shalt  }
0x7f: {  	_ =	shalt  }
0x80: {  	_ =	shalt  }
0x81: {  	_ =	shalt  }
0x82: {  	_ =	shalt  }
0x83: {  	_ =	shalt  }
0x84: {  	_ =	shalt  }
0x85: {  	_ =	shalt  }
0x86: {  	_ =	shalt  }
0x87: {  	_ =	shalt  }
.Lfunc_end0:
.L_simem_size_0:
called_computation.1_lowered:
.L_overlay_start_0:
0x88: {  	s2 =	sld [smem:$0x3FD9]  }
0x89: {  	s3 =	sld [smem:$0x3FFE];
	_ =	sdelay $0x1  }
0x8a: {  	s1 =	srdreg.scid  }
0x8b: {  	s0 =	sand.u32 $0x1, s1  }
0x8c: {  	s16 =	sshll.u32 s0, $0xA;
	s2 =	sadd.s32 s3, s2  }
0x8d: {  	s2 =	sadd.s32 s2, s16  }
0x8e: {  	[smem:$0x3FC0] =	sst s2  }
0x8f: {  	_ = 	snop  }
0x90: {  	(tm) =	ssettm $0x1  }
0x91: {  	s17 =	sld [smem:$0x3FFB];
	_ =	sdelay $0x3  }
0x92: {  	_ =	strace s17  }
0x93: {  	s2 =	sld [smem:$0x3FFC];
	_ =	sdelay $0x3  }
0x94: {  	_ =	strace s2  }
0x95: {  	s2 =	sld [smem:$0x3FFD];
	_ =	sdelay $0x3  }
0x96: {  	_ =	strace s2  }
0x97: {  	_ =	strace $0x8FFFFFFF  }
0x98: {  	s18 =	sld [smem:$0x3FDB];
	_ =	sdelay $0x1  }
0x99: {  	s19 =	simm.s32 $_scs_section_size  }
0x9a: {  	s4 =	simm.s32 $_size__tile_overlayer_lowered;
	s5 =	simm.s32 $_tile_overlayer_lowered  }
0x9b: {  	s22 =	simm.s32 $0x1BFF;
	s21 =	sshll.u32 s5, $0x1;
	s2 =	sadd.s32 s19, s18  }
0x9c: {  	s6 =	simm.s32 $0x0;
	s20 =	sshll.u32 s4, $0x1;
	s4 =	sadd.s32 s21, s2  }
0x9d: {  	[timem:s6], [sflag:s22] =	dma.local [hbm:s4], s20  }
0x9e: {  	_ =	swait.ge [sflag:s22], s20  }
0x9f: {  	s3 =	ssub.s32 $0x0, s20;
	[sflag:s22] =	ssyncset.done $0x0  }
0xa0: {  	[sflag:s22] =	ssyncadd.s32 s3;
	_ =	sdelay $0x1  }
0xa1: {  	s23 =	simm.s32 $0x1B8B  }
0xa2: {  	_ =	swait.ge [sflag:s23], $0x1  }
0xa3: {  	[sflag:s23] =	ssyncset.done $0x0  }
0xa4: {  	s25 =	simm.s32 $0x1B8E;
	s24 =	sld [smem:$0x3FFE];
	[sflag:s23] =	ssyncadd.s32 $0xFFFFFFFF  }
0xa5: {  	s26 =	simm.s32 $execute0_lowered;
	[smem:$0x3FD2] =	sst s25  }
0xa6: {  	s4 =	sshll.u32 s26, $0x1;
	_ =	strace $0x80000049;
	[dreg:$0x1] =	wrdreg $0xFFFFFFFF  }
0xa7: {  	s28 =	simm.s32 $_size_execute0_lowered;
	s2 =	sadd.s32 s2, s4;
	[dreg:$0x0] =	wrdreg $0x0  }
0xa8: {  	s4 =	sshll.u32 s28, $0x1;
	[dreg:$0x2] =	wrdreg s2  }
0xa9: {  	[dreg:$0x3] =	wrdreg s4  }
0xaa: {  	[dreg:$0x4] =	wrdreg $0xC0  }
0xab: {  	_ =	task [dreg:s6], $0x5FFFF  }
0xac: {  	[dreg:$0x1] =	wrdreg $0xFFFFFFFF  }
0xad: {  	[dreg:$0x0] =	wrdreg $0x60  }
0xae: {  	[dreg:$0x2] =	wrdreg s24  }
0xaf: {  	[dreg:$0x3] =	wrdreg $0xA0000  }
0xb0: {  	[dreg:$0x4] =	wrdreg $0x9  }
0xb1: {  	_ =	task.clear_ibuf [dreg:s6], $0x5FFFF;
	_ =	strace $0x90000049  }
0xb2: {  	s29 =	simm.s32 $0x9;
	_ =	strace $0x8000004B  }
0xb3: {  	_ =	swait.ge [sflag:s29], $0x1  }
0xb4: {  	[sflag:s29] =	ssyncadd.s32 $0xFFFFFFFF  }
0xb5: {  	_ =	strace $0x9000004B  }
0xb6: {  	_ =	sfence  }
0xb7: {  	s30 =	sld [smem:$0x0];
	_ =	sdelay $0x2  }
0xb8: {  	s31 =	sshll.u32 s1, $0xD;
	s1 =	sshrl.u32 s1, $0x2  }
0xb9: {  	s3 =	sand.u32 $0x4000, s31;
	s1 =	sadd.s32 s1, s30  }
0xba: {  	s0 =	sor.u32 s3, s0;
	s1 =	sshll.u32 s1, $0x11  }
0xbb: {  	s0 =	sor.u32 s1, s0  }
0xbc: {  	s0 =	sadd.s32 $0x8F2B, s0  }
0xbd: {  	[sflag:s0] =	ssyncadd.remote.s32 $0x1  }
0xbe: {  	_ =	sfence.sel $0xFFFF  }
0xbf: {  	[dreg:$0x0] =	wrdreg $0xFFFFFFFF;
	(pc) =	sbr.abs _section_cstart, $3  }
0xc0: {  	[dreg:$0x1] =	wrdreg $0xFFFFFFFF  }
0xc1: {  	_ =	task.clear_ibuf [dreg:s6], $0x2FFFF;
	_ =	strace $0x9FFFFFFF  }
0xc2: {  	(tm) =	ssettm $0x7FFFFFFF  }
0xc3: {  	_ =	shalt  }
tec
execute0_lowered:
.L_overlay_start_1:
0x0: {  	(tag) =	ssettag $0x1  }
0x1: {  	s0 =	srdreg.scid;
	s1 =	rddreg [dreg:$0x0]  }
0x2: {  	s8 =	stileid.u32;
	s2 =	rddreg [dreg:$0x1];
	s18 =	simm.s32 $0x5  }
0x3: {  	s19 =	simm.s32 $0x50;
	s20 =	simm.s32 $0x5000;
	s21 =	simm.s32 $0x7800  }
0x4: {  	s22 =	simm.s32 $0x7;
	s23 =	simm.s32 $0x6;
	s28 =	simm.s32 $0x3  }
0x5: {  	s29 =	simm.s32 $0x4F80;
	s30 =	simm.s32 $0x4;
	s0 =	sand.u32 $0x1, s0  }
0x6: {  	s31 =	simm.s32 $0x0;
	s6 =	smul.u32 $0x2800, s8;
	s3 =	sshll.u32 s0, $0x4  }
0x7: {  	s7 =	smul.u32 $0x28000, s0;
	s0 =	ssub.s32 $0x2, s0;
	s4 =	sor.u32 s8, s3  }
0x8: {  	s3 =	simm.s32 $0x0;
	s8 =	smul.u32 $0x50000, s8;
	s24 =	sshrl.u32 s0, $0x1  }
0x9: {  	s5 =	smul.u32 $0x2710, s4;
	[smem:$0x7FF] =	sst s3;
	s4 =	sadd.s32 $0x16400, s1  }
0xa: {  	s6 =	sadd.s32 s6, s7;
	s0 =	ssub.s32 s0, s24;
	s24 =	simm.s32 $0x1  }
0xb: {  	_ =	strace $0x8000004A;
	s25 =	sshrl.u32 s8, $0x2;
	s5 =	sshrl.u32 s5, $0x3  }
0xc: {  	s16 =	smax.u32 s0, $0x1;
	s5 =	sadd.s32 s5, s1;
	s1 =	sadd.s32 s6, s1  }
0xd: {  	s6 =	sadd.s32 s25, s2;
	s25 =	simm.s32 $0x4F00;
	s26 =	sadd.s32 $0x2A00, s5  }
0xe: {  	s5 =	sadd.s32 $0xC640, s5;
	s8 =	sadd.s32 $0x2800, s6;
	s9 =	sadd.s32 $0x5000, s6  }
0xf: {  	s10 =	sadd.s32 $0x7800, s6;
	s11 =	sadd.s32 $0xA000, s6;
	s12 =	sadd.s32 $0xC800, s6  }
0x10: {  	s13 =	sadd.s32 $0xF000, s6;
	s14 =	sadd.s32 $0x11800, s6;
	[dreg:$0x3] =	wrdreg s26  }
0x11: {  	v0 =	vimm.f32 $0.0e+00;
	s15 =	sadd.s32 $0x3D600, s1;
	[dreg:$0x4] =	wrdreg s5;
	s26 =	simm.s32 $0x2  }
.LBB2_1:
0x12: {  	s0 =	rddreg [dreg:$0x3]  }
0x13: {  	[tilespmem:s3], [sflag:$0x5] =	stream.linear.gather [hbm4b:s0+s3], $0x2710, $0x38;
	[tilespmem:$0x1E000] =	vst v63  }
0x14: {  	s17 =	rddreg [dreg:$0x4];
	s1 =	simm.s32 $0x2780  }
0x15: {  	[tilespmem:s1], [sflag:$0x6] =	stream.linear.gather [hbm4b:s17+s3], $0x2710, $0x38;
	[tilespmem:$0x1E000] =	vst v63  }
0x16: {  	s0 =	simm.s32 $0x0;
	s1 =	simm.s32 $0x200  }
.LBB2_2:
0x17: {  	p0 =	sne.s32 s1, $0x9E00;
	[tilespmem:s0+$0x7870] =	vst v0  }
0x18: {  	[tilespmem:s0+$0x7800] =	vst v0  }
0x19: {  	[tilespmem:s0+$0x7810] =	vst v0  }
.Ltmp0:
0x1a: {  	[tilespmem:s0+$0x7820] =	vst v0;
	(pc) =	sbr.rel @p0 .LBB2_2-.Ltmp0, $4  }
0x1b: {  	[tilespmem:s0+$0x7830] =	vst v0  }
0x1c: {  	[tilespmem:s0+$0x7840] =	vst v0  }
0x1d: {  	[tilespmem:s0+$0x7850] =	vst v0  }
0x1e: {  	[tilespmem:s0+$0x7860] =	vst v0;
	s0 =	sshra.s32 s1, $0x2;
	s1 =	sadd.s32 $0x200, s1  }
0x1f: {  	[tilespmem:s0+$0x7870] =	vst v0  }
0x20: {  	[tilespmem:s0+$0x7800] =	vst v0  }
0x21: {  	[tilespmem:s0+$0x7810] =	vst v0  }
0x22: {  	[tilespmem:s0+$0x7820] =	vst v0  }
0x23: {  	[tilespmem:s0+$0x7830] =	vst v0  }
0x24: {  	[tilespmem:s0+$0x7840] =	vst v0  }
0x25: {  	[tilespmem:s0+$0x7850] =	vst v0  }
0x26: {  	[tilespmem:s0+$0x7860] =	vst v0  }
0x27: {  	_ =	swait.ge [sflag:s18], $0x2710  }
0x28: {  	[sflag:s18] =	ssyncset.done $0x0  }
0x29: {  	[sflag:s18] =	ssyncadd.s32 $0xFFFFD8F0  }
0x2a: {  	[tilespmem:s20], [sflag:$0x1] =	stream.indirect.gather [hbm4b:s4+s19], $0x80, s3, s19, $0xb8;
	[tilespmem:$0x1E000] =	vst v63  }
0x2b: {  	_ = 	snop  }
0x2c: {  	[spmem:s6] =	stream.linear.scatter [tilespmem:s21], [sflag:$0x7], $0x2800, $0x38;
	[tilespmem:$0x1E000] =	vst v63  }
0x2d: {  	_ =	swait.ge [sflag:s22], $0x2800  }
0x2e: {  	[sflag:s22] =	ssyncset.done $0x0  }
0x2f: {  	[sflag:s22] =	ssyncadd.s32 $0xFFFFD800  }
0x30: {  	[spmem:s8] =	stream.linear.scatter [tilespmem:s21], [sflag:$0x7], $0x2800, $0x38;
	[tilespmem:$0x1E000] =	vst v63  }
0x31: {  	_ =	swait.ge [sflag:s22], $0x2800  }
0x32: {  	[sflag:s22] =	ssyncset.done $0x0  }
0x33: {  	[sflag:s22] =	ssyncadd.s32 $0xFFFFD800  }
0x34: {  	[spmem:s9] =	stream.linear.scatter [tilespmem:s21], [sflag:$0x7], $0x2800, $0x38;
	[tilespmem:$0x1E000] =	vst v63  }
0x35: {  	_ =	swait.ge [sflag:s22], $0x2800  }
0x36: {  	[sflag:s22] =	ssyncset.done $0x0  }
0x37: {  	[sflag:s22] =	ssyncadd.s32 $0xFFFFD800  }
0x38: {  	[spmem:s10] =	stream.linear.scatter [tilespmem:s21], [sflag:$0x7], $0x2800, $0x38;
	[tilespmem:$0x1E000] =	vst v63  }
0x39: {  	_ =	swait.ge [sflag:s22], $0x2800  }
0x3a: {  	[sflag:s22] =	ssyncset.done $0x0  }
0x3b: {  	[sflag:s22] =	ssyncadd.s32 $0xFFFFD800  }
0x3c: {  	[spmem:s11] =	stream.linear.scatter [tilespmem:s21], [sflag:$0x7], $0x2800, $0x38;
	[tilespmem:$0x1E000] =	vst v63  }
0x3d: {  	_ =	swait.ge [sflag:s22], $0x2800  }
0x3e: {  	[sflag:s22] =	ssyncset.done $0x0  }
0x3f: {  	[sflag:s22] =	ssyncadd.s32 $0xFFFFD800  }
0x40: {  	[spmem:s12] =	stream.linear.scatter [tilespmem:s21], [sflag:$0x7], $0x2800, $0x38;
	[tilespmem:$0x1E000] =	vst v63  }
0x41: {  	_ =	swait.ge [sflag:s22], $0x2800  }
0x42: {  	[sflag:s22] =	ssyncset.done $0x0  }
0x43: {  	[sflag:s22] =	ssyncadd.s32 $0xFFFFD800  }
0x44: {  	[spmem:s13] =	stream.linear.scatter [tilespmem:s21], [sflag:$0x7], $0x2800, $0x38;
	[tilespmem:$0x1E000] =	vst v63  }
0x45: {  	_ =	swait.ge [sflag:s22], $0x2800  }
0x46: {  	[sflag:s22] =	ssyncset.done $0x0  }
0x47: {  	[sflag:s22] =	ssyncadd.s32 $0xFFFFD800  }
0x48: {  	[spmem:s14] =	stream.linear.scatter [tilespmem:s21], [sflag:$0x7], $0x2800, $0x38;
	[tilespmem:$0x1E000] =	vst v63  }
0x49: {  	_ =	swait.ge [sflag:s22], $0x2800  }
0x4a: {  	[sflag:s22] =	ssyncset.done $0x0  }
0x4b: {  	[sflag:s22] =	ssyncadd.s32 $0xFFFFD800  }
0x4c: {  	_ =	swait.ge [sflag:s23], $0x2710  }
0x4d: {  	[sflag:s23] =	ssyncset.done $0x0  }
0x4e: {  	[sflag:s23] =	ssyncadd.s32 $0xFFFFD8F0  }
0x4f: {  	[bflag:$0x0] =	sbarrier.arrive $0xFFFF  }
0x50: {  	_ =	swait.ge [sflag:s24], $0x2800  }
0x51: {  	[sflag:s24] =	ssyncset.done $0x0  }
0x52: {  	[sflag:s24] =	ssyncadd.s32 $0xFFFFD800  }
0x53: {  	[tilespmem:s21], [sflag:$0x2] =	stream.indirect.gather [hbm4b:s4+s19], $0x80, s19, s19, $0xb8;
	[tilespmem:$0x1E000] =	vst v63  }
0x54: {  	v1 =	vld [tilespmem:$0x2780]  }
0x55: {  	v2 =	vld [tilespmem:$0x2790]  }
0x56: {  	v3 =	vld [tilespmem:$0x27A0]  }
0x57: {  	v4 =	vld [tilespmem:$0x27B0]  }
0x58: {  	v5 =	vld [tilespmem:$0x27C0]  }
0x59: {  	[tilespmem:$0x4F00] =	vst v1  }
0x5a: {  	[tilespmem:$0x4F10] =	vst v2  }
0x5b: {  	[tilespmem:$0x4F20] =	vst v3  }
0x5c: {  	[tilespmem:$0x4F30] =	vst v4  }
0x5d: {  	[tilespmem:$0x4F40] =	vst v5  }
0x5e: {  	[spmem:s2] =	stream.indirect.scatter.add.f32 [tilespmem:s20], [sflag:$0x3], $0x80, s25, s19, $0xb8;
	[tilespmem:$0x1E000] =	vst v63  }
0x5f: {  	_ =	swait.ge [sflag:s26], $0x2800  }
0x60: {  	[sflag:s26] =	ssyncset.done $0x0  }
0x61: {  	[sflag:s26] =	ssyncadd.s32 $0xFFFFD800  }
0x62: {  	_ =	swait.ge [sflag:s28], $0x2800  }
0x63: {  	[sflag:s28] =	ssyncset.done $0x0  }
0x64: {  	s7 =	simm.s32 $0xA0;
	[sflag:s28] =	ssyncadd.s32 $0xFFFFD800  }
0x65: {  	[tilespmem:s20], [sflag:$0x1] =	stream.indirect.gather [hbm4b:s4+s19], $0x80, s7, s19, $0xb8;
	[tilespmem:$0x1E000] =	vst v63  }
0x66: {  	v1 =	vld [tilespmem:$0x27D0]  }
0x67: {  	v2 =	vld [tilespmem:$0x27E0]  }
0x68: {  	v3 =	vld [tilespmem:$0x27F0]  }
0x69: {  	v62 =	vld [tilespmem:$0x2800]  }
0x6a: {  	v63 =	vld [tilespmem:$0x2810]  }
0x6b: {  	[tilespmem:$0x4F80] =	vst v1  }
0x6c: {  	[tilespmem:$0x4F90] =	vst v2  }
0x6d: {  	[tilespmem:$0x4FA0] =	vst v3  }
0x6e: {  	[tilespmem:$0x4FB0] =	vst v62  }
0x6f: {  	[tilespmem:$0x4FC0] =	vst v63  }
0x70: {  	[spmem:s2] =	stream.indirect.scatter.add.f32 [tilespmem:s21], [sflag:$0x4], $0x80, s29, s19, $0xb8;
	[tilespmem:$0x1E000] =	vst v63  }
0x71: {  	_ =	swait.ge [sflag:s24], $0x2800  }
0x72: {  	[sflag:s24] =	ssyncset.done $0x0  }
0x73: {  	[sflag:s24] =	ssyncadd.s32 $0xFFFFD800  }
0x74: {  	_ =	swait.ge [sflag:s30], $0x2800  }
0x75: {  	[sflag:s30] =	ssyncset.done $0x0  }
0x76: {  	s1 =	simm.s32 $0x2820;
	s5 =	simm.s32 $0xF0;
	[sflag:s30] =	ssyncadd.s32 $0xFFFFD800  }
0x77: {  	[tilespmem:s21], [sflag:$0x2] =	stream.indirect.gather [hbm4b:s4+s19], $0x80, s5, s19, $0xb8;
	[tilespmem:$0x1E000] =	vst v63  }
0x78: {  	v1 =	vld [tilespmem:s1+$0x0];
	_ =	sdelay $0x4  }
0x79: {  	[tilespmem:$0x4F00] =	vst v1  }
0x7a: {  	v1 =	vld [tilespmem:s1+$0x10];
	_ =	sdelay $0x4  }
0x7b: {  	[tilespmem:$0x4F10] =	vst v1  }
0x7c: {  	v1 =	vld [tilespmem:s1+$0x20];
	_ =	sdelay $0x4  }
0x7d: {  	[tilespmem:$0x4F20] =	vst v1  }
0x7e: {  	v1 =	vld [tilespmem:s1+$0x30];
	_ =	sdelay $0x4  }
0x7f: {  	[tilespmem:$0x4F30] =	vst v1  }
0x80: {  	v1 =	vld [tilespmem:s1+$0x40];
	_ =	sdelay $0x4  }
0x81: {  	[tilespmem:$0x4F40] =	vst v1  }
0x82: {  	[spmem:s2] =	stream.indirect.scatter.add.f32 [tilespmem:s20], [sflag:$0x3], $0x80, s25, s19, $0xb8;
	[tilespmem:$0x1E000] =	vst v63  }
0x83: {  	_ =	swait.ge [sflag:s26], $0x2800  }
0x84: {  	[sflag:s26] =	ssyncset.done $0x0  }
0x85: {  	[sflag:s26] =	ssyncadd.s32 $0xFFFFD800  }
0x86: {  	_ =	swait.ge [sflag:s28], $0x2800  }
0x87: {  	[sflag:s28] =	ssyncset.done $0x0  }
0x88: {  	s17 =	simm.s32 $0x140;
	[sflag:s28] =	ssyncadd.s32 $0xFFFFD800  }
0x89: {  	[tilespmem:s20], [sflag:$0x1] =	stream.indirect.gather [hbm4b:s4+s19], $0x80, s17, s19, $0xb8;
	[tilespmem:$0x1E000] =	vst v63  }
0x8a: {  	v1 =	vld [tilespmem:s1+$0x50];
	_ =	sdelay $0x4  }
0x8b: {  	[tilespmem:$0x4F80] =	vst v1  }
0x8c: {  	v1 =	vld [tilespmem:s1+$0x60];
	_ =	sdelay $0x4  }
0x8d: {  	[tilespmem:$0x4F90] =	vst v1  }
0x8e: {  	v1 =	vld [tilespmem:s1+$0x70];
	_ =	sdelay $0x4  }
0x8f: {  	s0 =	sand.u32 $0x3FE0, s7;
	[tilespmem:$0x4FA0] =	vst v1  }
0x90: {  	v1 =	vld [tilespmem:s0+$0x2800];
	_ =	sdelay $0x4  }
0x91: {  	[tilespmem:$0x4FB0] =	vst v1  }
0x92: {  	v1 =	vld [tilespmem:s1+$0x90];
	_ =	sdelay $0x4  }
0x93: {  	s17 =	simm.s32 $0x1E0;
	s0 =	simm.s32 $0x28C0;
	s1 =	simm.s32 $0x140;
	[tilespmem:$0x4FC0] =	vst v1  }
.LBB2_4:
0x94: {  	[spmem:s2] =	stream.indirect.scatter.add.f32 [tilespmem:s21], [sflag:$0x4], $0x80, s29, s19, $0xb8;
	[tilespmem:$0x1E000] =	vst v63  }
0x95: {  	s5 =	smov.u32 s1  }
0x96: {  	p0 =	sne.s32 s1, $0x2620;
	s1 =	sadd.s32 $0xA0, s1;
	_ =	swait.ge [sflag:s24], $0x2800  }
0x97: {  	[sflag:s24] =	ssyncset.done $0x0  }
0x98: {  	[sflag:s24] =	ssyncadd.s32 $0xFFFFD800  }
0x99: {  	_ =	swait.ge [sflag:s30], $0x2800  }
0x9a: {  	[sflag:s30] =	ssyncset.done $0x0  }
0x9b: {  	s7 =	sadd.s32 $0xFFFFFFB0, s17;
	[sflag:s30] =	ssyncadd.s32 $0xFFFFD800  }
0x9c: {  	[tilespmem:s21], [sflag:$0x2] =	stream.indirect.gather [hbm4b:s4+s19], $0x80, s7, s19, $0xb8;
	[tilespmem:$0x1E000] =	vst v63  }
0x9d: {  	v1 =	vld [tilespmem:s0+$0x0];
	_ =	sdelay $0x4  }
0x9e: {  	[tilespmem:$0x4F00] =	vst v1  }
0x9f: {  	v1 =	vld [tilespmem:s0+$0x10];
	_ =	sdelay $0x4  }
0xa0: {  	[tilespmem:$0x4F10] =	vst v1  }
0xa1: {  	v1 =	vld [tilespmem:s0+$0x20];
	_ =	sdelay $0x4  }
0xa2: {  	[tilespmem:$0x4F20] =	vst v1  }
0xa3: {  	v1 =	vld [tilespmem:s0+$0x30];
	_ =	sdelay $0x4  }
0xa4: {  	[tilespmem:$0x4F30] =	vst v1  }
0xa5: {  	v1 =	vld [tilespmem:s0+$0x40];
	_ =	sdelay $0x4  }
0xa6: {  	[tilespmem:$0x4F40] =	vst v1  }
0xa7: {  	[spmem:s2] =	stream.indirect.scatter.add.f32 [tilespmem:s20], [sflag:$0x3], $0x80, s25, s19, $0xb8;
	[tilespmem:$0x1E000] =	vst v63  }
0xa8: {  	_ =	swait.ge [sflag:s26], $0x2800  }
0xa9: {  	[sflag:s26] =	ssyncset.done $0x0  }
0xaa: {  	[sflag:s26] =	ssyncadd.s32 $0xFFFFD800  }
0xab: {  	_ =	swait.ge [sflag:s28], $0x2800  }
0xac: {  	[sflag:s28] =	ssyncset.done $0x0  }
0xad: {  	[sflag:s28] =	ssyncadd.s32 $0xFFFFD800  }
0xae: {  	[tilespmem:s20], [sflag:$0x1] =	stream.indirect.gather [hbm4b:s4+s19], $0x80, s17, s19, $0xb8;
	[tilespmem:$0x1E000] =	vst v63  }
0xaf: {  	v1 =	vld [tilespmem:s0+$0x50];
	_ =	sdelay $0x4  }
0xb0: {  	[tilespmem:$0x4F80] =	vst v1  }
0xb1: {  	v1 =	vld [tilespmem:s0+$0x60];
	_ =	sdelay $0x4  }
0xb2: {  	[tilespmem:$0x4F90] =	vst v1  }
0xb3: {  	v1 =	vld [tilespmem:s0+$0x70];
	_ =	sdelay $0x4  }
0xb4: {  	s5 =	sand.u32 $0x3FE0, s5;
	[tilespmem:$0x4FA0] =	vst v1  }
0xb5: {  	v1 =	vld [tilespmem:s5+$0x2800];
	_ =	sdelay $0x4  }
0xb6: {  	[tilespmem:$0x4FB0] =	vst v1  }
0xb7: {  	v1 =	vld [tilespmem:s0+$0x90]  }
.Ltmp1:
0xb8: {  	(pc) =	sbr.rel @p0 .LBB2_4-.Ltmp1, $2  }
0xb9: {  	_ =	sdelay $0x2  }
0xba: {  	s17 =	sadd.s32 $0xA0, s17;
	s0 =	sadd.s32 $0xA0, s0;
	[tilespmem:$0x4FC0] =	vst v1  }
0xbb: {  	[spmem:s2] =	stream.indirect.scatter.add.f32 [tilespmem:s21], [sflag:$0x4], $0x80, s29, s19, $0xb8;
	[tilespmem:$0x1E000] =	vst v63  }
0xbc: {  	_ =	swait.ge [sflag:s30], $0x2800  }
0xbd: {  	[sflag:s30] =	ssyncset.done $0x0  }
0xbe: {  	[sflag:s30] =	ssyncadd.s32 $0xFFFFD800  }
0xbf: {  	_ =	swait.ge [sflag:s24], $0x2800  }
0xc0: {  	[sflag:s24] =	ssyncset.done $0x0  }
0xc1: {  	[sflag:s24] =	ssyncadd.s32 $0xFFFFD800  }
0xc2: {  	v1 =	vld [tilespmem:$0x4E40]  }
0xc3: {  	v2 =	vld [tilespmem:$0x4E50]  }
0xc4: {  	v3 =	vld [tilespmem:$0x4E60]  }
0xc5: {  	v4 =	vld [tilespmem:$0x4E70]  }
0xc6: {  	v5 =	vld [tilespmem:$0x4E80]  }
0xc7: {  	[tilespmem:$0x4F00] =	vst v1  }
0xc8: {  	[tilespmem:$0x4F10] =	vst v2  }
0xc9: {  	[tilespmem:$0x4F20] =	vst v3  }
0xca: {  	[tilespmem:$0x4F30] =	vst v4  }
0xcb: {  	[tilespmem:$0x4F40] =	vst v5  }
0xcc: {  	[spmem:s2] =	stream.indirect.scatter.add.f32 [tilespmem:s20], [sflag:$0x3], $0x80, s25, s19, $0xb8;
	[tilespmem:$0x1E000] =	vst v63  }
0xcd: {  	s0 =	stileid.u32;
	_ =	swait.ge [sflag:s28], $0x2800  }
0xce: {  	s1 =	sshrl.u32 s6, $0x3;
	s31 =	sadd.s32 $0x1, s31;
	[sflag:s28] =	ssyncset.done $0x0  }
0xcf: {  	s0 =	sshll.u32 s0, $0x6;
	p0 =	sne.s32 s31, s16;
	[sflag:s28] =	ssyncadd.s32 $0xFFFFD800  }
.Ltmp2:
0xd0: {  	s0 =	sor.u32 $0x1C07, s0;
	[bflag:$0x0] =	sbarrier.arrive $0xFFFF;
	(pc) =	sbr.rel @p0 .LBB2_1-.Ltmp2, $4  }
0xd1: {  	[hbm:s15], [sflag:s0] =	dma.local [spmem:s1], $0x2800  }
0xd2: {  	_ =	swait.ge [sflag:s22], $0x2800  }
0xd3: {  	[sflag:s22] =	ssyncset.done $0x0  }
0xd4: {  	[sflag:s22] =	ssyncadd.s32 $0xFFFFD800  }
0xd5: {  	_ =	sfence.sel $0x180000  }
0xd6: {  	[bflag:$0x0] =	sbarrier.arrive $0xFFFF  }
0xd7: {  	_ =	strace $0x9000004A  }
0xd8: {  	s0 =	stileid.u32;
	[bflag:$0x2] =	sbarrier.arrive $0xFFFF  }
0xd9: {  	p0 =	sne.s32 s0, $0x0;
	s0 =	rddreg [dreg:$0x2]  }
0xda: {  	s0 =	sadd.s32 @!p0 $0x100000, s0  }
0xdb: {  	[sflag:s0] =	ssyncadd.tile.s32 @!p0 $0x1;
	_ =	shalt  }
.Lfunc_end2:
_tile_overlayer_lowered:
.L_overlay_start_2:
0xdc: {  	(tag) =	ssettag $0x2  }
0xdd: {  	s0 =	rddreg [dreg:$0x0];
	s2 =	stileid.u32  }
0xde: {  	s1 =	rddreg [dreg:$0x1];
	p0 =	sne.s32 s2, $0x0  }
0xdf: {  	s3 =	rddreg [dreg:$0x2];
	[bflag:$0x3] =	sbarrier.arrive $0xFFFF;
	s2 =	simm.s32 @!p0 $0x1C07  }
0xe0: {  	[timem:s3], [sflag:s2] =	dma.local @!p0 [hbm:s0], s1  }
0xe1: {  	s0 =	simm.s32 @!p0 $0x7  }
0xe2: {  	_ =	swait.ge @!p0 [sflag:s0], s1  }
0xe3: {  	s1 =	ssub.s32 @!p0 $0x0, s1;
	[sflag:s0] =	ssyncset.done @!p0 $0x0  }
0xe4: {  	[sflag:s0] =	ssyncadd.s32 @!p0 s1  }
0xe5: {  	[bflag:$0x3] =	sbarrier.arrive $0xFFFF  }
0xe6: {  	_ =	shalt  }

// kernel: kernel.14.cloned.1.call-start
scs
__scs_entry_jumppad:
0x0: {  	(pc) =	sbr.rel $0x88, $3  }
0x1: {  	(tag) =	ssettag $0x0;
	lr =	simm.s32 $0x1  }
0x2: {  	[smem:$0x3F99] =	sst lr;
	_ =	strace $0xD0000000  }
0x3: {  	_ = 	snop  }
0x4: {  	_ = 	snop  }
0x5: {  	_ = 	snop  }
0x6: {  	_ = 	snop  }
0x7: {  	_ = 	snop  }
__scs_overlays_trampoline_lowered:
0x8: {  	[smem:$0x3FA8] =	sst s0  }
0x9: {  	[smem:$0x3FA9] =	sst s1  }
0xa: {  	[smem:$0x3FAA] =	sst s2  }
0xb: {  	[smem:$0x3FAB] =	sst s3  }
0xc: {  	[smem:$0x3FAC] =	sst s4  }
0xd: {  	[smem:$0x3FAD] =	sst s5  }
0xe: {  	[smem:$0x3FAE] =	sst s6  }
0xf: {  	[smem:$0x3FAF] =	sst s7  }
0x10: {  	[smem:$0x3FB0] =	sst s8  }
0x11: {  	[smem:$0x3FB1] =	sst s9;
	s0 =	simm.s32 @!p0 $0x0  }
0x12: {  	s1 =	sld [smem:$0x3F97];
	s0 =	simm.s32 @p0 $0x1  }
0x13: {  	[smem:$0x3FB2] =	sst s0;
	s0 =	simm.s32 @!p1 $0x0  }
0x14: {  	s2 =	sld [smem:$0x3F96];
	s0 =	simm.s32 @p1 $0x1  }
0x15: {  	[smem:$0x3FB3] =	sst s0;
	s0 =	simm.s32 @!p2 $0x0  }
0x16: {  	s3 =	sld [smem:$0x3FDB];
	s0 =	simm.s32 @p2 $0x1  }
0x17: {  	s4 =	simm.s32 $0x1BF5;
	[smem:$0x3FB5] =	sst s0  }
0x18: {  	s0 =	sld [smem:$0x3F98];
	_ =	swait.ge [sflag:s4], $0x0  }
0x19: {  	s7 =	sld [smem:$0x3F99]  }
0x1a: {  	s8 =	sadd.s32 $0xFFFFE003, lr  }
0x1b: {  	s9 =	sadd.s32 $0xFFFFFEF7, lr;
	s5 =	simm.s32 $0xFFFFFFFF;
	p2 =	slt.u32 s8, $0xFFFFF086  }
0x1c: {  	p1 =	slt.u32 s9, $0xF7A;
	s5 =	simm.s32 @!p2 $0x0  }
0x1d: {  	s5 =	simm.s32 @p1 $0x1;
	p0 =	seq.s32 s7, s2  }
0x1e: {  	s7 =	smul.u32 @!p0 $0xF7A, s2;
	p2 =	seq.s32 @!p0 s5, $0x0  }
0x1f: {  	s9 =	smul.u32 $0xF7A, s1;
	s8 =	simm.s32 @!p0 $0x1BF5;
	p2 =	por !p2, p0  }
0x20: {  	[sflag:s8] =	ssyncset.s32 @!p0 $0xFFFFF086;
	s6 =	sadd.s32 @!p0 s3, s7;
	s7 =	simm.s32 @!p0 $0x108  }
0x21: {  	s3 =	sadd.s32 s3, s9;
	s6 =	sadd.s32 @!p0 $0x88, s6;
	s7 =	simm.s32 @p2 $0x1082  }
0x22: {  	[simem:s7], [sflag:s8] =	dma.local @!p0 [hbm:s6], $0xF7A  }
0x23: {  	s9 =	sor.u32 $0xD0000000, s2;
	s6 =	simm.s32 $0x108;
	_ =	swait.ge @!p0 [sflag:s8], $0x0  }
0x24: {  	s3 =	sadd.s32 $0x88, s3;
	s6 =	simm.s32 @!p1 $0x1082;
	[sflag:s4] =	ssyncset.s32 $0xFFFFF086  }
0x25: {  	[simem:s6], [sflag:s4] =	dma.local [hbm:s3], $0xF7A  }
0x26: {  	[smem:$0x3F99] =	sst s1;
	(tag) =	ssettag s2;
	_ =	strace s9  }
0x27: {  	s1 =	sld [smem:$0x3FA9]  }
0x28: {  	s2 =	sld [smem:$0x3FAA]  }
0x29: {  	s4 =	sld [smem:$0x3FAC]  }
0x2a: {  	p0 =	seq.s32 s5, $0x0;
	s5 =	sld [smem:$0x3FAD]  }
0x2b: {  	s6 =	sld [smem:$0x3FAE]  }
0x2c: {  	s7 =	sld [smem:$0x3FAF]  }
0x2d: {  	s3 =	simm.s32 $0x108;
	s8 =	sld [smem:$0x3FB0]  }
0x2e: {  	s3 =	simm.s32 @!p0 $0x1082;
	s9 =	sld [smem:$0x3FB1]  }
0x2f: {  	lr =	sadd.s32 s0, s3;
	s0 =	sld [smem:$0x3FA8]  }
0x30: {  	s3 =	sld [smem:$0x3FAB]  }
0x31: {  	[smem:$0x3FB4] =	sst s10  }
0x32: {  	s10 =	sld [smem:$0x3FB2];
	_ =	sdelay $0x3  }
0x33: {  	p0 =	seq.s32 s10, $0x1;
	s10 =	sld [smem:$0x3FB4];
	_ =	sdelay $0x3  }
0x34: {  	[smem:$0x3FB4] =	sst s10  }
0x35: {  	s10 =	sld [smem:$0x3FB3];
	_ =	sdelay $0x3  }
0x36: {  	p1 =	seq.s32 s10, $0x1;
	s10 =	sld [smem:$0x3FB4];
	_ =	sdelay $0x3  }
0x37: {  	[smem:$0x3FB4] =	sst s10  }
0x38: {  	s10 =	sld [smem:$0x3FB5]  }
0x39: {  	_ = 	snop;
	(pc) =	sbr.ind lr, $3  }
0x3a: {  	_ = 	snop  }
0x3b: {  	_ = 	snop  }
0x3c: {  	p2 =	seq.s32 s10, $0x1;
	s10 =	sld [smem:$0x3FB4]  }
0x3d: {  	_ =	shalt  }
0x3e: {  	_ =	shalt  }
0x3f: {  	_ =	shalt  }
0x40: {  	_ =	shalt  }
0x41: {  	_ =	shalt  }
0x42: {  	_ =	shalt  }
0x43: {  	_ =	shalt  }
0x44: {  	_ =	shalt  }
0x45: {  	_ =	shalt  }
0x46: {  	_ =	shalt  }
0x47: {  	_ =	shalt  }
0x48: {  	_ =	shalt  }
0x49: {  	_ =	shalt  }
0x4a: {  	_ =	shalt  }
0x4b: {  	_ =	shalt  }
0x4c: {  	_ =	shalt  }
0x4d: {  	_ =	shalt  }
0x4e: {  	_ =	shalt  }
0x4f: {  	_ =	shalt  }
0x50: {  	_ =	shalt  }
0x51: {  	_ =	shalt  }
0x52: {  	_ =	shalt  }
0x53: {  	_ =	shalt  }
0x54: {  	_ =	shalt  }
0x55: {  	_ =	shalt  }
0x56: {  	_ =	shalt  }
0x57: {  	_ =	shalt  }
0x58: {  	_ =	shalt  }
0x59: {  	_ =	shalt  }
0x5a: {  	_ =	shalt  }
0x5b: {  	_ =	shalt  }
0x5c: {  	_ =	shalt  }
0x5d: {  	_ =	shalt  }
0x5e: {  	_ =	shalt  }
0x5f: {  	_ =	shalt  }
0x60: {  	_ =	shalt  }
0x61: {  	_ =	shalt  }
0x62: {  	_ =	shalt  }
0x63: {  	_ =	shalt  }
0x64: {  	_ =	shalt  }
0x65: {  	_ =	shalt  }
0x66: {  	_ =	shalt  }
0x67: {  	_ =	shalt  }
0x68: {  	_ =	shalt  }
0x69: {  	_ =	shalt  }
0x6a: {  	_ =	shalt  }
0x6b: {  	_ =	shalt  }
0x6c: {  	_ =	shalt  }
0x6d: {  	_ =	shalt  }
0x6e: {  	_ =	shalt  }
0x6f: {  	_ =	shalt  }
0x70: {  	_ =	shalt  }
0x71: {  	_ =	shalt  }
0x72: {  	_ =	shalt  }
0x73: {  	_ =	shalt  }
0x74: {  	_ =	shalt  }
0x75: {  	_ =	shalt  }
0x76: {  	_ =	shalt  }
0x77: {  	_ =	shalt  }
0x78: {  	_ =	shalt  }
0x79: {  	_ =	shalt  }
0x7a: {  	_ =	shalt  }
0x7b: {  	_ =	shalt  }
0x7c: {  	_ =	shalt  }
0x7d: {  	_ =	shalt  }
0x7e: {  	_ =	shalt  }
0x7f: {  	_ =	shalt  }
0x80: {  	_ =	shalt  }
0x81: {  	_ =	shalt  }
0x82: {  	_ =	shalt  }
0x83: {  	_ =	shalt  }
0x84: {  	_ =	shalt  }
0x85: {  	_ =	shalt  }
0x86: {  	_ =	shalt  }
0x87: {  	_ =	shalt  }
.Lfunc_end0:
.L_simem_size_0:
called_computation.2_lowered:
.L_overlay_start_0:
0x88: {  	s2 =	sld [smem:$0x3FD9]  }
0x89: {  	s3 =	sld [smem:$0x3FFE];
	_ =	sdelay $0x1  }
0x8a: {  	s1 =	srdreg.scid  }
0x8b: {  	s0 =	sand.u32 $0x1, s1  }
0x8c: {  	s16 =	sshll.u32 s0, $0xA;
	s2 =	sadd.s32 s3, s2  }
0x8d: {  	s2 =	sadd.s32 s2, s16  }
0x8e: {  	[smem:$0x3FC0] =	sst s2  }
0x8f: {  	_ = 	snop  }
0x90: {  	(tm) =	ssettm $0x1  }
0x91: {  	s17 =	sld [smem:$0x3FFB];
	_ =	sdelay $0x3  }
0x92: {  	_ =	strace s17  }
0x93: {  	s2 =	sld [smem:$0x3FFC];
	_ =	sdelay $0x3  }
0x94: {  	_ =	strace s2  }
0x95: {  	s2 =	sld [smem:$0x3FFD];
	_ =	sdelay $0x3  }
0x96: {  	_ =	strace s2  }
0x97: {  	_ =	strace $0x8FFFFFFF  }
0x98: {  	s18 =	sld [smem:$0x3FDB];
	_ =	sdelay $0x1  }
0x99: {  	s19 =	simm.s32 $_scs_section_size  }
0x9a: {  	s4 =	simm.s32 $_size__tile_overlayer_lowered;
	s5 =	simm.s32 $_tile_overlayer_lowered  }
0x9b: {  	s22 =	simm.s32 $0x1BFF;
	s21 =	sshll.u32 s5, $0x1;
	s2 =	sadd.s32 s19, s18  }
0x9c: {  	s6 =	simm.s32 $0x0;
	s20 =	sshll.u32 s4, $0x1;
	s4 =	sadd.s32 s21, s2  }
0x9d: {  	[timem:s6], [sflag:s22] =	dma.local [hbm:s4], s20  }
0x9e: {  	_ =	swait.ge [sflag:s22], s20  }
0x9f: {  	s3 =	ssub.s32 $0x0, s20;
	[sflag:s22] =	ssyncset.done $0x0  }
0xa0: {  	[sflag:s22] =	ssyncadd.s32 s3;
	_ =	sdelay $0x1  }
0xa1: {  	s23 =	simm.s32 $0x1B8B  }
0xa2: {  	_ =	swait.ge [sflag:s23], $0x1  }
0xa3: {  	[sflag:s23] =	ssyncset.done $0x0  }
0xa4: {  	s25 =	simm.s32 $0x1B8E;
	s24 =	sld [smem:$0x3FFE];
	[sflag:s23] =	ssyncadd.s32 $0xFFFFFFFF  }
0xa5: {  	s26 =	simm.s32 $execute0_lowered;
	[smem:$0x3FD2] =	sst s25  }
0xa6: {  	s4 =	sshll.u32 s26, $0x1;
	_ =	strace $0x8000004C;
	[dreg:$0x1] =	wrdreg $0xFFFFFFFF  }
0xa7: {  	s28 =	simm.s32 $_size_execute0_lowered;
	s2 =	sadd.s32 s2, s4;
	[dreg:$0x0] =	wrdreg $0x0  }
0xa8: {  	s4 =	sshll.u32 s28, $0x1;
	[dreg:$0x2] =	wrdreg s2  }
0xa9: {  	[dreg:$0x3] =	wrdreg s4  }
0xaa: {  	[dreg:$0x4] =	wrdreg $0xC0  }
0xab: {  	_ =	task [dreg:s6], $0x5FFFF  }
0xac: {  	[dreg:$0x1] =	wrdreg $0xFFFFFFFF  }
0xad: {  	[dreg:$0x0] =	wrdreg $0x60  }
0xae: {  	[dreg:$0x2] =	wrdreg s24  }
0xaf: {  	[dreg:$0x3] =	wrdreg $0xA0000  }
0xb0: {  	[dreg:$0x4] =	wrdreg $0x9  }
0xb1: {  	_ =	task.clear_ibuf [dreg:s6], $0x5FFFF;
	_ =	strace $0x9000004C  }
0xb2: {  	s29 =	simm.s32 $0x9;
	_ =	strace $0x8000004E  }
0xb3: {  	_ =	swait.ge [sflag:s29], $0x1  }
0xb4: {  	[sflag:s29] =	ssyncadd.s32 $0xFFFFFFFF  }
0xb5: {  	_ =	strace $0x9000004E  }
0xb6: {  	_ =	sfence  }
0xb7: {  	s30 =	sld [smem:$0x0];
	_ =	sdelay $0x2  }
0xb8: {  	s31 =	sshll.u32 s1, $0xD;
	s1 =	sshrl.u32 s1, $0x2  }
0xb9: {  	s3 =	sand.u32 $0x4000, s31;
	s1 =	sadd.s32 s1, s30  }
0xba: {  	s0 =	sor.u32 s3, s0;
	s1 =	sshll.u32 s1, $0x11  }
0xbb: {  	s0 =	sor.u32 s1, s0  }
0xbc: {  	s0 =	sadd.s32 $0x8F2B, s0  }
0xbd: {  	[sflag:s0] =	ssyncadd.remote.s32 $0x1  }
0xbe: {  	_ =	sfence.sel $0xFFFF  }
0xbf: {  	[dreg:$0x0] =	wrdreg $0xFFFFFFFF;
	(pc) =	sbr.abs _section_cstart, $3  }
0xc0: {  	[dreg:$0x1] =	wrdreg $0xFFFFFFFF  }
0xc1: {  	_ =	task.clear_ibuf [dreg:s6], $0x2FFFF;
	_ =	strace $0x9FFFFFFF  }
0xc2: {  	(tm) =	ssettm $0x7FFFFFFF  }
0xc3: {  	_ =	shalt  }
tec
execute0_lowered:
.L_overlay_start_1:
0x0: {  	(tag) =	ssettag $0x1  }
0x1: {  	s0 =	srdreg.scid;
	s1 =	rddreg [dreg:$0x0]  }
0x2: {  	s8 =	stileid.u32;
	s2 =	rddreg [dreg:$0x1];
	s18 =	simm.s32 $0x5  }
0x3: {  	s19 =	simm.s32 $0x50;
	s20 =	simm.s32 $0x5000;
	s21 =	simm.s32 $0x7800  }
0x4: {  	s22 =	simm.s32 $0x7;
	s23 =	simm.s32 $0x6;
	s28 =	simm.s32 $0x3  }
0x5: {  	s29 =	simm.s32 $0x4F80;
	s30 =	simm.s32 $0x4;
	s0 =	sand.u32 $0x1, s0  }
0x6: {  	s31 =	simm.s32 $0x0;
	s6 =	smul.u32 $0x2800, s8;
	s3 =	sshll.u32 s0, $0x4  }
0x7: {  	s7 =	smul.u32 $0x28000, s0;
	s0 =	ssub.s32 $0x2, s0;
	s4 =	sor.u32 s8, s3  }
0x8: {  	s3 =	simm.s32 $0x0;
	s8 =	smul.u32 $0x50000, s8;
	s24 =	sshrl.u32 s0, $0x1  }
0x9: {  	s5 =	smul.u32 $0x2710, s4;
	[smem:$0x7FF] =	sst s3;
	s4 =	sadd.s32 $0x16400, s1  }
0xa: {  	s6 =	sadd.s32 s6, s7;
	s0 =	ssub.s32 s0, s24;
	s24 =	simm.s32 $0x1  }
0xb: {  	_ =	strace $0x8000004D;
	s25 =	sshrl.u32 s8, $0x2;
	s5 =	sshrl.u32 s5, $0x3  }
0xc: {  	s16 =	smax.u32 s0, $0x1;
	s5 =	sadd.s32 s5, s1;
	s1 =	sadd.s32 s6, s1  }
0xd: {  	s6 =	sadd.s32 s25, s2;
	s25 =	simm.s32 $0x4F00;
	s26 =	sadd.s32 $0x2A00, s5  }
0xe: {  	s5 =	sadd.s32 $0xC640, s5;
	s8 =	sadd.s32 $0x2800, s6;
	s9 =	sadd.s32 $0x5000, s6  }
0xf: {  	s10 =	sadd.s32 $0x7800, s6;
	s11 =	sadd.s32 $0xA000, s6;
	s12 =	sadd.s32 $0xC800, s6  }
0x10: {  	s13 =	sadd.s32 $0xF000, s6;
	s14 =	sadd.s32 $0x11800, s6;
	[dreg:$0x3] =	wrdreg s26  }
0x11: {  	v0 =	vimm.f32 $0.0e+00;
	s15 =	sadd.s32 $0x3D600, s1;
	[dreg:$0x4] =	wrdreg s5;
	s26 =	simm.s32 $0x2  }
.LBB2_1:
0x12: {  	s0 =	rddreg [dreg:$0x3]  }
0x13: {  	[tilespmem:s3], [sflag:$0x5] =	stream.linear.gather [hbm4b:s0+s3], $0x2710, $0x38;
	[tilespmem:$0x1E000] =	vst v63  }
0x14: {  	s17 =	rddreg [dreg:$0x4];
	s1 =	simm.s32 $0x2780  }
0x15: {  	[tilespmem:s1], [sflag:$0x6] =	stream.linear.gather [hbm4b:s17+s3], $0x2710, $0x38;
	[tilespmem:$0x1E000] =	vst v63  }
0x16: {  	s0 =	simm.s32 $0x0;
	s1 =	simm.s32 $0x200  }
.LBB2_2:
0x17: {  	p0 =	sne.s32 s1, $0x9E00;
	[tilespmem:s0+$0x7870] =	vst v0  }
0x18: {  	[tilespmem:s0+$0x7800] =	vst v0  }
0x19: {  	[tilespmem:s0+$0x7810] =	vst v0  }
.Ltmp0:
0x1a: {  	[tilespmem:s0+$0x7820] =	vst v0;
	(pc) =	sbr.rel @p0 .LBB2_2-.Ltmp0, $4  }
0x1b: {  	[tilespmem:s0+$0x7830] =	vst v0  }
0x1c: {  	[tilespmem:s0+$0x7840] =	vst v0  }
0x1d: {  	[tilespmem:s0+$0x7850] =	vst v0  }
0x1e: {  	[tilespmem:s0+$0x7860] =	vst v0;
	s0 =	sshra.s32 s1, $0x2;
	s1 =	sadd.s32 $0x200, s1  }
0x1f: {  	[tilespmem:s0+$0x7870] =	vst v0  }
0x20: {  	[tilespmem:s0+$0x7800] =	vst v0  }
0x21: {  	[tilespmem:s0+$0x7810] =	vst v0  }
0x22: {  	[tilespmem:s0+$0x7820] =	vst v0  }
0x23: {  	[tilespmem:s0+$0x7830] =	vst v0  }
0x24: {  	[tilespmem:s0+$0x7840] =	vst v0  }
0x25: {  	[tilespmem:s0+$0x7850] =	vst v0  }
0x26: {  	[tilespmem:s0+$0x7860] =	vst v0  }
0x27: {  	_ =	swait.ge [sflag:s18], $0x2710  }
0x28: {  	[sflag:s18] =	ssyncset.done $0x0  }
0x29: {  	[sflag:s18] =	ssyncadd.s32 $0xFFFFD8F0  }
0x2a: {  	[tilespmem:s20], [sflag:$0x1] =	stream.indirect.gather [hbm4b:s4+s19], $0x80, s3, s19, $0xb8;
	[tilespmem:$0x1E000] =	vst v63  }
0x2b: {  	_ = 	snop  }
0x2c: {  	[spmem:s6] =	stream.linear.scatter [tilespmem:s21], [sflag:$0x7], $0x2800, $0x38;
	[tilespmem:$0x1E000] =	vst v63  }
0x2d: {  	_ =	swait.ge [sflag:s22], $0x2800  }
0x2e: {  	[sflag:s22] =	ssyncset.done $0x0  }
0x2f: {  	[sflag:s22] =	ssyncadd.s32 $0xFFFFD800  }
0x30: {  	[spmem:s8] =	stream.linear.scatter [tilespmem:s21], [sflag:$0x7], $0x2800, $0x38;
	[tilespmem:$0x1E000] =	vst v63  }
0x31: {  	_ =	swait.ge [sflag:s22], $0x2800  }
0x32: {  	[sflag:s22] =	ssyncset.done $0x0  }
0x33: {  	[sflag:s22] =	ssyncadd.s32 $0xFFFFD800  }
0x34: {  	[spmem:s9] =	stream.linear.scatter [tilespmem:s21], [sflag:$0x7], $0x2800, $0x38;
	[tilespmem:$0x1E000] =	vst v63  }
0x35: {  	_ =	swait.ge [sflag:s22], $0x2800  }
0x36: {  	[sflag:s22] =	ssyncset.done $0x0  }
0x37: {  	[sflag:s22] =	ssyncadd.s32 $0xFFFFD800  }
0x38: {  	[spmem:s10] =	stream.linear.scatter [tilespmem:s21], [sflag:$0x7], $0x2800, $0x38;
	[tilespmem:$0x1E000] =	vst v63  }
0x39: {  	_ =	swait.ge [sflag:s22], $0x2800  }
0x3a: {  	[sflag:s22] =	ssyncset.done $0x0  }
0x3b: {  	[sflag:s22] =	ssyncadd.s32 $0xFFFFD800  }
0x3c: {  	[spmem:s11] =	stream.linear.scatter [tilespmem:s21], [sflag:$0x7], $0x2800, $0x38;
	[tilespmem:$0x1E000] =	vst v63  }
0x3d: {  	_ =	swait.ge [sflag:s22], $0x2800  }
0x3e: {  	[sflag:s22] =	ssyncset.done $0x0  }
0x3f: {  	[sflag:s22] =	ssyncadd.s32 $0xFFFFD800  }
0x40: {  	[spmem:s12] =	stream.linear.scatter [tilespmem:s21], [sflag:$0x7], $0x2800, $0x38;
	[tilespmem:$0x1E000] =	vst v63  }
0x41: {  	_ =	swait.ge [sflag:s22], $0x2800  }
0x42: {  	[sflag:s22] =	ssyncset.done $0x0  }
0x43: {  	[sflag:s22] =	ssyncadd.s32 $0xFFFFD800  }
0x44: {  	[spmem:s13] =	stream.linear.scatter [tilespmem:s21], [sflag:$0x7], $0x2800, $0x38;
	[tilespmem:$0x1E000] =	vst v63  }
0x45: {  	_ =	swait.ge [sflag:s22], $0x2800  }
0x46: {  	[sflag:s22] =	ssyncset.done $0x0  }
0x47: {  	[sflag:s22] =	ssyncadd.s32 $0xFFFFD800  }
0x48: {  	[spmem:s14] =	stream.linear.scatter [tilespmem:s21], [sflag:$0x7], $0x2800, $0x38;
	[tilespmem:$0x1E000] =	vst v63  }
0x49: {  	_ =	swait.ge [sflag:s22], $0x2800  }
0x4a: {  	[sflag:s22] =	ssyncset.done $0x0  }
0x4b: {  	[sflag:s22] =	ssyncadd.s32 $0xFFFFD800  }
0x4c: {  	_ =	swait.ge [sflag:s23], $0x2710  }
0x4d: {  	[sflag:s23] =	ssyncset.done $0x0  }
0x4e: {  	[sflag:s23] =	ssyncadd.s32 $0xFFFFD8F0  }
0x4f: {  	[bflag:$0x0] =	sbarrier.arrive $0xFFFF  }
0x50: {  	_ =	swait.ge [sflag:s24], $0x2800  }
0x51: {  	[sflag:s24] =	ssyncset.done $0x0  }
0x52: {  	[sflag:s24] =	ssyncadd.s32 $0xFFFFD800  }
0x53: {  	[tilespmem:s21], [sflag:$0x2] =	stream.indirect.gather [hbm4b:s4+s19], $0x80, s19, s19, $0xb8;
	[tilespmem:$0x1E000] =	vst v63  }
0x54: {  	v1 =	vld [tilespmem:$0x2780]  }
0x55: {  	v2 =	vld [tilespmem:$0x2790]  }
0x56: {  	v3 =	vld [tilespmem:$0x27A0]  }
0x57: {  	v4 =	vld [tilespmem:$0x27B0]  }
0x58: {  	v5 =	vld [tilespmem:$0x27C0]  }
0x59: {  	[tilespmem:$0x4F00] =	vst v1  }
0x5a: {  	[tilespmem:$0x4F10] =	vst v2  }
0x5b: {  	[tilespmem:$0x4F20] =	vst v3  }
0x5c: {  	[tilespmem:$0x4F30] =	vst v4  }
0x5d: {  	[tilespmem:$0x4F40] =	vst v5  }
0x5e: {  	[spmem:s2] =	stream.indirect.scatter.add.f32 [tilespmem:s20], [sflag:$0x3], $0x80, s25, s19, $0xb8;
	[tilespmem:$0x1E000] =	vst v63  }
0x5f: {  	_ =	swait.ge [sflag:s26], $0x2800  }
0x60: {  	[sflag:s26] =	ssyncset.done $0x0  }
0x61: {  	[sflag:s26] =	ssyncadd.s32 $0xFFFFD800  }
0x62: {  	_ =	swait.ge [sflag:s28], $0x2800  }
0x63: {  	[sflag:s28] =	ssyncset.done $0x0  }
0x64: {  	s7 =	simm.s32 $0xA0;
	[sflag:s28] =	ssyncadd.s32 $0xFFFFD800  }
0x65: {  	[tilespmem:s20], [sflag:$0x1] =	stream.indirect.gather [hbm4b:s4+s19], $0x80, s7, s19, $0xb8;
	[tilespmem:$0x1E000] =	vst v63  }
0x66: {  	v1 =	vld [tilespmem:$0x27D0]  }
0x67: {  	v2 =	vld [tilespmem:$0x27E0]  }
0x68: {  	v3 =	vld [tilespmem:$0x27F0]  }
0x69: {  	v62 =	vld [tilespmem:$0x2800]  }
0x6a: {  	v63 =	vld [tilespmem:$0x2810]  }
0x6b: {  	[tilespmem:$0x4F80] =	vst v1  }
0x6c: {  	[tilespmem:$0x4F90] =	vst v2  }
0x6d: {  	[tilespmem:$0x4FA0] =	vst v3  }
0x6e: {  	[tilespmem:$0x4FB0] =	vst v62  }
0x6f: {  	[tilespmem:$0x4FC0] =	vst v63  }
0x70: {  	[spmem:s2] =	stream.indirect.scatter.add.f32 [tilespmem:s21], [sflag:$0x4], $0x80, s29, s19, $0xb8;
	[tilespmem:$0x1E000] =	vst v63  }
0x71: {  	_ =	swait.ge [sflag:s24], $0x2800  }
0x72: {  	[sflag:s24] =	ssyncset.done $0x0  }
0x73: {  	[sflag:s24] =	ssyncadd.s32 $0xFFFFD800  }
0x74: {  	_ =	swait.ge [sflag:s30], $0x2800  }
0x75: {  	[sflag:s30] =	ssyncset.done $0x0  }
0x76: {  	s1 =	simm.s32 $0x2820;
	s5 =	simm.s32 $0xF0;
	[sflag:s30] =	ssyncadd.s32 $0xFFFFD800  }
0x77: {  	[tilespmem:s21], [sflag:$0x2] =	stream.indirect.gather [hbm4b:s4+s19], $0x80, s5, s19, $0xb8;
	[tilespmem:$0x1E000] =	vst v63  }
0x78: {  	v1 =	vld [tilespmem:s1+$0x0];
	_ =	sdelay $0x4  }
0x79: {  	[tilespmem:$0x4F00] =	vst v1  }
0x7a: {  	v1 =	vld [tilespmem:s1+$0x10];
	_ =	sdelay $0x4  }
0x7b: {  	[tilespmem:$0x4F10] =	vst v1  }
0x7c: {  	v1 =	vld [tilespmem:s1+$0x20];
	_ =	sdelay $0x4  }
0x7d: {  	[tilespmem:$0x4F20] =	vst v1  }
0x7e: {  	v1 =	vld [tilespmem:s1+$0x30];
	_ =	sdelay $0x4  }
0x7f: {  	[tilespmem:$0x4F30] =	vst v1  }
0x80: {  	v1 =	vld [tilespmem:s1+$0x40];
	_ =	sdelay $0x4  }
0x81: {  	[tilespmem:$0x4F40] =	vst v1  }
0x82: {  	[spmem:s2] =	stream.indirect.scatter.add.f32 [tilespmem:s20], [sflag:$0x3], $0x80, s25, s19, $0xb8;
	[tilespmem:$0x1E000] =	vst v63  }
0x83: {  	_ =	swait.ge [sflag:s26], $0x2800  }
0x84: {  	[sflag:s26] =	ssyncset.done $0x0  }
0x85: {  	[sflag:s26] =	ssyncadd.s32 $0xFFFFD800  }
0x86: {  	_ =	swait.ge [sflag:s28], $0x2800  }
0x87: {  	[sflag:s28] =	ssyncset.done $0x0  }
0x88: {  	s17 =	simm.s32 $0x140;
	[sflag:s28] =	ssyncadd.s32 $0xFFFFD800  }
0x89: {  	[tilespmem:s20], [sflag:$0x1] =	stream.indirect.gather [hbm4b:s4+s19], $0x80, s17, s19, $0xb8;
	[tilespmem:$0x1E000] =	vst v63  }
0x8a: {  	v1 =	vld [tilespmem:s1+$0x50];
	_ =	sdelay $0x4  }
0x8b: {  	[tilespmem:$0x4F80] =	vst v1  }
0x8c: {  	v1 =	vld [tilespmem:s1+$0x60];
	_ =	sdelay $0x4  }
0x8d: {  	[tilespmem:$0x4F90] =	vst v1  }
0x8e: {  	v1 =	vld [tilespmem:s1+$0x70];
	_ =	sdelay $0x4  }
0x8f: {  	s0 =	sand.u32 $0x3FE0, s7;
	[tilespmem:$0x4FA0] =	vst v1  }
0x90: {  	v1 =	vld [tilespmem:s0+$0x2800];
	_ =	sdelay $0x4  }
0x91: {  	[tilespmem:$0x4FB0] =	vst v1  }
0x92: {  	v1 =	vld [tilespmem:s1+$0x90];
	_ =	sdelay $0x4  }
0x93: {  	s17 =	simm.s32 $0x1E0;
	s0 =	simm.s32 $0x28C0;
	s1 =	simm.s32 $0x140;
	[tilespmem:$0x4FC0] =	vst v1  }
.LBB2_4:
0x94: {  	[spmem:s2] =	stream.indirect.scatter.add.f32 [tilespmem:s21], [sflag:$0x4], $0x80, s29, s19, $0xb8;
	[tilespmem:$0x1E000] =	vst v63  }
0x95: {  	s5 =	smov.u32 s1  }
0x96: {  	p0 =	sne.s32 s1, $0x2620;
	s1 =	sadd.s32 $0xA0, s1;
	_ =	swait.ge [sflag:s24], $0x2800  }
0x97: {  	[sflag:s24] =	ssyncset.done $0x0  }
0x98: {  	[sflag:s24] =	ssyncadd.s32 $0xFFFFD800  }
0x99: {  	_ =	swait.ge [sflag:s30], $0x2800  }
0x9a: {  	[sflag:s30] =	ssyncset.done $0x0  }
0x9b: {  	s7 =	sadd.s32 $0xFFFFFFB0, s17;
	[sflag:s30] =	ssyncadd.s32 $0xFFFFD800  }
0x9c: {  	[tilespmem:s21], [sflag:$0x2] =	stream.indirect.gather [hbm4b:s4+s19], $0x80, s7, s19, $0xb8;
	[tilespmem:$0x1E000] =	vst v63  }
0x9d: {  	v1 =	vld [tilespmem:s0+$0x0];
	_ =	sdelay $0x4  }
0x9e: {  	[tilespmem:$0x4F00] =	vst v1  }
0x9f: {  	v1 =	vld [tilespmem:s0+$0x10];
	_ =	sdelay $0x4  }
0xa0: {  	[tilespmem:$0x4F10] =	vst v1  }
0xa1: {  	v1 =	vld [tilespmem:s0+$0x20];
	_ =	sdelay $0x4  }
0xa2: {  	[tilespmem:$0x4F20] =	vst v1  }
0xa3: {  	v1 =	vld [tilespmem:s0+$0x30];
	_ =	sdelay $0x4  }
0xa4: {  	[tilespmem:$0x4F30] =	vst v1  }
0xa5: {  	v1 =	vld [tilespmem:s0+$0x40];
	_ =	sdelay $0x4  }
0xa6: {  	[tilespmem:$0x4F40] =	vst v1  }
0xa7: {  	[spmem:s2] =	stream.indirect.scatter.add.f32 [tilespmem:s20], [sflag:$0x3], $0x80, s25, s19, $0xb8;
	[tilespmem:$0x1E000] =	vst v63  }
0xa8: {  	_ =	swait.ge [sflag:s26], $0x2800  }
0xa9: {  	[sflag:s26] =	ssyncset.done $0x0  }
0xaa: {  	[sflag:s26] =	ssyncadd.s32 $0xFFFFD800  }
0xab: {  	_ =	swait.ge [sflag:s28], $0x2800  }
0xac: {  	[sflag:s28] =	ssyncset.done $0x0  }
0xad: {  	[sflag:s28] =	ssyncadd.s32 $0xFFFFD800  }
0xae: {  	[tilespmem:s20], [sflag:$0x1] =	stream.indirect.gather [hbm4b:s4+s19], $0x80, s17, s19, $0xb8;
	[tilespmem:$0x1E000] =	vst v63  }
0xaf: {  	v1 =	vld [tilespmem:s0+$0x50];
	_ =	sdelay $0x4  }
0xb0: {  	[tilespmem:$0x4F80] =	vst v1  }
0xb1: {  	v1 =	vld [tilespmem:s0+$0x60];
	_ =	sdelay $0x4  }
0xb2: {  	[tilespmem:$0x4F90] =	vst v1  }
0xb3: {  	v1 =	vld [tilespmem:s0+$0x70];
	_ =	sdelay $0x4  }
0xb4: {  	s5 =	sand.u32 $0x3FE0, s5;
	[tilespmem:$0x4FA0] =	vst v1  }
0xb5: {  	v1 =	vld [tilespmem:s5+$0x2800];
	_ =	sdelay $0x4  }
0xb6: {  	[tilespmem:$0x4FB0] =	vst v1  }
0xb7: {  	v1 =	vld [tilespmem:s0+$0x90]  }
.Ltmp1:
0xb8: {  	(pc) =	sbr.rel @p0 .LBB2_4-.Ltmp1, $2  }
0xb9: {  	_ =	sdelay $0x2  }
0xba: {  	s17 =	sadd.s32 $0xA0, s17;
	s0 =	sadd.s32 $0xA0, s0;
	[tilespmem:$0x4FC0] =	vst v1  }
0xbb: {  	[spmem:s2] =	stream.indirect.scatter.add.f32 [tilespmem:s21], [sflag:$0x4], $0x80, s29, s19, $0xb8;
	[tilespmem:$0x1E000] =	vst v63  }
0xbc: {  	_ =	swait.ge [sflag:s30], $0x2800  }
0xbd: {  	[sflag:s30] =	ssyncset.done $0x0  }
0xbe: {  	[sflag:s30] =	ssyncadd.s32 $0xFFFFD800  }
0xbf: {  	_ =	swait.ge [sflag:s24], $0x2800  }
0xc0: {  	[sflag:s24] =	ssyncset.done $0x0  }
0xc1: {  	[sflag:s24] =	ssyncadd.s32 $0xFFFFD800  }
0xc2: {  	v1 =	vld [tilespmem:$0x4E40]  }
0xc3: {  	v2 =	vld [tilespmem:$0x4E50]  }
0xc4: {  	v3 =	vld [tilespmem:$0x4E60]  }
0xc5: {  	v4 =	vld [tilespmem:$0x4E70]  }
0xc6: {  	v5 =	vld [tilespmem:$0x4E80]  }
0xc7: {  	[tilespmem:$0x4F00] =	vst v1  }
0xc8: {  	[tilespmem:$0x4F10] =	vst v2  }
0xc9: {  	[tilespmem:$0x4F20] =	vst v3  }
0xca: {  	[tilespmem:$0x4F30] =	vst v4  }
0xcb: {  	[tilespmem:$0x4F40] =	vst v5  }
0xcc: {  	[spmem:s2] =	stream.indirect.scatter.add.f32 [tilespmem:s20], [sflag:$0x3], $0x80, s25, s19, $0xb8;
	[tilespmem:$0x1E000] =	vst v63  }
0xcd: {  	s0 =	stileid.u32;
	_ =	swait.ge [sflag:s28], $0x2800  }
0xce: {  	s1 =	sshrl.u32 s6, $0x3;
	s31 =	sadd.s32 $0x1, s31;
	[sflag:s28] =	ssyncset.done $0x0  }
0xcf: {  	s0 =	sshll.u32 s0, $0x6;
	p0 =	sne.s32 s31, s16;
	[sflag:s28] =	ssyncadd.s32 $0xFFFFD800  }
.Ltmp2:
0xd0: {  	s0 =	sor.u32 $0x1C07, s0;
	[bflag:$0x0] =	sbarrier.arrive $0xFFFF;
	(pc) =	sbr.rel @p0 .LBB2_1-.Ltmp2, $4  }
0xd1: {  	[hbm:s15], [sflag:s0] =	dma.local [spmem:s1], $0x2800  }
0xd2: {  	_ =	swait.ge [sflag:s22], $0x2800  }
0xd3: {  	[sflag:s22] =	ssyncset.done $0x0  }
0xd4: {  	[sflag:s22] =	ssyncadd.s32 $0xFFFFD800  }
0xd5: {  	_ =	sfence.sel $0x180000  }
0xd6: {  	[bflag:$0x0] =	sbarrier.arrive $0xFFFF  }
0xd7: {  	_ =	strace $0x9000004D  }
0xd8: {  	s0 =	stileid.u32;
	[bflag:$0x2] =	sbarrier.arrive $0xFFFF  }
0xd9: {  	p0 =	sne.s32 s0, $0x0;
	s0 =	rddreg [dreg:$0x2]  }
0xda: {  	s0 =	sadd.s32 @!p0 $0x100000, s0  }
0xdb: {  	[sflag:s0] =	ssyncadd.tile.s32 @!p0 $0x1;
	_ =	shalt  }
.Lfunc_end2:
_tile_overlayer_lowered:
.L_overlay_start_2:
0xdc: {  	(tag) =	ssettag $0x2  }
0xdd: {  	s0 =	rddreg [dreg:$0x0];
	s2 =	stileid.u32  }
0xde: {  	s1 =	rddreg [dreg:$0x1];
	p0 =	sne.s32 s2, $0x0  }
0xdf: {  	s3 =	rddreg [dreg:$0x2];
	[bflag:$0x3] =	sbarrier.arrive $0xFFFF;
	s2 =	simm.s32 @!p0 $0x1C07  }
0xe0: {  	[timem:s3], [sflag:s2] =	dma.local @!p0 [hbm:s0], s1  }
0xe1: {  	s0 =	simm.s32 @!p0 $0x7  }
0xe2: {  	_ =	swait.ge @!p0 [sflag:s0], s1  }
0xe3: {  	s1 =	ssub.s32 @!p0 $0x0, s1;
	[sflag:s0] =	ssyncset.done @!p0 $0x0  }
0xe4: {  	[sflag:s0] =	ssyncadd.s32 @!p0 s1  }
0xe5: {  	[bflag:$0x3] =	sbarrier.arrive $0xFFFF  }
0xe6: {  	_ =	shalt  }

// kernel: kernel.8.cloned.1.call-start
scs
__scs_entry_jumppad:
0x0: {  	(pc) =	sbr.rel $0x88, $3  }
0x1: {  	(tag) =	ssettag $0x0;
	lr =	simm.s32 $0x1  }
0x2: {  	[smem:$0x3F99] =	sst lr;
	_ =	strace $0xD0000000  }
0x3: {  	_ = 	snop  }
0x4: {  	_ = 	snop  }
0x5: {  	_ = 	snop  }
0x6: {  	_ = 	snop  }
0x7: {  	_ = 	snop  }
__scs_overlays_trampoline_lowered:
0x8: {  	[smem:$0x3FA8] =	sst s0  }
0x9: {  	[smem:$0x3FA9] =	sst s1  }
0xa: {  	[smem:$0x3FAA] =	sst s2  }
0xb: {  	[smem:$0x3FAB] =	sst s3  }
0xc: {  	[smem:$0x3FAC] =	sst s4  }
0xd: {  	[smem:$0x3FAD] =	sst s5  }
0xe: {  	[smem:$0x3FAE] =	sst s6  }
0xf: {  	[smem:$0x3FAF] =	sst s7  }
0x10: {  	[smem:$0x3FB0] =	sst s8  }
0x11: {  	[smem:$0x3FB1] =	sst s9;
	s0 =	simm.s32 @!p0 $0x0  }
0x12: {  	s1 =	sld [smem:$0x3F97];
	s0 =	simm.s32 @p0 $0x1  }
0x13: {  	[smem:$0x3FB2] =	sst s0;
	s0 =	simm.s32 @!p1 $0x0  }
0x14: {  	s2 =	sld [smem:$0x3F96];
	s0 =	simm.s32 @p1 $0x1  }
0x15: {  	[smem:$0x3FB3] =	sst s0;
	s0 =	simm.s32 @!p2 $0x0  }
0x16: {  	s3 =	sld [smem:$0x3FDB];
	s0 =	simm.s32 @p2 $0x1  }
0x17: {  	s4 =	simm.s32 $0x1BF5;
	[smem:$0x3FB5] =	sst s0  }
0x18: {  	s0 =	sld [smem:$0x3F98];
	_ =	swait.ge [sflag:s4], $0x0  }
0x19: {  	s7 =	sld [smem:$0x3F99]  }
0x1a: {  	s8 =	sadd.s32 $0xFFFFE003, lr  }
0x1b: {  	s9 =	sadd.s32 $0xFFFFFEF7, lr;
	s5 =	simm.s32 $0xFFFFFFFF;
	p2 =	slt.u32 s8, $0xFFFFF086  }
0x1c: {  	p1 =	slt.u32 s9, $0xF7A;
	s5 =	simm.s32 @!p2 $0x0  }
0x1d: {  	s5 =	simm.s32 @p1 $0x1;
	p0 =	seq.s32 s7, s2  }
0x1e: {  	s7 =	smul.u32 @!p0 $0xF7A, s2;
	p2 =	seq.s32 @!p0 s5, $0x0  }
0x1f: {  	s9 =	smul.u32 $0xF7A, s1;
	s8 =	simm.s32 @!p0 $0x1BF5;
	p2 =	por !p2, p0  }
0x20: {  	[sflag:s8] =	ssyncset.s32 @!p0 $0xFFFFF086;
	s6 =	sadd.s32 @!p0 s3, s7;
	s7 =	simm.s32 @!p0 $0x108  }
0x21: {  	s3 =	sadd.s32 s3, s9;
	s6 =	sadd.s32 @!p0 $0x88, s6;
	s7 =	simm.s32 @p2 $0x1082  }
0x22: {  	[simem:s7], [sflag:s8] =	dma.local @!p0 [hbm:s6], $0xF7A  }
0x23: {  	s9 =	sor.u32 $0xD0000000, s2;
	s6 =	simm.s32 $0x108;
	_ =	swait.ge @!p0 [sflag:s8], $0x0  }
0x24: {  	s3 =	sadd.s32 $0x88, s3;
	s6 =	simm.s32 @!p1 $0x1082;
	[sflag:s4] =	ssyncset.s32 $0xFFFFF086  }
0x25: {  	[simem:s6], [sflag:s4] =	dma.local [hbm:s3], $0xF7A  }
0x26: {  	[smem:$0x3F99] =	sst s1;
	(tag) =	ssettag s2;
	_ =	strace s9  }
0x27: {  	s1 =	sld [smem:$0x3FA9]  }
0x28: {  	s2 =	sld [smem:$0x3FAA]  }
0x29: {  	s4 =	sld [smem:$0x3FAC]  }
0x2a: {  	p0 =	seq.s32 s5, $0x0;
	s5 =	sld [smem:$0x3FAD]  }
0x2b: {  	s6 =	sld [smem:$0x3FAE]  }
0x2c: {  	s7 =	sld [smem:$0x3FAF]  }
0x2d: {  	s3 =	simm.s32 $0x108;
	s8 =	sld [smem:$0x3FB0]  }
0x2e: {  	s3 =	simm.s32 @!p0 $0x1082;
	s9 =	sld [smem:$0x3FB1]  }
0x2f: {  	lr =	sadd.s32 s0, s3;
	s0 =	sld [smem:$0x3FA8]  }
0x30: {  	s3 =	sld [smem:$0x3FAB]  }
0x31: {  	[smem:$0x3FB4] =	sst s10  }
0x32: {  	s10 =	sld [smem:$0x3FB2];
	_ =	sdelay $0x3  }
0x33: {  	p0 =	seq.s32 s10, $0x1;
	s10 =	sld [smem:$0x3FB4];
	_ =	sdelay $0x3  }
0x34: {  	[smem:$0x3FB4] =	sst s10  }
0x35: {  	s10 =	sld [smem:$0x3FB3];
	_ =	sdelay $0x3  }
0x36: {  	p1 =	seq.s32 s10, $0x1;
	s10 =	sld [smem:$0x3FB4];
	_ =	sdelay $0x3  }
0x37: {  	[smem:$0x3FB4] =	sst s10  }
0x38: {  	s10 =	sld [smem:$0x3FB5]  }
0x39: {  	_ = 	snop;
	(pc) =	sbr.ind lr, $3  }
0x3a: {  	_ = 	snop  }
0x3b: {  	_ = 	snop  }
0x3c: {  	p2 =	seq.s32 s10, $0x1;
	s10 =	sld [smem:$0x3FB4]  }
0x3d: {  	_ =	shalt  }
0x3e: {  	_ =	shalt  }
0x3f: {  	_ =	shalt  }
0x40: {  	_ =	shalt  }
0x41: {  	_ =	shalt  }
0x42: {  	_ =	shalt  }
0x43: {  	_ =	shalt  }
0x44: {  	_ =	shalt  }
0x45: {  	_ =	shalt  }
0x46: {  	_ =	shalt  }
0x47: {  	_ =	shalt  }
0x48: {  	_ =	shalt  }
0x49: {  	_ =	shalt  }
0x4a: {  	_ =	shalt  }
0x4b: {  	_ =	shalt  }
0x4c: {  	_ =	shalt  }
0x4d: {  	_ =	shalt  }
0x4e: {  	_ =	shalt  }
0x4f: {  	_ =	shalt  }
0x50: {  	_ =	shalt  }
0x51: {  	_ =	shalt  }
0x52: {  	_ =	shalt  }
0x53: {  	_ =	shalt  }
0x54: {  	_ =	shalt  }
0x55: {  	_ =	shalt  }
0x56: {  	_ =	shalt  }
0x57: {  	_ =	shalt  }
0x58: {  	_ =	shalt  }
0x59: {  	_ =	shalt  }
0x5a: {  	_ =	shalt  }
0x5b: {  	_ =	shalt  }
0x5c: {  	_ =	shalt  }
0x5d: {  	_ =	shalt  }
0x5e: {  	_ =	shalt  }
0x5f: {  	_ =	shalt  }
0x60: {  	_ =	shalt  }
0x61: {  	_ =	shalt  }
0x62: {  	_ =	shalt  }
0x63: {  	_ =	shalt  }
0x64: {  	_ =	shalt  }
0x65: {  	_ =	shalt  }
0x66: {  	_ =	shalt  }
0x67: {  	_ =	shalt  }
0x68: {  	_ =	shalt  }
0x69: {  	_ =	shalt  }
0x6a: {  	_ =	shalt  }
0x6b: {  	_ =	shalt  }
0x6c: {  	_ =	shalt  }
0x6d: {  	_ =	shalt  }
0x6e: {  	_ =	shalt  }
0x6f: {  	_ =	shalt  }
0x70: {  	_ =	shalt  }
0x71: {  	_ =	shalt  }
0x72: {  	_ =	shalt  }
0x73: {  	_ =	shalt  }
0x74: {  	_ =	shalt  }
0x75: {  	_ =	shalt  }
0x76: {  	_ =	shalt  }
0x77: {  	_ =	shalt  }
0x78: {  	_ =	shalt  }
0x79: {  	_ =	shalt  }
0x7a: {  	_ =	shalt  }
0x7b: {  	_ =	shalt  }
0x7c: {  	_ =	shalt  }
0x7d: {  	_ =	shalt  }
0x7e: {  	_ =	shalt  }
0x7f: {  	_ =	shalt  }
0x80: {  	_ =	shalt  }
0x81: {  	_ =	shalt  }
0x82: {  	_ =	shalt  }
0x83: {  	_ =	shalt  }
0x84: {  	_ =	shalt  }
0x85: {  	_ =	shalt  }
0x86: {  	_ =	shalt  }
0x87: {  	_ =	shalt  }
.Lfunc_end0:
.L_simem_size_0:
called_computation_lowered:
.L_overlay_start_0:
0x88: {  	s2 =	sld [smem:$0x3FD9]  }
0x89: {  	s3 =	sld [smem:$0x3FFE];
	_ =	sdelay $0x1  }
0x8a: {  	s1 =	srdreg.scid  }
0x8b: {  	s0 =	sand.u32 $0x1, s1  }
0x8c: {  	s16 =	sshll.u32 s0, $0xA;
	s2 =	sadd.s32 s3, s2  }
0x8d: {  	s2 =	sadd.s32 s2, s16  }
0x8e: {  	[smem:$0x3FC0] =	sst s2  }
0x8f: {  	_ = 	snop  }
0x90: {  	(tm) =	ssettm $0x1  }
0x91: {  	s17 =	sld [smem:$0x3FFB];
	_ =	sdelay $0x3  }
0x92: {  	_ =	strace s17  }
0x93: {  	s2 =	sld [smem:$0x3FFC];
	_ =	sdelay $0x3  }
0x94: {  	_ =	strace s2  }
0x95: {  	s2 =	sld [smem:$0x3FFD];
	_ =	sdelay $0x3  }
0x96: {  	_ =	strace s2  }
0x97: {  	_ =	strace $0x8FFFFFFF  }
0x98: {  	s18 =	sld [smem:$0x3FDB];
	_ =	sdelay $0x1  }
0x99: {  	s19 =	simm.s32 $_scs_section_size  }
0x9a: {  	s4 =	simm.s32 $_size__tile_overlayer_lowered;
	s5 =	simm.s32 $_tile_overlayer_lowered  }
0x9b: {  	s22 =	simm.s32 $0x1BFF;
	s21 =	sshll.u32 s5, $0x1;
	s2 =	sadd.s32 s19, s18  }
0x9c: {  	s6 =	simm.s32 $0x0;
	s20 =	sshll.u32 s4, $0x1;
	s4 =	sadd.s32 s21, s2  }
0x9d: {  	[timem:s6], [sflag:s22] =	dma.local [hbm:s4], s20  }
0x9e: {  	_ =	swait.ge [sflag:s22], s20  }
0x9f: {  	s3 =	ssub.s32 $0x0, s20;
	[sflag:s22] =	ssyncset.done $0x0  }
0xa0: {  	[sflag:s22] =	ssyncadd.s32 s3;
	_ =	sdelay $0x1  }
0xa1: {  	s23 =	simm.s32 $0x1B8B  }
0xa2: {  	_ =	swait.ge [sflag:s23], $0x1  }
0xa3: {  	[sflag:s23] =	ssyncset.done $0x0  }
0xa4: {  	s25 =	simm.s32 $0x1B8E;
	s24 =	sld [smem:$0x3FFE];
	[sflag:s23] =	ssyncadd.s32 $0xFFFFFFFF  }
0xa5: {  	s26 =	simm.s32 $execute0_lowered;
	[smem:$0x3FD2] =	sst s25  }
0xa6: {  	s4 =	sshll.u32 s26, $0x1;
	_ =	strace $0x80000046;
	[dreg:$0x1] =	wrdreg $0xFFFFFFFF  }
0xa7: {  	s28 =	simm.s32 $_size_execute0_lowered;
	s2 =	sadd.s32 s2, s4;
	[dreg:$0x0] =	wrdreg $0x0  }
0xa8: {  	s4 =	sshll.u32 s28, $0x1;
	[dreg:$0x2] =	wrdreg s2  }
0xa9: {  	[dreg:$0x3] =	wrdreg s4  }
0xaa: {  	[dreg:$0x4] =	wrdreg $0xC0  }
0xab: {  	_ =	task [dreg:s6], $0x5FFFF  }
0xac: {  	[dreg:$0x1] =	wrdreg $0xFFFFFFFF  }
0xad: {  	[dreg:$0x0] =	wrdreg $0x60  }
0xae: {  	[dreg:$0x2] =	wrdreg s24  }
0xaf: {  	[dreg:$0x3] =	wrdreg $0x9  }
0xb0: {  	_ =	task.clear_ibuf [dreg:s6], $0x4FFFF;
	_ =	strace $0x90000046  }
0xb1: {  	s29 =	simm.s32 $0x9;
	_ =	strace $0x80000048  }
0xb2: {  	_ =	swait.ge [sflag:s29], $0x1  }
0xb3: {  	[sflag:s29] =	ssyncadd.s32 $0xFFFFFFFF  }
0xb4: {  	_ =	strace $0x90000048  }
0xb5: {  	_ =	sfence  }
0xb6: {  	s30 =	sld [smem:$0x0];
	_ =	sdelay $0x2  }
0xb7: {  	s31 =	sshll.u32 s1, $0xD;
	s1 =	sshrl.u32 s1, $0x2  }
0xb8: {  	s3 =	sand.u32 $0x4000, s31;
	s1 =	sadd.s32 s1, s30  }
0xb9: {  	s0 =	sor.u32 s3, s0;
	s1 =	sshll.u32 s1, $0x11  }
0xba: {  	s0 =	sor.u32 s1, s0  }
0xbb: {  	s0 =	sadd.s32 $0x8F2B, s0  }
0xbc: {  	[sflag:s0] =	ssyncadd.remote.s32 $0x1  }
0xbd: {  	_ =	sfence.sel $0xFFFF  }
0xbe: {  	[dreg:$0x0] =	wrdreg $0xFFFFFFFF;
	(pc) =	sbr.abs _section_cstart, $3  }
0xbf: {  	[dreg:$0x1] =	wrdreg $0xFFFFFFFF  }
0xc0: {  	_ =	task.clear_ibuf [dreg:s6], $0x2FFFF;
	_ =	strace $0x9FFFFFFF  }
0xc1: {  	(tm) =	ssettm $0x7FFFFFFF  }
tec
execute0_lowered:
.L_overlay_start_1:
0x0: {  	(tag) =	ssettag $0x1  }
0x1: {  	s0 =	srdreg.scid  }
0x2: {  	s4 =	rddreg [dreg:$0x0];
	s1 =	stileid.u32  }
0x3: {  	s2 =	simm.s32 $0x0;
	s10 =	simm.s32 $0x2;
	s3 =	sand.u32 $0x1, s0  }
0x4: {  	s11 =	simm.s32 $0x4F00;
	s12 =	simm.s32 $0x7680;
	s5 =	sshll.u32 s3, $0x4  }
0x5: {  	s13 =	simm.s32 $0x3;
	s14 =	simm.s32 $0x0;
	s5 =	sor.u32 s1, s5  }
0x6: {  	s0 =	rddreg [dreg:$0x1];
	s3 =	ssub.s32 $0x2, s3;
	s5 =	smul.u32 $0x2710, s5  }
0x7: {  	[smem:$0x7FF] =	sst s2;
	s6 =	sadd.s32 $0x2A00, s4;
	s7 =	sshrl.u32 s3, $0x1  }
0x8: {  	s8 =	sadd.s32 $0x16400, s4;
	s7 =	ssub.s32 s3, s7;
	s5 =	sshrl.u32 s5, $0x3  }
0x9: {  	_ =	strace $0x80000047;
	s7 =	smax.u32 s7, $0x1;
	s9 =	sadd.s32 $0x9C40, s5  }
0xa: {  	s3 =	sadd.s32 s6, s5;
	s5 =	sadd.s32 s8, s5;
	s4 =	sadd.s32 s6, s9  }
0xb: {  	v0 =	vimm.f32 $0.0e+00;
	v1 =	vimm.f32 $1.000000000e+00;
	s6 =	sadd.s32 s8, s9;
	s8 =	simm.s32 $0x2780;
	s9 =	simm.s32 $0x1  }
.LBB2_1:
0xc: {  	[tilespmem:s2], [sflag:$0x1] =	stream.linear.gather [hbm4b:s3+s2], $0x2710, $0x38;
	[tilespmem:$0x9E00] =	vst v63  }
0xd: {  	s15 =	simm.s32 $0x0;
	s16 =	simm.s32 $0x140  }
0xe: {  	[tilespmem:s8], [sflag:$0x2] =	stream.linear.gather [hbm4b:s4+s2], $0x2710, $0x38;
	[tilespmem:$0x9E00] =	vst v63  }
.LBB2_2:
0xf: {  	p0 =	sne.s32 s16, $0x9B00;
	[tilespmem:s15+$0x76C0] =	vst v0  }
0x10: {  	[tilespmem:s15+$0x4F00] =	vst v0  }
0x11: {  	[tilespmem:s15+$0x7680] =	vst v0  }
0x12: {  	[tilespmem:s15+$0x4F10] =	vst v0  }
0x13: {  	[tilespmem:s15+$0x7690] =	vst v0  }
.Ltmp0:
0x14: {  	[tilespmem:s15+$0x4F20] =	vst v0;
	(pc) =	sbr.rel @p0 .LBB2_2-.Ltmp0, $4  }
0x15: {  	[tilespmem:s15+$0x76A0] =	vst v0  }
0x16: {  	[tilespmem:s15+$0x4F30] =	vst v0  }
0x17: {  	[tilespmem:s15+$0x76B0] =	vst v0  }
0x18: {  	[tilespmem:s15+$0x4F40] =	vst v0;
	s15 =	sshra.s32 s16, $0x2;
	s16 =	sadd.s32 $0x140, s16  }
0x19: {  	[tilespmem:s15+$0x76C0] =	vst v0  }
0x1a: {  	[tilespmem:s15+$0x4F00] =	vst v0  }
0x1b: {  	[tilespmem:s15+$0x7680] =	vst v0  }
0x1c: {  	[tilespmem:s15+$0x4F10] =	vst v0  }
0x1d: {  	[tilespmem:s15+$0x7690] =	vst v0  }
0x1e: {  	[tilespmem:s15+$0x4F20] =	vst v0  }
0x1f: {  	[tilespmem:s15+$0x76A0] =	vst v0  }
0x20: {  	[tilespmem:s15+$0x4F30] =	vst v0  }
0x21: {  	[tilespmem:s15+$0x76B0] =	vst v0  }
0x22: {  	[tilespmem:s15+$0x4F40] =	vst v0  }
0x23: {  	_ =	swait.ge [sflag:s9], $0x2710  }
0x24: {  	[sflag:s9] =	ssyncset.done $0x0  }
0x25: {  	[sflag:s9] =	ssyncadd.s32 $0xFFFFD8F0  }
0x26: {  	_ =	swait.ge [sflag:s10], $0x2710  }
0x27: {  	[sflag:s10] =	ssyncset.done $0x0  }
0x28: {  	s15 =	simm.s32 $0x0;
	[sflag:s10] =	ssyncadd.s32 $0xFFFFD8F0  }
.LBB2_4:
0x29: {  	s16 =	sshra.s32 s15, $0x2  }
0x2a: {  	v2 =	vld [tilespmem:s16+$0x0]  }
0x2b: {  	v3 =	vld [tilespmem:s16+$0x2780];
	_ =	sdelay $0x6  }
0x2c: {  	[tilespmem:v2+s11+$0x0] =	vst.idx.add.f32.msk $0xffff, v1  }
0x2d: {  	[tilespmem:v3+s12+$0x0] =	vst.idx.add.f32.msk $0xffff, v1  }
0x2e: {  	v2 =	vld [tilespmem:s16+$0x10]  }
0x2f: {  	v3 =	vld [tilespmem:s16+$0x2790];
	_ =	sdelay $0x6  }
0x30: {  	[tilespmem:v2+s11+$0x0] =	vst.idx.add.f32.msk $0xffff, v1  }
0x31: {  	[tilespmem:v3+s12+$0x0] =	vst.idx.add.f32.msk $0xffff, v1  }
0x32: {  	v2 =	vld [tilespmem:s16+$0x20]  }
0x33: {  	v3 =	vld [tilespmem:s16+$0x27A0];
	_ =	sdelay $0x6  }
0x34: {  	[tilespmem:v2+s11+$0x0] =	vst.idx.add.f32.msk $0xffff, v1  }
0x35: {  	[tilespmem:v3+s12+$0x0] =	vst.idx.add.f32.msk $0xffff, v1  }
0x36: {  	v2 =	vld [tilespmem:s16+$0x30]  }
0x37: {  	v3 =	vld [tilespmem:s16+$0x27B0];
	_ =	sdelay $0x6  }
0x38: {  	[tilespmem:v2+s11+$0x0] =	vst.idx.add.f32.msk $0xffff, v1  }
0x39: {  	[tilespmem:v3+s12+$0x0] =	vst.idx.add.f32.msk $0xffff, v1  }
0x3a: {  	v2 =	vld [tilespmem:s16+$0x40]  }
0x3b: {  	v3 =	vld [tilespmem:s16+$0x27C0];
	_ =	sdelay $0x2  }
0x3c: {  	p0 =	sne.s32 s15, $0x9B00  }
.Ltmp1:
0x3d: {  	_ = 	snop;
	(pc) =	sbr.rel @p0 .LBB2_4-.Ltmp1, $3  }
0x3e: {  	_ =	sdelay $0x1  }
0x3f: {  	[tilespmem:v2+s11+$0x0] =	vst.idx.add.f32.msk $0xffff, v1  }
0x40: {  	s15 =	sadd.s32 $0x140, s15;
	[tilespmem:v3+s12+$0x0] =	vst.idx.add.f32.msk $0xffff, v1  }
0x41: {  	[hbm4b:s5+s2] =	stream.linear.scatter [tilespmem:s11], [sflag:$0x3], $0x2710, $0x38;
	[tilespmem:$0x9E00] =	vst v63  }
0x42: {  	s14 =	sadd.s32 $0x1, s14;
	_ =	swait.ge [sflag:s13], $0x2710  }
0x43: {  	p0 =	sne.s32 s14, s7;
	[sflag:s13] =	ssyncset.done $0x0  }
.Ltmp2:
0x44: {  	[sflag:s13] =	ssyncadd.s32 $0xFFFFD8F0;
	(pc) =	sbr.rel @p0 .LBB2_1-.Ltmp2, $4  }
0x45: {  	[hbm4b:s6+s2] =	stream.linear.scatter [tilespmem:s12], [sflag:$0x3], $0x2710, $0x38;
	[tilespmem:$0x9E00] =	vst v63  }
0x46: {  	_ =	swait.ge [sflag:s13], $0x2710  }
0x47: {  	[sflag:s13] =	ssyncset.done $0x0  }
0x48: {  	[sflag:s13] =	ssyncadd.s32 $0xFFFFD8F0  }
0x49: {  	_ =	sfence.sel $0x180000  }
0x4a: {  	[bflag:$0x0] =	sbarrier.arrive $0xFFFF  }
0x4b: {  	p0 =	sne.s32 s1, $0x0;
	_ =	strace $0x90000047  }
0x4c: {  	s0 =	sadd.s32 @!p0 $0x100000, s0;
	[bflag:$0x2] =	sbarrier.arrive $0xFFFF  }
0x4d: {  	[sflag:s0] =	ssyncadd.tile.s32 @!p0 $0x1;
	_ =	shalt  }
.Lfunc_end2:
_tile_overlayer_lowered:
.L_overlay_start_2:
0x4e: {  	(tag) =	ssettag $0x2  }
0x4f: {  	s0 =	rddreg [dreg:$0x0];
	s2 =	stileid.u32  }
0x50: {  	s1 =	rddreg [dreg:$0x1];
	p0 =	sne.s32 s2, $0x0  }
0x51: {  	s3 =	rddreg [dreg:$0x2];
	[bflag:$0x3] =	sbarrier.arrive $0xFFFF;
	s2 =	simm.s32 @!p0 $0x1C03  }
0x52: {  	[timem:s3], [sflag:s2] =	dma.local @!p0 [hbm:s0], s1  }
0x53: {  	s0 =	simm.s32 @!p0 $0x3  }
0x54: {  	_ =	swait.ge @!p0 [sflag:s0], s1  }
0x55: {  	s1 =	ssub.s32 @!p0 $0x0, s1;
	[sflag:s0] =	ssyncset.done @!p0 $0x0  }
0x56: {  	[sflag:s0] =	ssyncadd.s32 @!p0 s1  }
0x57: {  	[bflag:$0x3] =	sbarrier.arrive $0xFFFF  }
0x58: {  	_ =	shalt  }

</sc_bundles>
